<compile_context>
chip_gen: v7x
topology: tpu7x:2x2x1
jax: 0.10.2.dev20260603
libtpu: 0.0.44.dev20260713+nightly
codegen_flags: <defaults>
</compile_context>

<pallas_src>
import math

import jax
import jax.numpy as jnp
from jax import lax
from jax.experimental import pallas as pl
from jax.experimental.pallas import tpu as pltpu
from jax.experimental.pallas import tpu_sc as plsc

D_MODEL = 64
SCALE = math.sqrt(D_MODEL)

NC = 2
NS = 16
NW = NC * NS
LANES = 16

X_ROWS = 4096
X_COLS = 200
R_PER_W = X_ROWS // NW
ROWS_UNROLL = 8


def _body(idx_hbm, table_hbm, out_hbm, idx_v, raw0, raw1, raw2, raw3,
          scl0, scl1, gsem0, gsem1, gsem2, gsem3, osem0, osem1):
    c = lax.axis_index("c")
    s = lax.axis_index("s")
    wid = s * NC + c
    base = wid * R_PER_W
    raws = (raw0, raw1, raw2, raw3)
    scls = (scl0, scl1)
    gsems = (gsem0, gsem1, gsem2, gsem3)
    osems = (osem0, osem1)

    pltpu.sync_copy(idx_hbm.at[pl.ds(base, R_PER_W)], idx_v)

    def gather_args(g, b):
        return (table_hbm.at[idx_v.at[g]], raws[b], gsems[b])

    def out_args(g, b):
        return (
            scls[b],
            out_hbm.at[pl.ds((base + g) * X_COLS, X_COLS), pl.ds(0, D_MODEL)],
            osems[b],
        )

    def scale(b4, b2):
        raw = raws[b4]
        scl = scls[b2]

        def rowblk(r, carry):
            for rr in range(ROWS_UNROLL):
                row = r * ROWS_UNROLL + rr
                for d in range(D_MODEL // LANES):
                    sl = pl.ds(d * LANES, LANES)
                    scl[row, sl] = raw[row, sl] * SCALE
            return carry

        lax.fori_loop(0, X_COLS // ROWS_UNROLL, rowblk, 0, unroll=False)

    for j in range(4):
        pltpu.async_copy(*gather_args(j, j))

    def outer(o, carry):
        for b4 in range(4):
            g = o * 4 + b4
            b2 = b4 % 2
            pltpu.make_async_copy(*gather_args(g, b4)).wait()

            @pl.when(g >= 2)
            def _():
                pltpu.make_async_copy(*out_args(g - 2, b2)).wait()

            scale(b4, b2)

            @pl.when(o < (R_PER_W // 4) - 1)
            def _():
                pltpu.async_copy(*gather_args(g + 4, b4))

            pltpu.async_copy(*out_args(g, b2))
        return carry

    lax.fori_loop(0, R_PER_W // 4, outer, 0, unroll=False)

    for b in range(2):
        pltpu.make_async_copy(*out_args(R_PER_W - 2 + b, b)).wait()


@jax.jit
def kernel(x, table):
    idx = x.astype(jnp.int32)
    mesh = plsc.VectorSubcoreMesh(
        core_axis_name="c", subcore_axis_name="s", num_cores=NC, num_subcores=NS
    )
    out = pl.kernel(
        _body,
        out_type=jax.ShapeDtypeStruct((X_ROWS * X_COLS, 2 * D_MODEL), jnp.float32),
        mesh=mesh,
        scratch_types=[
            pltpu.VMEM((R_PER_W, X_COLS), jnp.int32),
            pltpu.VMEM((X_COLS, D_MODEL), jnp.float32),
            pltpu.VMEM((X_COLS, D_MODEL), jnp.float32),
            pltpu.VMEM((X_COLS, D_MODEL), jnp.float32),
            pltpu.VMEM((X_COLS, D_MODEL), jnp.float32),
            pltpu.VMEM((X_COLS, D_MODEL), jnp.float32),
            pltpu.VMEM((X_COLS, D_MODEL), jnp.float32),
            pltpu.SemaphoreType.DMA,
            pltpu.SemaphoreType.DMA,
            pltpu.SemaphoreType.DMA,
            pltpu.SemaphoreType.DMA,
            pltpu.SemaphoreType.DMA,
            pltpu.SemaphoreType.DMA,
        ],
        compiler_params=pltpu.CompilerParams(use_tc_tiling_on_sc=False),
    )(idx, table)
    return out[:, :D_MODEL].reshape(X_ROWS, X_COLS, D_MODEL)

# --- scband reference (transcript-rebuilt; emitter-appended) ---
"""Pipeline reference for scband-embeddings-21672404975993 (READ-ONLY COPY).

The authoritative reference and input builder live on the scoring server;
editing this copy changes nothing except your own understanding.
"""

import jax, jax.numpy as jnp
import numpy as np
import math

D_MODEL = 64
VOCAB = 1000000

def setup_inputs(seed: int = 0) -> dict:
    key = jax.random.key(seed)
    k_idx, k_tab = jax.random.split(key)
    x = jax.random.randint(k_idx, (4096, 200), 0, VOCAB, dtype=jnp.int64 if jax.config.jax_enable_x64 else jnp.int32)
    table = jax.random.normal(k_tab, (VOCAB, D_MODEL), dtype=jnp.float32)
    return {"x": x, "table": table}

def reference(x, table):
    # nn.Embedding lookup followed by scaling by sqrt(d_model)
    emb = jnp.take(table, x, axis=0)
    return emb * math.sqrt(D_MODEL)

if __name__ == "__main__":
    import jax
    _d = setup_inputs()
    print(jax.jit(kernel)(*tuple(_d.values())))

</pallas_src>

<mosaic_0001>
#map = affine_map<(d0, d1) -> (0, 0)>
module attributes {stable_mosaic.version = 14 : i64} {
  func.func @_body(%arg0: i32, %arg1: i32, %arg2: memref<4096x200xi32, #tpu.memory_space<hbm>>, %arg3: memref<1000000x64xf32, #tpu.memory_space<hbm>>, %arg4: memref<819200x128xf32, #tpu.memory_space<hbm>>, %arg5: memref<128x200xi32, #tpu.memory_space<vmem>>, %arg6: memref<200x64xf32, #tpu.memory_space<vmem>>, %arg7: memref<200x64xf32, #tpu.memory_space<vmem>>, %arg8: memref<200x64xf32, #tpu.memory_space<vmem>>, %arg9: memref<200x64xf32, #tpu.memory_space<vmem>>, %arg10: memref<200x64xf32, #tpu.memory_space<vmem>>, %arg11: memref<200x64xf32, #tpu.memory_space<vmem>>, %arg12: memref<!tpu.dma_semaphore, #tpu.memory_space<semaphore_mem>>, %arg13: memref<!tpu.dma_semaphore, #tpu.memory_space<semaphore_mem>>, %arg14: memref<!tpu.dma_semaphore, #tpu.memory_space<semaphore_mem>>, %arg15: memref<!tpu.dma_semaphore, #tpu.memory_space<semaphore_mem>>, %arg16: memref<!tpu.dma_semaphore, #tpu.memory_space<semaphore_mem>>, %arg17: memref<!tpu.dma_semaphore, #tpu.memory_space<semaphore_mem>>) attributes {dimension_semantics = [#tpu.dimension_semantics<core_parallel>, #tpu.dimension_semantics<subcore_parallel>], iteration_bounds = array<i64: 2, 16>, scalar_prefetch = 0 : i64, scratch_operands = 13 : i64, tpu.core_type = #tpu.core_type<sc_vector_subcore>, window_params = [{transform_indices = #map}, {transform_indices = #map}, {transform_indices = #map}]} {
    %mul3A = arith.constant 2 : i32
    %mul3A_0 = arith.muli %arg1, %mul3A : i32
    %add3A = arith.addi %mul3A_0, %arg0 : i32
    %mul3A_1 = arith.constant 128 : i32
    %mul3A_2 = arith.muli %add3A, %mul3A_1 : i32
    "tpu.region"() ({
      %run_scoped3A = tpu.sem_alloc : memref<!tpu.dma_semaphore, #tpu.memory_space<semaphore_mem>>
      %dma_start3A_50 = arith.constant 0 : i32
      %dma_start3A_51 = tpu.memref_slice %arg2[%mul3A_2, %dma_start3A_50] : memref<4096x200xi32, #tpu.memory_space<hbm>> -> memref<128x200xi32, #tpu.memory_space<hbm>>
      %dma_start3A_52 = arith.constant 0 : i32
      %dma_start3A_53 = tpu.memref_slice %arg2[%mul3A_2, %dma_start3A_52] : memref<4096x200xi32, #tpu.memory_space<hbm>> -> memref<128x200xi32, #tpu.memory_space<hbm>>
      tpu.enqueue_dma source(%dma_start3A_53 : memref<128x200xi32, #tpu.memory_space<hbm>>) target(%arg5 : memref<128x200xi32, #tpu.memory_space<vmem>>) target_semaphore(%run_scoped3A : memref<!tpu.dma_semaphore, #tpu.memory_space<semaphore_mem>>)
      %dma_wait3A_54 = arith.constant 0 : i32
      %dma_wait3A_55 = tpu.memref_slice %arg2[%mul3A_2, %dma_wait3A_54] : memref<4096x200xi32, #tpu.memory_space<hbm>> -> memref<128x200xi32, #tpu.memory_space<hbm>>
      %dma_wait3A_56 = arith.constant 0 : i32
      %dma_wait3A_57 = tpu.memref_slice %arg2[%mul3A_2, %dma_wait3A_56] : memref<4096x200xi32, #tpu.memory_space<hbm>> -> memref<128x200xi32, #tpu.memory_space<hbm>>
      tpu.wait_dma2 semaphore(%run_scoped3A : memref<!tpu.dma_semaphore, #tpu.memory_space<semaphore_mem>>) src(%dma_wait3A_57 : memref<128x200xi32, #tpu.memory_space<hbm>>) dst(%arg5 : memref<128x200xi32, #tpu.memory_space<vmem>>)
      tpu.yield
    }) : () -> ()
    %dma_start3A = arith.constant 0 : i32
    %dma_start3A_3 = arith.constant 0 : i32
    %dma_start3A_4 = tpu.memref_slice %arg5[%dma_start3A, %dma_start3A_3] : memref<128x200xi32, #tpu.memory_space<vmem>> -> memref<1x200xi32, #tpu.memory_space<vmem>>
    %dma_start3A_5 = tpu.memref_squeeze %dma_start3A_4 : memref<1x200xi32, #tpu.memory_space<vmem>> -> memref<200xi32, #tpu.memory_space<vmem>>
    %dma_start3A_6 = arith.constant 0 : i32
    %dma_start3A_7 = arith.constant 0 : i32
    %dma_start3A_8 = tpu.memref_slice %arg3[%dma_start3A_6, %dma_start3A_7] : memref<1000000x64xf32, #tpu.memory_space<hbm>> -> memref<1000000x64xf32, #tpu.memory_space<hbm>>
    tpu.enqueue_indirect_dma source(%dma_start3A_8 : memref<1000000x64xf32, #tpu.memory_space<hbm>>) target(%arg6 : memref<200x64xf32, #tpu.memory_space<vmem>>) offsets(%dma_start3A_5 : memref<200xi32, #tpu.memory_space<vmem>>) semaphore(%arg12 : memref<!tpu.dma_semaphore, #tpu.memory_space<semaphore_mem>>)
    %dma_start3A_9 = arith.constant 1 : i32
    %dma_start3A_10 = arith.constant 0 : i32
    %dma_start3A_11 = tpu.memref_slice %arg5[%dma_start3A_9, %dma_start3A_10] : memref<128x200xi32, #tpu.memory_space<vmem>> -> memref<1x200xi32, #tpu.memory_space<vmem>>
    %dma_start3A_12 = tpu.memref_squeeze %dma_start3A_11 : memref<1x200xi32, #tpu.memory_space<vmem>> -> memref<200xi32, #tpu.memory_space<vmem>>
    %dma_start3A_13 = arith.constant 0 : i32
    %dma_start3A_14 = arith.constant 0 : i32
    %dma_start3A_15 = tpu.memref_slice %arg3[%dma_start3A_13, %dma_start3A_14] : memref<1000000x64xf32, #tpu.memory_space<hbm>> -> memref<1000000x64xf32, #tpu.memory_space<hbm>>
    tpu.enqueue_indirect_dma source(%dma_start3A_15 : memref<1000000x64xf32, #tpu.memory_space<hbm>>) target(%arg7 : memref<200x64xf32, #tpu.memory_space<vmem>>) offsets(%dma_start3A_12 : memref<200xi32, #tpu.memory_space<vmem>>) semaphore(%arg13 : memref<!tpu.dma_semaphore, #tpu.memory_space<semaphore_mem>>)
    %dma_start3A_16 = arith.constant 2 : i32
    %dma_start3A_17 = arith.constant 0 : i32
    %dma_start3A_18 = tpu.memref_slice %arg5[%dma_start3A_16, %dma_start3A_17] : memref<128x200xi32, #tpu.memory_space<vmem>> -> memref<1x200xi32, #tpu.memory_space<vmem>>
    %dma_start3A_19 = tpu.memref_squeeze %dma_start3A_18 : memref<1x200xi32, #tpu.memory_space<vmem>> -> memref<200xi32, #tpu.memory_space<vmem>>
    %dma_start3A_20 = arith.constant 0 : i32
    %dma_start3A_21 = arith.constant 0 : i32
    %dma_start3A_22 = tpu.memref_slice %arg3[%dma_start3A_20, %dma_start3A_21] : memref<1000000x64xf32, #tpu.memory_space<hbm>> -> memref<1000000x64xf32, #tpu.memory_space<hbm>>
    tpu.enqueue_indirect_dma source(%dma_start3A_22 : memref<1000000x64xf32, #tpu.memory_space<hbm>>) target(%arg8 : memref<200x64xf32, #tpu.memory_space<vmem>>) offsets(%dma_start3A_19 : memref<200xi32, #tpu.memory_space<vmem>>) semaphore(%arg14 : memref<!tpu.dma_semaphore, #tpu.memory_space<semaphore_mem>>)
    %dma_start3A_23 = arith.constant 3 : i32
    %dma_start3A_24 = arith.constant 0 : i32
    %dma_start3A_25 = tpu.memref_slice %arg5[%dma_start3A_23, %dma_start3A_24] : memref<128x200xi32, #tpu.memory_space<vmem>> -> memref<1x200xi32, #tpu.memory_space<vmem>>
    %dma_start3A_26 = tpu.memref_squeeze %dma_start3A_25 : memref<1x200xi32, #tpu.memory_space<vmem>> -> memref<200xi32, #tpu.memory_space<vmem>>
    %dma_start3A_27 = arith.constant 0 : i32
    %dma_start3A_28 = arith.constant 0 : i32
    %dma_start3A_29 = tpu.memref_slice %arg3[%dma_start3A_27, %dma_start3A_28] : memref<1000000x64xf32, #tpu.memory_space<hbm>> -> memref<1000000x64xf32, #tpu.memory_space<hbm>>
    tpu.enqueue_indirect_dma source(%dma_start3A_29 : memref<1000000x64xf32, #tpu.memory_space<hbm>>) target(%arg9 : memref<200x64xf32, #tpu.memory_space<vmem>>) offsets(%dma_start3A_26 : memref<200xi32, #tpu.memory_space<vmem>>) semaphore(%arg15 : memref<!tpu.dma_semaphore, #tpu.memory_space<semaphore_mem>>)
    %scan3A = arith.constant 0 : i32
    %scan3A_30 = arith.constant 0 : i32
    %scan3A_31 = arith.constant 32 : i32
    %scan3A_32 = arith.addi %scan3A_30, %scan3A_31 : i32
    %scan3A_33 = arith.constant 1 : i32
    scf.for %scan3A_50 = %scan3A_30 to %scan3A_32 step %scan3A_33  : i32 {
      %mul3A_51 = arith.constant 4 : i32
      %mul3A_52 = arith.muli %scan3A_50, %mul3A_51 : i32
      %add3A_53 = arith.constant 0 : i32
      %add3A_54 = arith.addi %mul3A_52, %add3A_53 : i32
      %dma_wait3A_55 = arith.constant 0 : i32
      %dma_wait3A_56 = tpu.memref_slice %arg5[%add3A_54, %dma_wait3A_55] : memref<128x200xi32, #tpu.memory_space<vmem>> -> memref<1x200xi32, #tpu.memory_space<vmem>>
      %dma_wait3A_57 = tpu.memref_squeeze %dma_wait3A_56 : memref<1x200xi32, #tpu.memory_space<vmem>> -> memref<200xi32, #tpu.memory_space<vmem>>
      %dma_wait3A_58 = arith.constant 0 : i32
      %dma_wait3A_59 = arith.constant 0 : i32
      %dma_wait3A_60 = tpu.memref_slice %arg3[%dma_wait3A_58, %dma_wait3A_59] : memref<1000000x64xf32, #tpu.memory_space<hbm>> -> memref<1000000x64xf32, #tpu.memory_space<hbm>>
      tpu.wait_indirect_dma semaphore(%arg12 : memref<!tpu.dma_semaphore, #tpu.memory_space<semaphore_mem>>) src(%dma_wait3A_60 : memref<1000000x64xf32, #tpu.memory_space<hbm>>) dst(%arg6 : memref<200x64xf32, #tpu.memory_space<vmem>>)
      %ge3A = arith.constant 2 : i32
      %ge3A_61 = arith.cmpi sge, %add3A_54, %ge3A : i32
      %convert_element_type3A = arith.extui %ge3A_61 : i1 to i32
      %cond3A = arith.constant 0 : i32
      %cond3A_62 = arith.cmpi ne, %convert_element_type3A, %cond3A : i32
      scf.if %cond3A_62 {
        %sub3A = arith.constant 2 : i32
        %sub3A_179 = arith.subi %add3A_54, %sub3A : i32
        %add3A_180 = arith.addi %mul3A_2, %sub3A_179 : i32
        %mul3A_181 = arith.constant 200 : i32
        %mul3A_182 = arith.muli %add3A_180, %mul3A_181 : i32
        %dma_wait3A_183 = arith.constant 0 : i32
        %dma_wait3A_184 = tpu.memref_slice %arg4[%mul3A_182, %dma_wait3A_183] : memref<819200x128xf32, #tpu.memory_space<hbm>> -> memref<200x64xf32, #tpu.memory_space<hbm>>
        %dma_wait3A_185 = arith.constant 0 : i32
        %dma_wait3A_186 = tpu.memref_slice %arg4[%mul3A_182, %dma_wait3A_185] : memref<819200x128xf32, #tpu.memory_space<hbm>> -> memref<200x64xf32, #tpu.memory_space<hbm>>
        tpu.wait_dma2 semaphore(%arg16 : memref<!tpu.dma_semaphore, #tpu.memory_space<semaphore_mem>>) src(%arg10 : memref<200x64xf32, #tpu.memory_space<vmem>>) dst(%dma_wait3A_186 : memref<200x64xf32, #tpu.memory_space<hbm>>)
      } else {
      }
      %scan3A_63 = arith.constant 0 : i32
      %scan3A_64 = arith.constant 0 : i32
      %scan3A_65 = arith.constant 25 : i32
      %scan3A_66 = arith.addi %scan3A_64, %scan3A_65 : i32
      %scan3A_67 = arith.constant 1 : i32
      scf.for %scan3A_179 = %scan3A_64 to %scan3A_66 step %scan3A_67  : i32 {
        %mul3A_180 = arith.constant 8 : i32
        %mul3A_181 = arith.muli %scan3A_179, %mul3A_180 : i32
        %add3A_182 = arith.constant 0 : i32
        %add3A_183 = arith.addi %mul3A_181, %add3A_182 : i32
        %get3A = arith.index_cast %add3A_183 : i32 to index
        %get3A_184 = arith.constant 0 : index
        %get3A_185 = tpu.vector_load %arg6[%get3A, %get3A_184] {strides = array<i32>} : memref<200x64xf32, #tpu.memory_space<vmem>>, vector<1x16xf32>,
        %get3A_186 = vector.shape_cast %get3A_185 : vector<1x16xf32> to vector<16xf32>
        %mul3A_187 = arith.constant 8.000000e+00 : f32
        %mul3A_188 = vector.broadcast %mul3A_187 : f32 to vector<16xf32>
        %mul3A_189 = arith.mulf %get3A_186, %mul3A_188 : vector<16xf32>
        %swap3A = arith.index_cast %add3A_183 : i32 to index
        %swap3A_190 = arith.constant 0 : index
        %swap3A_191 = tpu.vector_load %arg10[%swap3A, %swap3A_190] {strides = array<i32>} : memref<200x64xf32, #tpu.memory_space<vmem>>, vector<1x16xf32>,
        %swap3A_192 = vector.shape_cast %swap3A_191 : vector<1x16xf32> to vector<16xf32>
        %swap3A_193 = vector.shape_cast %mul3A_189 : vector<16xf32> to vector<1x16xf32>
        tpu.vector_store %arg10[%swap3A, %swap3A_190], %swap3A_193 {strides = array<i32>} : memref<200x64xf32, #tpu.memory_space<vmem>>, vector<1x16xf32>,
        %get3A_194 = arith.index_cast %add3A_183 : i32 to index
        %get3A_195 = arith.constant 16 : index
        %get3A_196 = tpu.vector_load %arg6[%get3A_194, %get3A_195] {strides = array<i32>} : memref<200x64xf32, #tpu.memory_space<vmem>>, vector<1x16xf32>,
        %get3A_197 = vector.shape_cast %get3A_196 : vector<1x16xf32> to vector<16xf32>
        %mul3A_198 = arith.constant 8.000000e+00 : f32
        %mul3A_199 = vector.broadcast %mul3A_198 : f32 to vector<16xf32>
        %mul3A_200 = arith.mulf %get3A_197, %mul3A_199 : vector<16xf32>
        %swap3A_201 = arith.index_cast %add3A_183 : i32 to index
        %swap3A_202 = arith.constant 16 : index
        %swap3A_203 = tpu.vector_load %arg10[%swap3A_201, %swap3A_202] {strides = array<i32>} : memref<200x64xf32, #tpu.memory_space<vmem>>, vector<1x16xf32>,
        %swap3A_204 = vector.shape_cast %swap3A_203 : vector<1x16xf32> to vector<16xf32>
        %swap3A_205 = vector.shape_cast %mul3A_200 : vector<16xf32> to vector<1x16xf32>
        tpu.vector_store %arg10[%swap3A_201, %swap3A_202], %swap3A_205 {strides = array<i32>} : memref<200x64xf32, #tpu.memory_space<vmem>>, vector<1x16xf32>,
        %get3A_206 = arith.index_cast %add3A_183 : i32 to index
        %get3A_207 = arith.constant 32 : index
        %get3A_208 = tpu.vector_load %arg6[%get3A_206, %get3A_207] {strides = array<i32>} : memref<200x64xf32, #tpu.memory_space<vmem>>, vector<1x16xf32>,
        %get3A_209 = vector.shape_cast %get3A_208 : vector<1x16xf32> to vector<16xf32>
        %mul3A_210 = arith.constant 8.000000e+00 : f32
        %mul3A_211 = vector.broadcast %mul3A_210 : f32 to vector<16xf32>
        %mul3A_212 = arith.mulf %get3A_209, %mul3A_211 : vector<16xf32>
        %swap3A_213 = arith.index_cast %add3A_183 : i32 to index
        %swap3A_214 = arith.constant 32 : index
        %swap3A_215 = tpu.vector_load %arg10[%swap3A_213, %swap3A_214] {strides = array<i32>} : memref<200x64xf32, #tpu.memory_space<vmem>>, vector<1x16xf32>,
        %swap3A_216 = vector.shape_cast %swap3A_215 : vector<1x16xf32> to vector<16xf32>
        %swap3A_217 = vector.shape_cast %mul3A_212 : vector<16xf32> to vector<1x16xf32>
        tpu.vector_store %arg10[%swap3A_213, %swap3A_214], %swap3A_217 {strides = array<i32>} : memref<200x64xf32, #tpu.memory_space<vmem>>, vector<1x16xf32>,
        %get3A_218 = arith.index_cast %add3A_183 : i32 to index
        %get3A_219 = arith.constant 48 : index
        %get3A_220 = tpu.vector_load %arg6[%get3A_218, %get3A_219] {strides = array<i32>} : memref<200x64xf32, #tpu.memory_space<vmem>>, vector<1x16xf32>,
        %get3A_221 = vector.shape_cast %get3A_220 : vector<1x16xf32> to vector<16xf32>
        %mul3A_222 = arith.constant 8.000000e+00 : f32
        %mul3A_223 = vector.broadcast %mul3A_222 : f32 to vector<16xf32>
        %mul3A_224 = arith.mulf %get3A_221, %mul3A_223 : vector<16xf32>
        %swap3A_225 = arith.index_cast %add3A_183 : i32 to index
        %swap3A_226 = arith.constant 48 : index
        %swap3A_227 = tpu.vector_load %arg10[%swap3A_225, %swap3A_226] {strides = array<i32>} : memref<200x64xf32, #tpu.memory_space<vmem>>, vector<1x16xf32>,
        %swap3A_228 = vector.shape_cast %swap3A_227 : vector<1x16xf32> to vector<16xf32>
        %swap3A_229 = vector.shape_cast %mul3A_224 : vector<16xf32> to vector<1x16xf32>
        tpu.vector_store %arg10[%swap3A_225, %swap3A_226], %swap3A_229 {strides = array<i32>} : memref<200x64xf32, #tpu.memory_space<vmem>>, vector<1x16xf32>,
        %mul3A_230 = arith.constant 8 : i32
        %mul3A_231 = arith.muli %scan3A_179, %mul3A_230 : i32
        %add3A_232 = arith.constant 1 : i32
        %add3A_233 = arith.addi %mul3A_231, %add3A_232 : i32
        %get3A_234 = arith.index_cast %add3A_233 : i32 to index
        %get3A_235 = arith.constant 0 : index
        %get3A_236 = tpu.vector_load %arg6[%get3A_234, %get3A_235] {strides = array<i32>} : memref<200x64xf32, #tpu.memory_space<vmem>>, vector<1x16xf32>,
        %get3A_237 = vector.shape_cast %get3A_236 : vector<1x16xf32> to vector<16xf32>
        %mul3A_238 = arith.constant 8.000000e+00 : f32
        %mul3A_239 = vector.broadcast %mul3A_238 : f32 to vector<16xf32>
        %mul3A_240 = arith.mulf %get3A_237, %mul3A_239 : vector<16xf32>
        %swap3A_241 = arith.index_cast %add3A_233 : i32 to index
        %swap3A_242 = arith.constant 0 : index
        %swap3A_243 = tpu.vector_load %arg10[%swap3A_241, %swap3A_242] {strides = array<i32>} : memref<200x64xf32, #tpu.memory_space<vmem>>, vector<1x16xf32>,
        %swap3A_244 = vector.shape_cast %swap3A_243 : vector<1x16xf32> to vector<16xf32>
        %swap3A_245 = vector.shape_cast %mul3A_240 : vector<16xf32> to vector<1x16xf32>
        tpu.vector_store %arg10[%swap3A_241, %swap3A_242], %swap3A_245 {strides = array<i32>} : memref<200x64xf32, #tpu.memory_space<vmem>>, vector<1x16xf32>,
        %get3A_246 = arith.index_cast %add3A_233 : i32 to index
        %get3A_247 = arith.constant 16 : index
        %get3A_248 = tpu.vector_load %arg6[%get3A_246, %get3A_247] {strides = array<i32>} : memref<200x64xf32, #tpu.memory_space<vmem>>, vector<1x16xf32>,
        %get3A_249 = vector.shape_cast %get3A_248 : vector<1x16xf32> to vector<16xf32>
        %mul3A_250 = arith.constant 8.000000e+00 : f32
        %mul3A_251 = vector.broadcast %mul3A_250 : f32 to vector<16xf32>
        %mul3A_252 = arith.mulf %get3A_249, %mul3A_251 : vector<16xf32>
        %swap3A_253 = arith.index_cast %add3A_233 : i32 to index
        %swap3A_254 = arith.constant 16 : index
        %swap3A_255 = tpu.vector_load %arg10[%swap3A_253, %swap3A_254] {strides = array<i32>} : memref<200x64xf32, #tpu.memory_space<vmem>>, vector<1x16xf32>,
        %swap3A_256 = vector.shape_cast %swap3A_255 : vector<1x16xf32> to vector<16xf32>
        %swap3A_257 = vector.shape_cast %mul3A_252 : vector<16xf32> to vector<1x16xf32>
        tpu.vector_store %arg10[%swap3A_253, %swap3A_254], %swap3A_257 {strides = array<i32>} : memref<200x64xf32, #tpu.memory_space<vmem>>, vector<1x16xf32>,
        %get3A_258 = arith.index_cast %add3A_233 : i32 to index
        %get3A_259 = arith.constant 32 : index
        %get3A_260 = tpu.vector_load %arg6[%get3A_258, %get3A_259] {strides = array<i32>} : memref<200x64xf32, #tpu.memory_space<vmem>>, vector<1x16xf32>,
        %get3A_261 = vector.shape_cast %get3A_260 : vector<1x16xf32> to vector<16xf32>
        %mul3A_262 = arith.constant 8.000000e+00 : f32
        %mul3A_263 = vector.broadcast %mul3A_262 : f32 to vector<16xf32>
        %mul3A_264 = arith.mulf %get3A_261, %mul3A_263 : vector<16xf32>
        %swap3A_265 = arith.index_cast %add3A_233 : i32 to index
        %swap3A_266 = arith.constant 32 : index
        %swap3A_267 = tpu.vector_load %arg10[%swap3A_265, %swap3A_266] {strides = array<i32>} : memref<200x64xf32, #tpu.memory_space<vmem>>, vector<1x16xf32>,
        %swap3A_268 = vector.shape_cast %swap3A_267 : vector<1x16xf32> to vector<16xf32>
        %swap3A_269 = vector.shape_cast %mul3A_264 : vector<16xf32> to vector<1x16xf32>
        tpu.vector_store %arg10[%swap3A_265, %swap3A_266], %swap3A_269 {strides = array<i32>} : memref<200x64xf32, #tpu.memory_space<vmem>>, vector<1x16xf32>,
        %get3A_270 = arith.index_cast %add3A_233 : i32 to index
        %get3A_271 = arith.constant 48 : index
        %get3A_272 = tpu.vector_load %arg6[%get3A_270, %get3A_271] {strides = array<i32>} : memref<200x64xf32, #tpu.memory_space<vmem>>, vector<1x16xf32>,
        %get3A_273 = vector.shape_cast %get3A_272 : vector<1x16xf32> to vector<16xf32>
        %mul3A_274 = arith.constant 8.000000e+00 : f32
        %mul3A_275 = vector.broadcast %mul3A_274 : f32 to vector<16xf32>
        %mul3A_276 = arith.mulf %get3A_273, %mul3A_275 : vector<16xf32>
        %swap3A_277 = arith.index_cast %add3A_233 : i32 to index
        %swap3A_278 = arith.constant 48 : index
        %swap3A_279 = tpu.vector_load %arg10[%swap3A_277, %swap3A_278] {strides = array<i32>} : memref<200x64xf32, #tpu.memory_space<vmem>>, vector<1x16xf32>,
        %swap3A_280 = vector.shape_cast %swap3A_279 : vector<1x16xf32> to vector<16xf32>
        %swap3A_281 = vector.shape_cast %mul3A_276 : vector<16xf32> to vector<1x16xf32>
        tpu.vector_store %arg10[%swap3A_277, %swap3A_278], %swap3A_281 {strides = array<i32>} : memref<200x64xf32, #tpu.memory_space<vmem>>, vector<1x16xf32>,
        %mul3A_282 = arith.constant 8 : i32
        %mul3A_283 = arith.muli %scan3A_179, %mul3A_282 : i32
        %add3A_284 = arith.constant 2 : i32
        %add3A_285 = arith.addi %mul3A_283, %add3A_284 : i32
        %get3A_286 = arith.index_cast %add3A_285 : i32 to index
        %get3A_287 = arith.constant 0 : index
        %get3A_288 = tpu.vector_load %arg6[%get3A_286, %get3A_287] {strides = array<i32>} : memref<200x64xf32, #tpu.memory_space<vmem>>, vector<1x16xf32>,
        %get3A_289 = vector.shape_cast %get3A_288 : vector<1x16xf32> to vector<16xf32>
        %mul3A_290 = arith.constant 8.000000e+00 : f32
        %mul3A_291 = vector.broadcast %mul3A_290 : f32 to vector<16xf32>
        %mul3A_292 = arith.mulf %get3A_289, %mul3A_291 : vector<16xf32>
        %swap3A_293 = arith.index_cast %add3A_285 : i32 to index
        %swap3A_294 = arith.constant 0 : index
        %swap3A_295 = tpu.vector_load %arg10[%swap3A_293, %swap3A_294] {strides = array<i32>} : memref<200x64xf32, #tpu.memory_space<vmem>>, vector<1x16xf32>,
        %swap3A_296 = vector.shape_cast %swap3A_295 : vector<1x16xf32> to vector<16xf32>
        %swap3A_297 = vector.shape_cast %mul3A_292 : vector<16xf32> to vector<1x16xf32>
        tpu.vector_store %arg10[%swap3A_293, %swap3A_294], %swap3A_297 {strides = array<i32>} : memref<200x64xf32, #tpu.memory_space<vmem>>, vector<1x16xf32>,
        %get3A_298 = arith.index_cast %add3A_285 : i32 to index
        %get3A_299 = arith.constant 16 : index
        %get3A_300 = tpu.vector_load %arg6[%get3A_298, %get3A_299] {strides = array<i32>} : memref<200x64xf32, #tpu.memory_space<vmem>>, vector<1x16xf32>,
        %get3A_301 = vector.shape_cast %get3A_300 : vector<1x16xf32> to vector<16xf32>
        %mul3A_302 = arith.constant 8.000000e+00 : f32
        %mul3A_303 = vector.broadcast %mul3A_302 : f32 to vector<16xf32>
        %mul3A_304 = arith.mulf %get3A_301, %mul3A_303 : vector<16xf32>
        %swap3A_305 = arith.index_cast %add3A_285 : i32 to index
        %swap3A_306 = arith.constant 16 : index
        %swap3A_307 = tpu.vector_load %arg10[%swap3A_305, %swap3A_306] {strides = array<i32>} : memref<200x64xf32, #tpu.memory_space<vmem>>, vector<1x16xf32>,
        %swap3A_308 = vector.shape_cast %swap3A_307 : vector<1x16xf32> to vector<16xf32>
        %swap3A_309 = vector.shape_cast %mul3A_304 : vector<16xf32> to vector<1x16xf32>
        tpu.vector_store %arg10[%swap3A_305, %swap3A_306], %swap3A_309 {strides = array<i32>} : memref<200x64xf32, #tpu.memory_space<vmem>>, vector<1x16xf32>,
        %get3A_310 = arith.index_cast %add3A_285 : i32 to index
        %get3A_311 = arith.constant 32 : index
        %get3A_312 = tpu.vector_load %arg6[%get3A_310, %get3A_311] {strides = array<i32>} : memref<200x64xf32, #tpu.memory_space<vmem>>, vector<1x16xf32>,
        %get3A_313 = vector.shape_cast %get3A_312 : vector<1x16xf32> to vector<16xf32>
        %mul3A_314 = arith.constant 8.000000e+00 : f32
        %mul3A_315 = vector.broadcast %mul3A_314 : f32 to vector<16xf32>
        %mul3A_316 = arith.mulf %get3A_313, %mul3A_315 : vector<16xf32>
        %swap3A_317 = arith.index_cast %add3A_285 : i32 to index
        %swap3A_318 = arith.constant 32 : index
        %swap3A_319 = tpu.vector_load %arg10[%swap3A_317, %swap3A_318] {strides = array<i32>} : memref<200x64xf32, #tpu.memory_space<vmem>>, vector<1x16xf32>,
        %swap3A_320 = vector.shape_cast %swap3A_319 : vector<1x16xf32> to vector<16xf32>
        %swap3A_321 = vector.shape_cast %mul3A_316 : vector<16xf32> to vector<1x16xf32>
        tpu.vector_store %arg10[%swap3A_317, %swap3A_318], %swap3A_321 {strides = array<i32>} : memref<200x64xf32, #tpu.memory_space<vmem>>, vector<1x16xf32>,
        %get3A_322 = arith.index_cast %add3A_285 : i32 to index
        %get3A_323 = arith.constant 48 : index
        %get3A_324 = tpu.vector_load %arg6[%get3A_322, %get3A_323] {strides = array<i32>} : memref<200x64xf32, #tpu.memory_space<vmem>>, vector<1x16xf32>,
        %get3A_325 = vector.shape_cast %get3A_324 : vector<1x16xf32> to vector<16xf32>
        %mul3A_326 = arith.constant 8.000000e+00 : f32
        %mul3A_327 = vector.broadcast %mul3A_326 : f32 to vector<16xf32>
        %mul3A_328 = arith.mulf %get3A_325, %mul3A_327 : vector<16xf32>
        %swap3A_329 = arith.index_cast %add3A_285 : i32 to index
        %swap3A_330 = arith.constant 48 : index
        %swap3A_331 = tpu.vector_load %arg10[%swap3A_329, %swap3A_330] {strides = array<i32>} : memref<200x64xf32, #tpu.memory_space<vmem>>, vector<1x16xf32>,
        %swap3A_332 = vector.shape_cast %swap3A_331 : vector<1x16xf32> to vector<16xf32>
        %swap3A_333 = vector.shape_cast %mul3A_328 : vector<16xf32> to vector<1x16xf32>
        tpu.vector_store %arg10[%swap3A_329, %swap3A_330], %swap3A_333 {strides = array<i32>} : memref<200x64xf32, #tpu.memory_space<vmem>>, vector<1x16xf32>,
        %mul3A_334 = arith.constant 8 : i32
        %mul3A_335 = arith.muli %scan3A_179, %mul3A_334 : i32
        %add3A_336 = arith.constant 3 : i32
        %add3A_337 = arith.addi %mul3A_335, %add3A_336 : i32
        %get3A_338 = arith.index_cast %add3A_337 : i32 to index
        %get3A_339 = arith.constant 0 : index
        %get3A_340 = tpu.vector_load %arg6[%get3A_338, %get3A_339] {strides = array<i32>} : memref<200x64xf32, #tpu.memory_space<vmem>>, vector<1x16xf32>,
        %get3A_341 = vector.shape_cast %get3A_340 : vector<1x16xf32> to vector<16xf32>
        %mul3A_342 = arith.constant 8.000000e+00 : f32
        %mul3A_343 = vector.broadcast %mul3A_342 : f32 to vector<16xf32>
        %mul3A_344 = arith.mulf %get3A_341, %mul3A_343 : vector<16xf32>
        %swap3A_345 = arith.index_cast %add3A_337 : i32 to index
        %swap3A_346 = arith.constant 0 : index
        %swap3A_347 = tpu.vector_load %arg10[%swap3A_345, %swap3A_346] {strides = array<i32>} : memref<200x64xf32, #tpu.memory_space<vmem>>, vector<1x16xf32>,
        %swap3A_348 = vector.shape_cast %swap3A_347 : vector<1x16xf32> to vector<16xf32>
        %swap3A_349 = vector.shape_cast %mul3A_344 : vector<16xf32> to vector<1x16xf32>
        tpu.vector_store %arg10[%swap3A_345, %swap3A_346], %swap3A_349 {strides = array<i32>} : memref<200x64xf32, #tpu.memory_space<vmem>>, vector<1x16xf32>,
        %get3A_350 = arith.index_cast %add3A_337 : i32 to index
        %get3A_351 = arith.constant 16 : index
        %get3A_352 = tpu.vector_load %arg6[%get3A_350, %get3A_351] {strides = array<i32>} : memref<200x64xf32, #tpu.memory_space<vmem>>, vector<1x16xf32>,
        %get3A_353 = vector.shape_cast %get3A_352 : vector<1x16xf32> to vector<16xf32>
        %mul3A_354 = arith.constant 8.000000e+00 : f32
        %mul3A_355 = vector.broadcast %mul3A_354 : f32 to vector<16xf32>
        %mul3A_356 = arith.mulf %get3A_353, %mul3A_355 : vector<16xf32>
        %swap3A_357 = arith.index_cast %add3A_337 : i32 to index
        %swap3A_358 = arith.constant 16 : index
        %swap3A_359 = tpu.vector_load %arg10[%swap3A_357, %swap3A_358] {strides = array<i32>} : memref<200x64xf32, #tpu.memory_space<vmem>>, vector<1x16xf32>,
        %swap3A_360 = vector.shape_cast %swap3A_359 : vector<1x16xf32> to vector<16xf32>
        %swap3A_361 = vector.shape_cast %mul3A_356 : vector<16xf32> to vector<1x16xf32>
        tpu.vector_store %arg10[%swap3A_357, %swap3A_358], %swap3A_361 {strides = array<i32>} : memref<200x64xf32, #tpu.memory_space<vmem>>, vector<1x16xf32>,
        %get3A_362 = arith.index_cast %add3A_337 : i32 to index
        %get3A_363 = arith.constant 32 : index
        %get3A_364 = tpu.vector_load %arg6[%get3A_362, %get3A_363] {strides = array<i32>} : memref<200x64xf32, #tpu.memory_space<vmem>>, vector<1x16xf32>,
        %get3A_365 = vector.shape_cast %get3A_364 : vector<1x16xf32> to vector<16xf32>
        %mul3A_366 = arith.constant 8.000000e+00 : f32
        %mul3A_367 = vector.broadcast %mul3A_366 : f32 to vector<16xf32>
        %mul3A_368 = arith.mulf %get3A_365, %mul3A_367 : vector<16xf32>
        %swap3A_369 = arith.index_cast %add3A_337 : i32 to index
        %swap3A_370 = arith.constant 32 : index
        %swap3A_371 = tpu.vector_load %arg10[%swap3A_369, %swap3A_370] {strides = array<i32>} : memref<200x64xf32, #tpu.memory_space<vmem>>, vector<1x16xf32>,
        %swap3A_372 = vector.shape_cast %swap3A_371 : vector<1x16xf32> to vector<16xf32>
        %swap3A_373 = vector.shape_cast %mul3A_368 : vector<16xf32> to vector<1x16xf32>
        tpu.vector_store %arg10[%swap3A_369, %swap3A_370], %swap3A_373 {strides = array<i32>} : memref<200x64xf32, #tpu.memory_space<vmem>>, vector<1x16xf32>,
        %get3A_374 = arith.index_cast %add3A_337 : i32 to index
        %get3A_375 = arith.constant 48 : index
        %get3A_376 = tpu.vector_load %arg6[%get3A_374, %get3A_375] {strides = array<i32>} : memref<200x64xf32, #tpu.memory_space<vmem>>, vector<1x16xf32>,
        %get3A_377 = vector.shape_cast %get3A_376 : vector<1x16xf32> to vector<16xf32>
        %mul3A_378 = arith.constant 8.000000e+00 : f32
        %mul3A_379 = vector.broadcast %mul3A_378 : f32 to vector<16xf32>
        %mul3A_380 = arith.mulf %get3A_377, %mul3A_379 : vector<16xf32>
        %swap3A_381 = arith.index_cast %add3A_337 : i32 to index
        %swap3A_382 = arith.constant 48 : index
        %swap3A_383 = tpu.vector_load %arg10[%swap3A_381, %swap3A_382] {strides = array<i32>} : memref<200x64xf32, #tpu.memory_space<vmem>>, vector<1x16xf32>,
        %swap3A_384 = vector.shape_cast %swap3A_383 : vector<1x16xf32> to vector<16xf32>
        %swap3A_385 = vector.shape_cast %mul3A_380 : vector<16xf32> to vector<1x16xf32>
        tpu.vector_store %arg10[%swap3A_381, %swap3A_382], %swap3A_385 {strides = array<i32>} : memref<200x64xf32, #tpu.memory_space<vmem>>, vector<1x16xf32>,
        %mul3A_386 = arith.constant 8 : i32
        %mul3A_387 = arith.muli %scan3A_179, %mul3A_386 : i32
        %add3A_388 = arith.constant 4 : i32
        %add3A_389 = arith.addi %mul3A_387, %add3A_388 : i32
        %get3A_390 = arith.index_cast %add3A_389 : i32 to index
        %get3A_391 = arith.constant 0 : index
        %get3A_392 = tpu.vector_load %arg6[%get3A_390, %get3A_391] {strides = array<i32>} : memref<200x64xf32, #tpu.memory_space<vmem>>, vector<1x16xf32>,
        %get3A_393 = vector.shape_cast %get3A_392 : vector<1x16xf32> to vector<16xf32>
        %mul3A_394 = arith.constant 8.000000e+00 : f32
        %mul3A_395 = vector.broadcast %mul3A_394 : f32 to vector<16xf32>
        %mul3A_396 = arith.mulf %get3A_393, %mul3A_395 : vector<16xf32>
        %swap3A_397 = arith.index_cast %add3A_389 : i32 to index
        %swap3A_398 = arith.constant 0 : index
        %swap3A_399 = tpu.vector_load %arg10[%swap3A_397, %swap3A_398] {strides = array<i32>} : memref<200x64xf32, #tpu.memory_space<vmem>>, vector<1x16xf32>,
        %swap3A_400 = vector.shape_cast %swap3A_399 : vector<1x16xf32> to vector<16xf32>
        %swap3A_401 = vector.shape_cast %mul3A_396 : vector<16xf32> to vector<1x16xf32>
        tpu.vector_store %arg10[%swap3A_397, %swap3A_398], %swap3A_401 {strides = array<i32>} : memref<200x64xf32, #tpu.memory_space<vmem>>, vector<1x16xf32>,
        %get3A_402 = arith.index_cast %add3A_389 : i32 to index
        %get3A_403 = arith.constant 16 : index
        %get3A_404 = tpu.vector_load %arg6[%get3A_402, %get3A_403] {strides = array<i32>} : memref<200x64xf32, #tpu.memory_space<vmem>>, vector<1x16xf32>,
        %get3A_405 = vector.shape_cast %get3A_404 : vector<1x16xf32> to vector<16xf32>
        %mul3A_406 = arith.constant 8.000000e+00 : f32
        %mul3A_407 = vector.broadcast %mul3A_406 : f32 to vector<16xf32>
        %mul3A_408 = arith.mulf %get3A_405, %mul3A_407 : vector<16xf32>
        %swap3A_409 = arith.index_cast %add3A_389 : i32 to index
        %swap3A_410 = arith.constant 16 : index
        %swap3A_411 = tpu.vector_load %arg10[%swap3A_409, %swap3A_410] {strides = array<i32>} : memref<200x64xf32, #tpu.memory_space<vmem>>, vector<1x16xf32>,
        %swap3A_412 = vector.shape_cast %swap3A_411 : vector<1x16xf32> to vector<16xf32>
        %swap3A_413 = vector.shape_cast %mul3A_408 : vector<16xf32> to vector<1x16xf32>
        tpu.vector_store %arg10[%swap3A_409, %swap3A_410], %swap3A_413 {strides = array<i32>} : memref<200x64xf32, #tpu.memory_space<vmem>>, vector<1x16xf32>,
        %get3A_414 = arith.index_cast %add3A_389 : i32 to index
        %get3A_415 = arith.constant 32 : index
        %get3A_416 = tpu.vector_load %arg6[%get3A_414, %get3A_415] {strides = array<i32>} : memref<200x64xf32, #tpu.memory_space<vmem>>, vector<1x16xf32>,
        %get3A_417 = vector.shape_cast %get3A_416 : vector<1x16xf32> to vector<16xf32>
        %mul3A_418 = arith.constant 8.000000e+00 : f32
        %mul3A_419 = vector.broadcast %mul3A_418 : f32 to vector<16xf32>
        %mul3A_420 = arith.mulf %get3A_417, %mul3A_419 : vector<16xf32>
        %swap3A_421 = arith.index_cast %add3A_389 : i32 to index
        %swap3A_422 = arith.constant 32 : index
        %swap3A_423 = tpu.vector_load %arg10[%swap3A_421, %swap3A_422] {strides = array<i32>} : memref<200x64xf32, #tpu.memory_space<vmem>>, vector<1x16xf32>,
        %swap3A_424 = vector.shape_cast %swap3A_423 : vector<1x16xf32> to vector<16xf32>
        %swap3A_425 = vector.shape_cast %mul3A_420 : vector<16xf32> to vector<1x16xf32>
        tpu.vector_store %arg10[%swap3A_421, %swap3A_422], %swap3A_425 {strides = array<i32>} : memref<200x64xf32, #tpu.memory_space<vmem>>, vector<1x16xf32>,
        %get3A_426 = arith.index_cast %add3A_389 : i32 to index
        %get3A_427 = arith.constant 48 : index
        %get3A_428 = tpu.vector_load %arg6[%get3A_426, %get3A_427] {strides = array<i32>} : memref<200x64xf32, #tpu.memory_space<vmem>>, vector<1x16xf32>,
        %get3A_429 = vector.shape_cast %get3A_428 : vector<1x16xf32> to vector<16xf32>
        %mul3A_430 = arith.constant 8.000000e+00 : f32
        %mul3A_431 = vector.broadcast %mul3A_430 : f32 to vector<16xf32>
        %mul3A_432 = arith.mulf %get3A_429, %mul3A_431 : vector<16xf32>
        %swap3A_433 = arith.index_cast %add3A_389 : i32 to index
        %swap3A_434 = arith.constant 48 : index
        %swap3A_435 = tpu.vector_load %arg10[%swap3A_433, %swap3A_434] {strides = array<i32>} : memref<200x64xf32, #tpu.memory_space<vmem>>, vector<1x16xf32>,
        %swap3A_436 = vector.shape_cast %swap3A_435 : vector<1x16xf32> to vector<16xf32>
        %swap3A_437 = vector.shape_cast %mul3A_432 : vector<16xf32> to vector<1x16xf32>
        tpu.vector_store %arg10[%swap3A_433, %swap3A_434], %swap3A_437 {strides = array<i32>} : memref<200x64xf32, #tpu.memory_space<vmem>>, vector<1x16xf32>,
        %mul3A_438 = arith.constant 8 : i32
        %mul3A_439 = arith.muli %scan3A_179, %mul3A_438 : i32
        %add3A_440 = arith.constant 5 : i32
        %add3A_441 = arith.addi %mul3A_439, %add3A_440 : i32
        %get3A_442 = arith.index_cast %add3A_441 : i32 to index
        %get3A_443 = arith.constant 0 : index
        %get3A_444 = tpu.vector_load %arg6[%get3A_442, %get3A_443] {strides = array<i32>} : memref<200x64xf32, #tpu.memory_space<vmem>>, vector<1x16xf32>,
        %get3A_445 = vector.shape_cast %get3A_444 : vector<1x16xf32> to vector<16xf32>
        %mul3A_446 = arith.constant 8.000000e+00 : f32
        %mul3A_447 = vector.broadcast %mul3A_446 : f32 to vector<16xf32>
        %mul3A_448 = arith.mulf %get3A_445, %mul3A_447 : vector<16xf32>
        %swap3A_449 = arith.index_cast %add3A_441 : i32 to index
        %swap3A_450 = arith.constant 0 : index
        %swap3A_451 = tpu.vector_load %arg10[%swap3A_449, %swap3A_450] {strides = array<i32>} : memref<200x64xf32, #tpu.memory_space<vmem>>, vector<1x16xf32>,
        %swap3A_452 = vector.shape_cast %swap3A_451 : vector<1x16xf32> to vector<16xf32>
        %swap3A_453 = vector.shape_cast %mul3A_448 : vector<16xf32> to vector<1x16xf32>
        tpu.vector_store %arg10[%swap3A_449, %swap3A_450], %swap3A_453 {strides = array<i32>} : memref<200x64xf32, #tpu.memory_space<vmem>>, vector<1x16xf32>,
        %get3A_454 = arith.index_cast %add3A_441 : i32 to index
        %get3A_455 = arith.constant 16 : index
        %get3A_456 = tpu.vector_load %arg6[%get3A_454, %get3A_455] {strides = array<i32>} : memref<200x64xf32, #tpu.memory_space<vmem>>, vector<1x16xf32>,
        %get3A_457 = vector.shape_cast %get3A_456 : vector<1x16xf32> to vector<16xf32>
        %mul3A_458 = arith.constant 8.000000e+00 : f32
        %mul3A_459 = vector.broadcast %mul3A_458 : f32 to vector<16xf32>
        %mul3A_460 = arith.mulf %get3A_457, %mul3A_459 : vector<16xf32>
        %swap3A_461 = arith.index_cast %add3A_441 : i32 to index
        %swap3A_462 = arith.constant 16 : index
        %swap3A_463 = tpu.vector_load %arg10[%swap3A_461, %swap3A_462] {strides = array<i32>} : memref<200x64xf32, #tpu.memory_space<vmem>>, vector<1x16xf32>,
        %swap3A_464 = vector.shape_cast %swap3A_463 : vector<1x16xf32> to vector<16xf32>
        %swap3A_465 = vector.shape_cast %mul3A_460 : vector<16xf32> to vector<1x16xf32>
        tpu.vector_store %arg10[%swap3A_461, %swap3A_462], %swap3A_465 {strides = array<i32>} : memref<200x64xf32, #tpu.memory_space<vmem>>, vector<1x16xf32>,
        %get3A_466 = arith.index_cast %add3A_441 : i32 to index
        %get3A_467 = arith.constant 32 : index
        %get3A_468 = tpu.vector_load %arg6[%get3A_466, %get3A_467] {strides = array<i32>} : memref<200x64xf32, #tpu.memory_space<vmem>>, vector<1x16xf32>,
        %get3A_469 = vector.shape_cast %get3A_468 : vector<1x16xf32> to vector<16xf32>
        %mul3A_470 = arith.constant 8.000000e+00 : f32
        %mul3A_471 = vector.broadcast %mul3A_470 : f32 to vector<16xf32>
        %mul3A_472 = arith.mulf %get3A_469, %mul3A_471 : vector<16xf32>
        %swap3A_473 = arith.index_cast %add3A_441 : i32 to index
        %swap3A_474 = arith.constant 32 : index
        %swap3A_475 = tpu.vector_load %arg10[%swap3A_473, %swap3A_474] {strides = array<i32>} : memref<200x64xf32, #tpu.memory_space<vmem>>, vector<1x16xf32>,
        %swap3A_476 = vector.shape_cast %swap3A_475 : vector<1x16xf32> to vector<16xf32>
        %swap3A_477 = vector.shape_cast %mul3A_472 : vector<16xf32> to vector<1x16xf32>
        tpu.vector_store %arg10[%swap3A_473, %swap3A_474], %swap3A_477 {strides = array<i32>} : memref<200x64xf32, #tpu.memory_space<vmem>>, vector<1x16xf32>,
        %get3A_478 = arith.index_cast %add3A_441 : i32 to index
        %get3A_479 = arith.constant 48 : index
        %get3A_480 = tpu.vector_load %arg6[%get3A_478, %get3A_479] {strides = array<i32>} : memref<200x64xf32, #tpu.memory_space<vmem>>, vector<1x16xf32>,
        %get3A_481 = vector.shape_cast %get3A_480 : vector<1x16xf32> to vector<16xf32>
        %mul3A_482 = arith.constant 8.000000e+00 : f32
        %mul3A_483 = vector.broadcast %mul3A_482 : f32 to vector<16xf32>
        %mul3A_484 = arith.mulf %get3A_481, %mul3A_483 : vector<16xf32>
        %swap3A_485 = arith.index_cast %add3A_441 : i32 to index
        %swap3A_486 = arith.constant 48 : index
        %swap3A_487 = tpu.vector_load %arg10[%swap3A_485, %swap3A_486] {strides = array<i32>} : memref<200x64xf32, #tpu.memory_space<vmem>>, vector<1x16xf32>,
        %swap3A_488 = vector.shape_cast %swap3A_487 : vector<1x16xf32> to vector<16xf32>
        %swap3A_489 = vector.shape_cast %mul3A_484 : vector<16xf32> to vector<1x16xf32>
        tpu.vector_store %arg10[%swap3A_485, %swap3A_486], %swap3A_489 {strides = array<i32>} : memref<200x64xf32, #tpu.memory_space<vmem>>, vector<1x16xf32>,
        %mul3A_490 = arith.constant 8 : i32
        %mul3A_491 = arith.muli %scan3A_179, %mul3A_490 : i32
        %add3A_492 = arith.constant 6 : i32
        %add3A_493 = arith.addi %mul3A_491, %add3A_492 : i32
        %get3A_494 = arith.index_cast %add3A_493 : i32 to index
        %get3A_495 = arith.constant 0 : index
        %get3A_496 = tpu.vector_load %arg6[%get3A_494, %get3A_495] {strides = array<i32>} : memref<200x64xf32, #tpu.memory_space<vmem>>, vector<1x16xf32>,
        %get3A_497 = vector.shape_cast %get3A_496 : vector<1x16xf32> to vector<16xf32>
        %mul3A_498 = arith.constant 8.000000e+00 : f32
        %mul3A_499 = vector.broadcast %mul3A_498 : f32 to vector<16xf32>
        %mul3A_500 = arith.mulf %get3A_497, %mul3A_499 : vector<16xf32>
        %swap3A_501 = arith.index_cast %add3A_493 : i32 to index
        %swap3A_502 = arith.constant 0 : index
        %swap3A_503 = tpu.vector_load %arg10[%swap3A_501, %swap3A_502] {strides = array<i32>} : memref<200x64xf32, #tpu.memory_space<vmem>>, vector<1x16xf32>,
        %swap3A_504 = vector.shape_cast %swap3A_503 : vector<1x16xf32> to vector<16xf32>
        %swap3A_505 = vector.shape_cast %mul3A_500 : vector<16xf32> to vector<1x16xf32>
        tpu.vector_store %arg10[%swap3A_501, %swap3A_502], %swap3A_505 {strides = array<i32>} : memref<200x64xf32, #tpu.memory_space<vmem>>, vector<1x16xf32>,
        %get3A_506 = arith.index_cast %add3A_493 : i32 to index
        %get3A_507 = arith.constant 16 : index
        %get3A_508 = tpu.vector_load %arg6[%get3A_506, %get3A_507] {strides = array<i32>} : memref<200x64xf32, #tpu.memory_space<vmem>>, vector<1x16xf32>,
        %get3A_509 = vector.shape_cast %get3A_508 : vector<1x16xf32> to vector<16xf32>
        %mul3A_510 = arith.constant 8.000000e+00 : f32
        %mul3A_511 = vector.broadcast %mul3A_510 : f32 to vector<16xf32>
        %mul3A_512 = arith.mulf %get3A_509, %mul3A_511 : vector<16xf32>
        %swap3A_513 = arith.index_cast %add3A_493 : i32 to index
        %swap3A_514 = arith.constant 16 : index
        %swap3A_515 = tpu.vector_load %arg10[%swap3A_513, %swap3A_514] {strides = array<i32>} : memref<200x64xf32, #tpu.memory_space<vmem>>, vector<1x16xf32>,
        %swap3A_516 = vector.shape_cast %swap3A_515 : vector<1x16xf32> to vector<16xf32>
        %swap3A_517 = vector.shape_cast %mul3A_512 : vector<16xf32> to vector<1x16xf32>
        tpu.vector_store %arg10[%swap3A_513, %swap3A_514], %swap3A_517 {strides = array<i32>} : memref<200x64xf32, #tpu.memory_space<vmem>>, vector<1x16xf32>,
        %get3A_518 = arith.index_cast %add3A_493 : i32 to index
        %get3A_519 = arith.constant 32 : index
        %get3A_520 = tpu.vector_load %arg6[%get3A_518, %get3A_519] {strides = array<i32>} : memref<200x64xf32, #tpu.memory_space<vmem>>, vector<1x16xf32>,
        %get3A_521 = vector.shape_cast %get3A_520 : vector<1x16xf32> to vector<16xf32>
        %mul3A_522 = arith.constant 8.000000e+00 : f32
        %mul3A_523 = vector.broadcast %mul3A_522 : f32 to vector<16xf32>
        %mul3A_524 = arith.mulf %get3A_521, %mul3A_523 : vector<16xf32>
        %swap3A_525 = arith.index_cast %add3A_493 : i32 to index
        %swap3A_526 = arith.constant 32 : index
        %swap3A_527 = tpu.vector_load %arg10[%swap3A_525, %swap3A_526] {strides = array<i32>} : memref<200x64xf32, #tpu.memory_space<vmem>>, vector<1x16xf32>,
        %swap3A_528 = vector.shape_cast %swap3A_527 : vector<1x16xf32> to vector<16xf32>
        %swap3A_529 = vector.shape_cast %mul3A_524 : vector<16xf32> to vector<1x16xf32>
        tpu.vector_store %arg10[%swap3A_525, %swap3A_526], %swap3A_529 {strides = array<i32>} : memref<200x64xf32, #tpu.memory_space<vmem>>, vector<1x16xf32>,
        %get3A_530 = arith.index_cast %add3A_493 : i32 to index
        %get3A_531 = arith.constant 48 : index
        %get3A_532 = tpu.vector_load %arg6[%get3A_530, %get3A_531] {strides = array<i32>} : memref<200x64xf32, #tpu.memory_space<vmem>>, vector<1x16xf32>,
        %get3A_533 = vector.shape_cast %get3A_532 : vector<1x16xf32> to vector<16xf32>
        %mul3A_534 = arith.constant 8.000000e+00 : f32
        %mul3A_535 = vector.broadcast %mul3A_534 : f32 to vector<16xf32>
        %mul3A_536 = arith.mulf %get3A_533, %mul3A_535 : vector<16xf32>
        %swap3A_537 = arith.index_cast %add3A_493 : i32 to index
        %swap3A_538 = arith.constant 48 : index
        %swap3A_539 = tpu.vector_load %arg10[%swap3A_537, %swap3A_538] {strides = array<i32>} : memref<200x64xf32, #tpu.memory_space<vmem>>, vector<1x16xf32>,
        %swap3A_540 = vector.shape_cast %swap3A_539 : vector<1x16xf32> to vector<16xf32>
        %swap3A_541 = vector.shape_cast %mul3A_536 : vector<16xf32> to vector<1x16xf32>
        tpu.vector_store %arg10[%swap3A_537, %swap3A_538], %swap3A_541 {strides = array<i32>} : memref<200x64xf32, #tpu.memory_space<vmem>>, vector<1x16xf32>,
        %mul3A_542 = arith.constant 8 : i32
        %mul3A_543 = arith.muli %scan3A_179, %mul3A_542 : i32
        %add3A_544 = arith.constant 7 : i32
        %add3A_545 = arith.addi %mul3A_543, %add3A_544 : i32
        %get3A_546 = arith.index_cast %add3A_545 : i32 to index
        %get3A_547 = arith.constant 0 : index
        %get3A_548 = tpu.vector_load %arg6[%get3A_546, %get3A_547] {strides = array<i32>} : memref<200x64xf32, #tpu.memory_space<vmem>>, vector<1x16xf32>,
        %get3A_549 = vector.shape_cast %get3A_548 : vector<1x16xf32> to vector<16xf32>
        %mul3A_550 = arith.constant 8.000000e+00 : f32
        %mul3A_551 = vector.broadcast %mul3A_550 : f32 to vector<16xf32>
        %mul3A_552 = arith.mulf %get3A_549, %mul3A_551 : vector<16xf32>
        %swap3A_553 = arith.index_cast %add3A_545 : i32 to index
        %swap3A_554 = arith.constant 0 : index
        %swap3A_555 = tpu.vector_load %arg10[%swap3A_553, %swap3A_554] {strides = array<i32>} : memref<200x64xf32, #tpu.memory_space<vmem>>, vector<1x16xf32>,
        %swap3A_556 = vector.shape_cast %swap3A_555 : vector<1x16xf32> to vector<16xf32>
        %swap3A_557 = vector.shape_cast %mul3A_552 : vector<16xf32> to vector<1x16xf32>
        tpu.vector_store %arg10[%swap3A_553, %swap3A_554], %swap3A_557 {strides = array<i32>} : memref<200x64xf32, #tpu.memory_space<vmem>>, vector<1x16xf32>,
        %get3A_558 = arith.index_cast %add3A_545 : i32 to index
        %get3A_559 = arith.constant 16 : index
        %get3A_560 = tpu.vector_load %arg6[%get3A_558, %get3A_559] {strides = array<i32>} : memref<200x64xf32, #tpu.memory_space<vmem>>, vector<1x16xf32>,
        %get3A_561 = vector.shape_cast %get3A_560 : vector<1x16xf32> to vector<16xf32>
        %mul3A_562 = arith.constant 8.000000e+00 : f32
        %mul3A_563 = vector.broadcast %mul3A_562 : f32 to vector<16xf32>
        %mul3A_564 = arith.mulf %get3A_561, %mul3A_563 : vector<16xf32>
        %swap3A_565 = arith.index_cast %add3A_545 : i32 to index
        %swap3A_566 = arith.constant 16 : index
        %swap3A_567 = tpu.vector_load %arg10[%swap3A_565, %swap3A_566] {strides = array<i32>} : memref<200x64xf32, #tpu.memory_space<vmem>>, vector<1x16xf32>,
        %swap3A_568 = vector.shape_cast %swap3A_567 : vector<1x16xf32> to vector<16xf32>
        %swap3A_569 = vector.shape_cast %mul3A_564 : vector<16xf32> to vector<1x16xf32>
        tpu.vector_store %arg10[%swap3A_565, %swap3A_566], %swap3A_569 {strides = array<i32>} : memref<200x64xf32, #tpu.memory_space<vmem>>, vector<1x16xf32>,
        %get3A_570 = arith.index_cast %add3A_545 : i32 to index
        %get3A_571 = arith.constant 32 : index
        %get3A_572 = tpu.vector_load %arg6[%get3A_570, %get3A_571] {strides = array<i32>} : memref<200x64xf32, #tpu.memory_space<vmem>>, vector<1x16xf32>,
        %get3A_573 = vector.shape_cast %get3A_572 : vector<1x16xf32> to vector<16xf32>
        %mul3A_574 = arith.constant 8.000000e+00 : f32
        %mul3A_575 = vector.broadcast %mul3A_574 : f32 to vector<16xf32>
        %mul3A_576 = arith.mulf %get3A_573, %mul3A_575 : vector<16xf32>
        %swap3A_577 = arith.index_cast %add3A_545 : i32 to index
        %swap3A_578 = arith.constant 32 : index
        %swap3A_579 = tpu.vector_load %arg10[%swap3A_577, %swap3A_578] {strides = array<i32>} : memref<200x64xf32, #tpu.memory_space<vmem>>, vector<1x16xf32>,
        %swap3A_580 = vector.shape_cast %swap3A_579 : vector<1x16xf32> to vector<16xf32>
        %swap3A_581 = vector.shape_cast %mul3A_576 : vector<16xf32> to vector<1x16xf32>
        tpu.vector_store %arg10[%swap3A_577, %swap3A_578], %swap3A_581 {strides = array<i32>} : memref<200x64xf32, #tpu.memory_space<vmem>>, vector<1x16xf32>,
        %get3A_582 = arith.index_cast %add3A_545 : i32 to index
        %get3A_583 = arith.constant 48 : index
        %get3A_584 = tpu.vector_load %arg6[%get3A_582, %get3A_583] {strides = array<i32>} : memref<200x64xf32, #tpu.memory_space<vmem>>, vector<1x16xf32>,
        %get3A_585 = vector.shape_cast %get3A_584 : vector<1x16xf32> to vector<16xf32>
        %mul3A_586 = arith.constant 8.000000e+00 : f32
        %mul3A_587 = vector.broadcast %mul3A_586 : f32 to vector<16xf32>
        %mul3A_588 = arith.mulf %get3A_585, %mul3A_587 : vector<16xf32>
        %swap3A_589 = arith.index_cast %add3A_545 : i32 to index
        %swap3A_590 = arith.constant 48 : index
        %swap3A_591 = tpu.vector_load %arg10[%swap3A_589, %swap3A_590] {strides = array<i32>} : memref<200x64xf32, #tpu.memory_space<vmem>>, vector<1x16xf32>,
        %swap3A_592 = vector.shape_cast %swap3A_591 : vector<1x16xf32> to vector<16xf32>
        %swap3A_593 = vector.shape_cast %mul3A_588 : vector<16xf32> to vector<1x16xf32>
        tpu.vector_store %arg10[%swap3A_589, %swap3A_590], %swap3A_593 {strides = array<i32>} : memref<200x64xf32, #tpu.memory_space<vmem>>, vector<1x16xf32>,
      }
      %scan3A_68 = arith.constant 25 : i32
      %lt3A = arith.constant 31 : i32
      %lt3A_69 = arith.cmpi slt, %scan3A_50, %lt3A : i32
      %convert_element_type3A_70 = arith.extui %lt3A_69 : i1 to i32
      %cond3A_71 = arith.constant 0 : i32
      %cond3A_72 = arith.cmpi ne, %convert_element_type3A_70, %cond3A_71 : i32
      scf.if %cond3A_72 {
        %add3A_179 = arith.constant 4 : i32
        %add3A_180 = arith.addi %add3A_54, %add3A_179 : i32
        %dma_start3A_181 = arith.constant 0 : i32
        %dma_start3A_182 = tpu.memref_slice %arg5[%add3A_180, %dma_start3A_181] : memref<128x200xi32, #tpu.memory_space<vmem>> -> memref<1x200xi32, #tpu.memory_space<vmem>>
        %dma_start3A_183 = tpu.memref_squeeze %dma_start3A_182 : memref<1x200xi32, #tpu.memory_space<vmem>> -> memref<200xi32, #tpu.memory_space<vmem>>
        %dma_start3A_184 = arith.constant 0 : i32
        %dma_start3A_185 = arith.constant 0 : i32
        %dma_start3A_186 = tpu.memref_slice %arg3[%dma_start3A_184, %dma_start3A_185] : memref<1000000x64xf32, #tpu.memory_space<hbm>> -> memref<1000000x64xf32, #tpu.memory_space<hbm>>
        tpu.enqueue_indirect_dma source(%dma_start3A_186 : memref<1000000x64xf32, #tpu.memory_space<hbm>>) target(%arg6 : memref<200x64xf32, #tpu.memory_space<vmem>>) offsets(%dma_start3A_183 : memref<200xi32, #tpu.memory_space<vmem>>) semaphore(%arg12 : memref<!tpu.dma_semaphore, #tpu.memory_space<semaphore_mem>>)
      } else {
      }
      %add3A_73 = arith.addi %mul3A_2, %add3A_54 : i32
      %mul3A_74 = arith.constant 200 : i32
      %mul3A_75 = arith.muli %add3A_73, %mul3A_74 : i32
      %dma_start3A_76 = arith.constant 0 : i32
      %dma_start3A_77 = tpu.memref_slice %arg4[%mul3A_75, %dma_start3A_76] : memref<819200x128xf32, #tpu.memory_space<hbm>> -> memref<200x64xf32, #tpu.memory_space<hbm>>
      %dma_start3A_78 = arith.constant 0 : i32
      %dma_start3A_79 = tpu.memref_slice %arg4[%mul3A_75, %dma_start3A_78] : memref<819200x128xf32, #tpu.memory_space<hbm>> -> memref<200x64xf32, #tpu.memory_space<hbm>>
      tpu.enqueue_dma source(%arg10 : memref<200x64xf32, #tpu.memory_space<vmem>>) target(%dma_start3A_79 : memref<200x64xf32, #tpu.memory_space<hbm>>) target_semaphore(%arg16 : memref<!tpu.dma_semaphore, #tpu.memory_space<semaphore_mem>>)
      %mul3A_80 = arith.constant 4 : i32
      %mul3A_81 = arith.muli %scan3A_50, %mul3A_80 : i32
      %add3A_82 = arith.constant 1 : i32
      %add3A_83 = arith.addi %mul3A_81, %add3A_82 : i32
      %dma_wait3A_84 = arith.constant 0 : i32
      %dma_wait3A_85 = tpu.memref_slice %arg5[%add3A_83, %dma_wait3A_84] : memref<128x200xi32, #tpu.memory_space<vmem>> -> memref<1x200xi32, #tpu.memory_space<vmem>>
      %dma_wait3A_86 = tpu.memref_squeeze %dma_wait3A_85 : memref<1x200xi32, #tpu.memory_space<vmem>> -> memref<200xi32, #tpu.memory_space<vmem>>
      %dma_wait3A_87 = arith.constant 0 : i32
      %dma_wait3A_88 = arith.constant 0 : i32
      %dma_wait3A_89 = tpu.memref_slice %arg3[%dma_wait3A_87, %dma_wait3A_88] : memref<1000000x64xf32, #tpu.memory_space<hbm>> -> memref<1000000x64xf32, #tpu.memory_space<hbm>>
      tpu.wait_indirect_dma semaphore(%arg13 : memref<!tpu.dma_semaphore, #tpu.memory_space<semaphore_mem>>) src(%dma_wait3A_89 : memref<1000000x64xf32, #tpu.memory_space<hbm>>) dst(%arg7 : memref<200x64xf32, #tpu.memory_space<vmem>>)
      %ge3A_90 = arith.constant 2 : i32
      %ge3A_91 = arith.cmpi sge, %add3A_83, %ge3A_90 : i32
      %convert_element_type3A_92 = arith.extui %ge3A_91 : i1 to i32
      %cond3A_93 = arith.constant 0 : i32
      %cond3A_94 = arith.cmpi ne, %convert_element_type3A_92, %cond3A_93 : i32
      scf.if %cond3A_94 {
        %sub3A = arith.constant 2 : i32
        %sub3A_179 = arith.subi %add3A_83, %sub3A : i32
        %add3A_180 = arith.addi %mul3A_2, %sub3A_179 : i32
        %mul3A_181 = arith.constant 200 : i32
        %mul3A_182 = arith.muli %add3A_180, %mul3A_181 : i32
        %dma_wait3A_183 = arith.constant 0 : i32
        %dma_wait3A_184 = tpu.memref_slice %arg4[%mul3A_182, %dma_wait3A_183] : memref<819200x128xf32, #tpu.memory_space<hbm>> -> memref<200x64xf32, #tpu.memory_space<hbm>>
        %dma_wait3A_185 = arith.constant 0 : i32
        %dma_wait3A_186 = tpu.memref_slice %arg4[%mul3A_182, %dma_wait3A_185] : memref<819200x128xf32, #tpu.memory_space<hbm>> -> memref<200x64xf32, #tpu.memory_space<hbm>>
        tpu.wait_dma2 semaphore(%arg17 : memref<!tpu.dma_semaphore, #tpu.memory_space<semaphore_mem>>) src(%arg11 : memref<200x64xf32, #tpu.memory_space<vmem>>) dst(%dma_wait3A_186 : memref<200x64xf32, #tpu.memory_space<hbm>>)
      } else {
      }
      %scan3A_95 = arith.constant 0 : i32
      %scan3A_96 = arith.constant 0 : i32
      %scan3A_97 = arith.constant 25 : i32
      %scan3A_98 = arith.addi %scan3A_96, %scan3A_97 : i32
      %scan3A_99 = arith.constant 1 : i32
      scf.for %scan3A_179 = %scan3A_96 to %scan3A_98 step %scan3A_99  : i32 {
        %mul3A_180 = arith.constant 8 : i32
        %mul3A_181 = arith.muli %scan3A_179, %mul3A_180 : i32
        %add3A_182 = arith.constant 0 : i32
        %add3A_183 = arith.addi %mul3A_181, %add3A_182 : i32
        %get3A = arith.index_cast %add3A_183 : i32 to index
        %get3A_184 = arith.constant 0 : index
        %get3A_185 = tpu.vector_load %arg7[%get3A, %get3A_184] {strides = array<i32>} : memref<200x64xf32, #tpu.memory_space<vmem>>, vector<1x16xf32>,
        %get3A_186 = vector.shape_cast %get3A_185 : vector<1x16xf32> to vector<16xf32>
        %mul3A_187 = arith.constant 8.000000e+00 : f32
        %mul3A_188 = vector.broadcast %mul3A_187 : f32 to vector<16xf32>
        %mul3A_189 = arith.mulf %get3A_186, %mul3A_188 : vector<16xf32>
        %swap3A = arith.index_cast %add3A_183 : i32 to index
        %swap3A_190 = arith.constant 0 : index
        %swap3A_191 = tpu.vector_load %arg11[%swap3A, %swap3A_190] {strides = array<i32>} : memref<200x64xf32, #tpu.memory_space<vmem>>, vector<1x16xf32>,
        %swap3A_192 = vector.shape_cast %swap3A_191 : vector<1x16xf32> to vector<16xf32>
        %swap3A_193 = vector.shape_cast %mul3A_189 : vector<16xf32> to vector<1x16xf32>
        tpu.vector_store %arg11[%swap3A, %swap3A_190], %swap3A_193 {strides = array<i32>} : memref<200x64xf32, #tpu.memory_space<vmem>>, vector<1x16xf32>,
        %get3A_194 = arith.index_cast %add3A_183 : i32 to index
        %get3A_195 = arith.constant 16 : index
        %get3A_196 = tpu.vector_load %arg7[%get3A_194, %get3A_195] {strides = array<i32>} : memref<200x64xf32, #tpu.memory_space<vmem>>, vector<1x16xf32>,
        %get3A_197 = vector.shape_cast %get3A_196 : vector<1x16xf32> to vector<16xf32>
        %mul3A_198 = arith.constant 8.000000e+00 : f32
        %mul3A_199 = vector.broadcast %mul3A_198 : f32 to vector<16xf32>
        %mul3A_200 = arith.mulf %get3A_197, %mul3A_199 : vector<16xf32>
        %swap3A_201 = arith.index_cast %add3A_183 : i32 to index
        %swap3A_202 = arith.constant 16 : index
        %swap3A_203 = tpu.vector_load %arg11[%swap3A_201, %swap3A_202] {strides = array<i32>} : memref<200x64xf32, #tpu.memory_space<vmem>>, vector<1x16xf32>,
        %swap3A_204 = vector.shape_cast %swap3A_203 : vector<1x16xf32> to vector<16xf32>
        %swap3A_205 = vector.shape_cast %mul3A_200 : vector<16xf32> to vector<1x16xf32>
        tpu.vector_store %arg11[%swap3A_201, %swap3A_202], %swap3A_205 {strides = array<i32>} : memref<200x64xf32, #tpu.memory_space<vmem>>, vector<1x16xf32>,
        %get3A_206 = arith.index_cast %add3A_183 : i32 to index
        %get3A_207 = arith.constant 32 : index
        %get3A_208 = tpu.vector_load %arg7[%get3A_206, %get3A_207] {strides = array<i32>} : memref<200x64xf32, #tpu.memory_space<vmem>>, vector<1x16xf32>,
        %get3A_209 = vector.shape_cast %get3A_208 : vector<1x16xf32> to vector<16xf32>
        %mul3A_210 = arith.constant 8.000000e+00 : f32
        %mul3A_211 = vector.broadcast %mul3A_210 : f32 to vector<16xf32>
        %mul3A_212 = arith.mulf %get3A_209, %mul3A_211 : vector<16xf32>
        %swap3A_213 = arith.index_cast %add3A_183 : i32 to index
        %swap3A_214 = arith.constant 32 : index
        %swap3A_215 = tpu.vector_load %arg11[%swap3A_213, %swap3A_214] {strides = array<i32>} : memref<200x64xf32, #tpu.memory_space<vmem>>, vector<1x16xf32>,
        %swap3A_216 = vector.shape_cast %swap3A_215 : vector<1x16xf32> to vector<16xf32>
        %swap3A_217 = vector.shape_cast %mul3A_212 : vector<16xf32> to vector<1x16xf32>
        tpu.vector_store %arg11[%swap3A_213, %swap3A_214], %swap3A_217 {strides = array<i32>} : memref<200x64xf32, #tpu.memory_space<vmem>>, vector<1x16xf32>,
        %get3A_218 = arith.index_cast %add3A_183 : i32 to index
        %get3A_219 = arith.constant 48 : index
        %get3A_220 = tpu.vector_load %arg7[%get3A_218, %get3A_219] {strides = array<i32>} : memref<200x64xf32, #tpu.memory_space<vmem>>, vector<1x16xf32>,
        %get3A_221 = vector.shape_cast %get3A_220 : vector<1x16xf32> to vector<16xf32>
        %mul3A_222 = arith.constant 8.000000e+00 : f32
        %mul3A_223 = vector.broadcast %mul3A_222 : f32 to vector<16xf32>
        %mul3A_224 = arith.mulf %get3A_221, %mul3A_223 : vector<16xf32>
        %swap3A_225 = arith.index_cast %add3A_183 : i32 to index
        %swap3A_226 = arith.constant 48 : index
        %swap3A_227 = tpu.vector_load %arg11[%swap3A_225, %swap3A_226] {strides = array<i32>} : memref<200x64xf32, #tpu.memory_space<vmem>>, vector<1x16xf32>,
        %swap3A_228 = vector.shape_cast %swap3A_227 : vector<1x16xf32> to vector<16xf32>
        %swap3A_229 = vector.shape_cast %mul3A_224 : vector<16xf32> to vector<1x16xf32>
        tpu.vector_store %arg11[%swap3A_225, %swap3A_226], %swap3A_229 {strides = array<i32>} : memref<200x64xf32, #tpu.memory_space<vmem>>, vector<1x16xf32>,
        %mul3A_230 = arith.constant 8 : i32
        %mul3A_231 = arith.muli %scan3A_179, %mul3A_230 : i32
        %add3A_232 = arith.constant 1 : i32
        %add3A_233 = arith.addi %mul3A_231, %add3A_232 : i32
        %get3A_234 = arith.index_cast %add3A_233 : i32 to index
        %get3A_235 = arith.constant 0 : index
        %get3A_236 = tpu.vector_load %arg7[%get3A_234, %get3A_235] {strides = array<i32>} : memref<200x64xf32, #tpu.memory_space<vmem>>, vector<1x16xf32>,
        %get3A_237 = vector.shape_cast %get3A_236 : vector<1x16xf32> to vector<16xf32>
        %mul3A_238 = arith.constant 8.000000e+00 : f32
        %mul3A_239 = vector.broadcast %mul3A_238 : f32 to vector<16xf32>
        %mul3A_240 = arith.mulf %get3A_237, %mul3A_239 : vector<16xf32>
        %swap3A_241 = arith.index_cast %add3A_233 : i32 to index
        %swap3A_242 = arith.constant 0 : index
        %swap3A_243 = tpu.vector_load %arg11[%swap3A_241, %swap3A_242] {strides = array<i32>} : memref<200x64xf32, #tpu.memory_space<vmem>>, vector<1x16xf32>,
        %swap3A_244 = vector.shape_cast %swap3A_243 : vector<1x16xf32> to vector<16xf32>
        %swap3A_245 = vector.shape_cast %mul3A_240 : vector<16xf32> to vector<1x16xf32>
        tpu.vector_store %arg11[%swap3A_241, %swap3A_242], %swap3A_245 {strides = array<i32>} : memref<200x64xf32, #tpu.memory_space<vmem>>, vector<1x16xf32>,
        %get3A_246 = arith.index_cast %add3A_233 : i32 to index
        %get3A_247 = arith.constant 16 : index
        %get3A_248 = tpu.vector_load %arg7[%get3A_246, %get3A_247] {strides = array<i32>} : memref<200x64xf32, #tpu.memory_space<vmem>>, vector<1x16xf32>,
        %get3A_249 = vector.shape_cast %get3A_248 : vector<1x16xf32> to vector<16xf32>
        %mul3A_250 = arith.constant 8.000000e+00 : f32
        %mul3A_251 = vector.broadcast %mul3A_250 : f32 to vector<16xf32>
        %mul3A_252 = arith.mulf %get3A_249, %mul3A_251 : vector<16xf32>
        %swap3A_253 = arith.index_cast %add3A_233 : i32 to index
        %swap3A_254 = arith.constant 16 : index
        %swap3A_255 = tpu.vector_load %arg11[%swap3A_253, %swap3A_254] {strides = array<i32>} : memref<200x64xf32, #tpu.memory_space<vmem>>, vector<1x16xf32>,
        %swap3A_256 = vector.shape_cast %swap3A_255 : vector<1x16xf32> to vector<16xf32>
        %swap3A_257 = vector.shape_cast %mul3A_252 : vector<16xf32> to vector<1x16xf32>
        tpu.vector_store %arg11[%swap3A_253, %swap3A_254], %swap3A_257 {strides = array<i32>} : memref<200x64xf32, #tpu.memory_space<vmem>>, vector<1x16xf32>,
        %get3A_258 = arith.index_cast %add3A_233 : i32 to index
        %get3A_259 = arith.constant 32 : index
        %get3A_260 = tpu.vector_load %arg7[%get3A_258, %get3A_259] {strides = array<i32>} : memref<200x64xf32, #tpu.memory_space<vmem>>, vector<1x16xf32>,
        %get3A_261 = vector.shape_cast %get3A_260 : vector<1x16xf32> to vector<16xf32>
        %mul3A_262 = arith.constant 8.000000e+00 : f32
        %mul3A_263 = vector.broadcast %mul3A_262 : f32 to vector<16xf32>
        %mul3A_264 = arith.mulf %get3A_261, %mul3A_263 : vector<16xf32>
        %swap3A_265 = arith.index_cast %add3A_233 : i32 to index
        %swap3A_266 = arith.constant 32 : index
        %swap3A_267 = tpu.vector_load %arg11[%swap3A_265, %swap3A_266] {strides = array<i32>} : memref<200x64xf32, #tpu.memory_space<vmem>>, vector<1x16xf32>,
        %swap3A_268 = vector.shape_cast %swap3A_267 : vector<1x16xf32> to vector<16xf32>
        %swap3A_269 = vector.shape_cast %mul3A_264 : vector<16xf32> to vector<1x16xf32>
        tpu.vector_store %arg11[%swap3A_265, %swap3A_266], %swap3A_269 {strides = array<i32>} : memref<200x64xf32, #tpu.memory_space<vmem>>, vector<1x16xf32>,
        %get3A_270 = arith.index_cast %add3A_233 : i32 to index
        %get3A_271 = arith.constant 48 : index
        %get3A_272 = tpu.vector_load %arg7[%get3A_270, %get3A_271] {strides = array<i32>} : memref<200x64xf32, #tpu.memory_space<vmem>>, vector<1x16xf32>,
        %get3A_273 = vector.shape_cast %get3A_272 : vector<1x16xf32> to vector<16xf32>
        %mul3A_274 = arith.constant 8.000000e+00 : f32
        %mul3A_275 = vector.broadcast %mul3A_274 : f32 to vector<16xf32>
        %mul3A_276 = arith.mulf %get3A_273, %mul3A_275 : vector<16xf32>
        %swap3A_277 = arith.index_cast %add3A_233 : i32 to index
        %swap3A_278 = arith.constant 48 : index
        %swap3A_279 = tpu.vector_load %arg11[%swap3A_277, %swap3A_278] {strides = array<i32>} : memref<200x64xf32, #tpu.memory_space<vmem>>, vector<1x16xf32>,
        %swap3A_280 = vector.shape_cast %swap3A_279 : vector<1x16xf32> to vector<16xf32>
        %swap3A_281 = vector.shape_cast %mul3A_276 : vector<16xf32> to vector<1x16xf32>
        tpu.vector_store %arg11[%swap3A_277, %swap3A_278], %swap3A_281 {strides = array<i32>} : memref<200x64xf32, #tpu.memory_space<vmem>>, vector<1x16xf32>,
        %mul3A_282 = arith.constant 8 : i32
        %mul3A_283 = arith.muli %scan3A_179, %mul3A_282 : i32
        %add3A_284 = arith.constant 2 : i32
        %add3A_285 = arith.addi %mul3A_283, %add3A_284 : i32
        %get3A_286 = arith.index_cast %add3A_285 : i32 to index
        %get3A_287 = arith.constant 0 : index
        %get3A_288 = tpu.vector_load %arg7[%get3A_286, %get3A_287] {strides = array<i32>} : memref<200x64xf32, #tpu.memory_space<vmem>>, vector<1x16xf32>,
        %get3A_289 = vector.shape_cast %get3A_288 : vector<1x16xf32> to vector<16xf32>
        %mul3A_290 = arith.constant 8.000000e+00 : f32
        %mul3A_291 = vector.broadcast %mul3A_290 : f32 to vector<16xf32>
        %mul3A_292 = arith.mulf %get3A_289, %mul3A_291 : vector<16xf32>
        %swap3A_293 = arith.index_cast %add3A_285 : i32 to index
        %swap3A_294 = arith.constant 0 : index
        %swap3A_295 = tpu.vector_load %arg11[%swap3A_293, %swap3A_294] {strides = array<i32>} : memref<200x64xf32, #tpu.memory_space<vmem>>, vector<1x16xf32>,
        %swap3A_296 = vector.shape_cast %swap3A_295 : vector<1x16xf32> to vector<16xf32>
        %swap3A_297 = vector.shape_cast %mul3A_292 : vector<16xf32> to vector<1x16xf32>
        tpu.vector_store %arg11[%swap3A_293, %swap3A_294], %swap3A_297 {strides = array<i32>} : memref<200x64xf32, #tpu.memory_space<vmem>>, vector<1x16xf32>,
        %get3A_298 = arith.index_cast %add3A_285 : i32 to index
        %get3A_299 = arith.constant 16 : index
        %get3A_300 = tpu.vector_load %arg7[%get3A_298, %get3A_299] {strides = array<i32>} : memref<200x64xf32, #tpu.memory_space<vmem>>, vector<1x16xf32>,
        %get3A_301 = vector.shape_cast %get3A_300 : vector<1x16xf32> to vector<16xf32>
        %mul3A_302 = arith.constant 8.000000e+00 : f32
        %mul3A_303 = vector.broadcast %mul3A_302 : f32 to vector<16xf32>
        %mul3A_304 = arith.mulf %get3A_301, %mul3A_303 : vector<16xf32>
        %swap3A_305 = arith.index_cast %add3A_285 : i32 to index
        %swap3A_306 = arith.constant 16 : index
        %swap3A_307 = tpu.vector_load %arg11[%swap3A_305, %swap3A_306] {strides = array<i32>} : memref<200x64xf32, #tpu.memory_space<vmem>>, vector<1x16xf32>,
        %swap3A_308 = vector.shape_cast %swap3A_307 : vector<1x16xf32> to vector<16xf32>
        %swap3A_309 = vector.shape_cast %mul3A_304 : vector<16xf32> to vector<1x16xf32>
        tpu.vector_store %arg11[%swap3A_305, %swap3A_306], %swap3A_309 {strides = array<i32>} : memref<200x64xf32, #tpu.memory_space<vmem>>, vector<1x16xf32>,
        %get3A_310 = arith.index_cast %add3A_285 : i32 to index
        %get3A_311 = arith.constant 32 : index
        %get3A_312 = tpu.vector_load %arg7[%get3A_310, %get3A_311] {strides = array<i32>} : memref<200x64xf32, #tpu.memory_space<vmem>>, vector<1x16xf32>,
        %get3A_313 = vector.shape_cast %get3A_312 : vector<1x16xf32> to vector<16xf32>
        %mul3A_314 = arith.constant 8.000000e+00 : f32
        %mul3A_315 = vector.broadcast %mul3A_314 : f32 to vector<16xf32>
        %mul3A_316 = arith.mulf %get3A_313, %mul3A_315 : vector<16xf32>
        %swap3A_317 = arith.index_cast %add3A_285 : i32 to index
        %swap3A_318 = arith.constant 32 : index
        %swap3A_319 = tpu.vector_load %arg11[%swap3A_317, %swap3A_318] {strides = array<i32>} : memref<200x64xf32, #tpu.memory_space<vmem>>, vector<1x16xf32>,
        %swap3A_320 = vector.shape_cast %swap3A_319 : vector<1x16xf32> to vector<16xf32>
        %swap3A_321 = vector.shape_cast %mul3A_316 : vector<16xf32> to vector<1x16xf32>
        tpu.vector_store %arg11[%swap3A_317, %swap3A_318], %swap3A_321 {strides = array<i32>} : memref<200x64xf32, #tpu.memory_space<vmem>>, vector<1x16xf32>,
        %get3A_322 = arith.index_cast %add3A_285 : i32 to index
        %get3A_323 = arith.constant 48 : index
        %get3A_324 = tpu.vector_load %arg7[%get3A_322, %get3A_323] {strides = array<i32>} : memref<200x64xf32, #tpu.memory_space<vmem>>, vector<1x16xf32>,
        %get3A_325 = vector.shape_cast %get3A_324 : vector<1x16xf32> to vector<16xf32>
        %mul3A_326 = arith.constant 8.000000e+00 : f32
        %mul3A_327 = vector.broadcast %mul3A_326 : f32 to vector<16xf32>
        %mul3A_328 = arith.mulf %get3A_325, %mul3A_327 : vector<16xf32>
        %swap3A_329 = arith.index_cast %add3A_285 : i32 to index
        %swap3A_330 = arith.constant 48 : index
        %swap3A_331 = tpu.vector_load %arg11[%swap3A_329, %swap3A_330] {strides = array<i32>} : memref<200x64xf32, #tpu.memory_space<vmem>>, vector<1x16xf32>,
        %swap3A_332 = vector.shape_cast %swap3A_331 : vector<1x16xf32> to vector<16xf32>
        %swap3A_333 = vector.shape_cast %mul3A_328 : vector<16xf32> to vector<1x16xf32>
        tpu.vector_store %arg11[%swap3A_329, %swap3A_330], %swap3A_333 {strides = array<i32>} : memref<200x64xf32, #tpu.memory_space<vmem>>, vector<1x16xf32>,
        %mul3A_334 = arith.constant 8 : i32
        %mul3A_335 = arith.muli %scan3A_179, %mul3A_334 : i32
        %add3A_336 = arith.constant 3 : i32
        %add3A_337 = arith.addi %mul3A_335, %add3A_336 : i32
        %get3A_338 = arith.index_cast %add3A_337 : i32 to index
        %get3A_339 = arith.constant 0 : index
        %get3A_340 = tpu.vector_load %arg7[%get3A_338, %get3A_339] {strides = array<i32>} : memref<200x64xf32, #tpu.memory_space<vmem>>, vector<1x16xf32>,
        %get3A_341 = vector.shape_cast %get3A_340 : vector<1x16xf32> to vector<16xf32>
        %mul3A_342 = arith.constant 8.000000e+00 : f32
        %mul3A_343 = vector.broadcast %mul3A_342 : f32 to vector<16xf32>
        %mul3A_344 = arith.mulf %get3A_341, %mul3A_343 : vector<16xf32>
        %swap3A_345 = arith.index_cast %add3A_337 : i32 to index
        %swap3A_346 = arith.constant 0 : index
        %swap3A_347 = tpu.vector_load %arg11[%swap3A_345, %swap3A_346] {strides = array<i32>} : memref<200x64xf32, #tpu.memory_space<vmem>>, vector<1x16xf32>,
        %swap3A_348 = vector.shape_cast %swap3A_347 : vector<1x16xf32> to vector<16xf32>
        %swap3A_349 = vector.shape_cast %mul3A_344 : vector<16xf32> to vector<1x16xf32>
        tpu.vector_store %arg11[%swap3A_345, %swap3A_346], %swap3A_349 {strides = array<i32>} : memref<200x64xf32, #tpu.memory_space<vmem>>, vector<1x16xf32>,
        %get3A_350 = arith.index_cast %add3A_337 : i32 to index
        %get3A_351 = arith.constant 16 : index
        %get3A_352 = tpu.vector_load %arg7[%get3A_350, %get3A_351] {strides = array<i32>} : memref<200x64xf32, #tpu.memory_space<vmem>>, vector<1x16xf32>,
        %get3A_353 = vector.shape_cast %get3A_352 : vector<1x16xf32> to vector<16xf32>
        %mul3A_354 = arith.constant 8.000000e+00 : f32
        %mul3A_355 = vector.broadcast %mul3A_354 : f32 to vector<16xf32>
        %mul3A_356 = arith.mulf %get3A_353, %mul3A_355 : vector<16xf32>
        %swap3A_357 = arith.index_cast %add3A_337 : i32 to index
        %swap3A_358 = arith.constant 16 : index
        %swap3A_359 = tpu.vector_load %arg11[%swap3A_357, %swap3A_358] {strides = array<i32>} : memref<200x64xf32, #tpu.memory_space<vmem>>, vector<1x16xf32>,
        %swap3A_360 = vector.shape_cast %swap3A_359 : vector<1x16xf32> to vector<16xf32>
        %swap3A_361 = vector.shape_cast %mul3A_356 : vector<16xf32> to vector<1x16xf32>
        tpu.vector_store %arg11[%swap3A_357, %swap3A_358], %swap3A_361 {strides = array<i32>} : memref<200x64xf32, #tpu.memory_space<vmem>>, vector<1x16xf32>,
        %get3A_362 = arith.index_cast %add3A_337 : i32 to index
        %get3A_363 = arith.constant 32 : index
        %get3A_364 = tpu.vector_load %arg7[%get3A_362, %get3A_363] {strides = array<i32>} : memref<200x64xf32, #tpu.memory_space<vmem>>, vector<1x16xf32>,
        %get3A_365 = vector.shape_cast %get3A_364 : vector<1x16xf32> to vector<16xf32>
        %mul3A_366 = arith.constant 8.000000e+00 : f32
        %mul3A_367 = vector.broadcast %mul3A_366 : f32 to vector<16xf32>
        %mul3A_368 = arith.mulf %get3A_365, %mul3A_367 : vector<16xf32>
        %swap3A_369 = arith.index_cast %add3A_337 : i32 to index
        %swap3A_370 = arith.constant 32 : index
        %swap3A_371 = tpu.vector_load %arg11[%swap3A_369, %swap3A_370] {strides = array<i32>} : memref<200x64xf32, #tpu.memory_space<vmem>>, vector<1x16xf32>,
        %swap3A_372 = vector.shape_cast %swap3A_371 : vector<1x16xf32> to vector<16xf32>
        %swap3A_373 = vector.shape_cast %mul3A_368 : vector<16xf32> to vector<1x16xf32>
        tpu.vector_store %arg11[%swap3A_369, %swap3A_370], %swap3A_373 {strides = array<i32>} : memref<200x64xf32, #tpu.memory_space<vmem>>, vector<1x16xf32>,
        %get3A_374 = arith.index_cast %add3A_337 : i32 to index
        %get3A_375 = arith.constant 48 : index
        %get3A_376 = tpu.vector_load %arg7[%get3A_374, %get3A_375] {strides = array<i32>} : memref<200x64xf32, #tpu.memory_space<vmem>>, vector<1x16xf32>,
        %get3A_377 = vector.shape_cast %get3A_376 : vector<1x16xf32> to vector<16xf32>
        %mul3A_378 = arith.constant 8.000000e+00 : f32
        %mul3A_379 = vector.broadcast %mul3A_378 : f32 to vector<16xf32>
        %mul3A_380 = arith.mulf %get3A_377, %mul3A_379 : vector<16xf32>
        %swap3A_381 = arith.index_cast %add3A_337 : i32 to index
        %swap3A_382 = arith.constant 48 : index
        %swap3A_383 = tpu.vector_load %arg11[%swap3A_381, %swap3A_382] {strides = array<i32>} : memref<200x64xf32, #tpu.memory_space<vmem>>, vector<1x16xf32>,
        %swap3A_384 = vector.shape_cast %swap3A_383 : vector<1x16xf32> to vector<16xf32>
        %swap3A_385 = vector.shape_cast %mul3A_380 : vector<16xf32> to vector<1x16xf32>
        tpu.vector_store %arg11[%swap3A_381, %swap3A_382], %swap3A_385 {strides = array<i32>} : memref<200x64xf32, #tpu.memory_space<vmem>>, vector<1x16xf32>,
        %mul3A_386 = arith.constant 8 : i32
        %mul3A_387 = arith.muli %scan3A_179, %mul3A_386 : i32
        %add3A_388 = arith.constant 4 : i32
        %add3A_389 = arith.addi %mul3A_387, %add3A_388 : i32
        %get3A_390 = arith.index_cast %add3A_389 : i32 to index
        %get3A_391 = arith.constant 0 : index
        %get3A_392 = tpu.vector_load %arg7[%get3A_390, %get3A_391] {strides = array<i32>} : memref<200x64xf32, #tpu.memory_space<vmem>>, vector<1x16xf32>,
        %get3A_393 = vector.shape_cast %get3A_392 : vector<1x16xf32> to vector<16xf32>
        %mul3A_394 = arith.constant 8.000000e+00 : f32
        %mul3A_395 = vector.broadcast %mul3A_394 : f32 to vector<16xf32>
        %mul3A_396 = arith.mulf %get3A_393, %mul3A_395 : vector<16xf32>
        %swap3A_397 = arith.index_cast %add3A_389 : i32 to index
        %swap3A_398 = arith.constant 0 : index
        %swap3A_399 = tpu.vector_load %arg11[%swap3A_397, %swap3A_398] {strides = array<i32>} : memref<200x64xf32, #tpu.memory_space<vmem>>, vector<1x16xf32>,
        %swap3A_400 = vector.shape_cast %swap3A_399 : vector<1x16xf32> to vector<16xf32>
        %swap3A_401 = vector.shape_cast %mul3A_396 : vector<16xf32> to vector<1x16xf32>
        tpu.vector_store %arg11[%swap3A_397, %swap3A_398], %swap3A_401 {strides = array<i32>} : memref<200x64xf32, #tpu.memory_space<vmem>>, vector<1x16xf32>,
        %get3A_402 = arith.index_cast %add3A_389 : i32 to index
        %get3A_403 = arith.constant 16 : index
        %get3A_404 = tpu.vector_load %arg7[%get3A_402, %get3A_403] {strides = array<i32>} : memref<200x64xf32, #tpu.memory_space<vmem>>, vector<1x16xf32>,
        %get3A_405 = vector.shape_cast %get3A_404 : vector<1x16xf32> to vector<16xf32>
        %mul3A_406 = arith.constant 8.000000e+00 : f32
        %mul3A_407 = vector.broadcast %mul3A_406 : f32 to vector<16xf32>
        %mul3A_408 = arith.mulf %get3A_405, %mul3A_407 : vector<16xf32>
        %swap3A_409 = arith.index_cast %add3A_389 : i32 to index
        %swap3A_410 = arith.constant 16 : index
        %swap3A_411 = tpu.vector_load %arg11[%swap3A_409, %swap3A_410] {strides = array<i32>} : memref<200x64xf32, #tpu.memory_space<vmem>>, vector<1x16xf32>,
        %swap3A_412 = vector.shape_cast %swap3A_411 : vector<1x16xf32> to vector<16xf32>
        %swap3A_413 = vector.shape_cast %mul3A_408 : vector<16xf32> to vector<1x16xf32>
        tpu.vector_store %arg11[%swap3A_409, %swap3A_410], %swap3A_413 {strides = array<i32>} : memref<200x64xf32, #tpu.memory_space<vmem>>, vector<1x16xf32>,
        %get3A_414 = arith.index_cast %add3A_389 : i32 to index
        %get3A_415 = arith.constant 32 : index
        %get3A_416 = tpu.vector_load %arg7[%get3A_414, %get3A_415] {strides = array<i32>} : memref<200x64xf32, #tpu.memory_space<vmem>>, vector<1x16xf32>,
        %get3A_417 = vector.shape_cast %get3A_416 : vector<1x16xf32> to vector<16xf32>
        %mul3A_418 = arith.constant 8.000000e+00 : f32
        %mul3A_419 = vector.broadcast %mul3A_418 : f32 to vector<16xf32>
        %mul3A_420 = arith.mulf %get3A_417, %mul3A_419 : vector<16xf32>
        %swap3A_421 = arith.index_cast %add3A_389 : i32 to index
        %swap3A_422 = arith.constant 32 : index
        %swap3A_423 = tpu.vector_load %arg11[%swap3A_421, %swap3A_422] {strides = array<i32>} : memref<200x64xf32, #tpu.memory_space<vmem>>, vector<1x16xf32>,
        %swap3A_424 = vector.shape_cast %swap3A_423 : vector<1x16xf32> to vector<16xf32>
        %swap3A_425 = vector.shape_cast %mul3A_420 : vector<16xf32> to vector<1x16xf32>
        tpu.vector_store %arg11[%swap3A_421, %swap3A_422], %swap3A_425 {strides = array<i32>} : memref<200x64xf32, #tpu.memory_space<vmem>>, vector<1x16xf32>,
        %get3A_426 = arith.index_cast %add3A_389 : i32 to index
        %get3A_427 = arith.constant 48 : index
        %get3A_428 = tpu.vector_load %arg7[%get3A_426, %get3A_427] {strides = array<i32>} : memref<200x64xf32, #tpu.memory_space<vmem>>, vector<1x16xf32>,
        %get3A_429 = vector.shape_cast %get3A_428 : vector<1x16xf32> to vector<16xf32>
        %mul3A_430 = arith.constant 8.000000e+00 : f32
        %mul3A_431 = vector.broadcast %mul3A_430 : f32 to vector<16xf32>
        %mul3A_432 = arith.mulf %get3A_429, %mul3A_431 : vector<16xf32>
        %swap3A_433 = arith.index_cast %add3A_389 : i32 to index
        %swap3A_434 = arith.constant 48 : index
        %swap3A_435 = tpu.vector_load %arg11[%swap3A_433, %swap3A_434] {strides = array<i32>} : memref<200x64xf32, #tpu.memory_space<vmem>>, vector<1x16xf32>,
        %swap3A_436 = vector.shape_cast %swap3A_435 : vector<1x16xf32> to vector<16xf32>
        %swap3A_437 = vector.shape_cast %mul3A_432 : vector<16xf32> to vector<1x16xf32>
        tpu.vector_store %arg11[%swap3A_433, %swap3A_434], %swap3A_437 {strides = array<i32>} : memref<200x64xf32, #tpu.memory_space<vmem>>, vector<1x16xf32>,
        %mul3A_438 = arith.constant 8 : i32
        %mul3A_439 = arith.muli %scan3A_179, %mul3A_438 : i32
        %add3A_440 = arith.constant 5 : i32
        %add3A_441 = arith.addi %mul3A_439, %add3A_440 : i32
        %get3A_442 = arith.index_cast %add3A_441 : i32 to index
        %get3A_443 = arith.constant 0 : index
        %get3A_444 = tpu.vector_load %arg7[%get3A_442, %get3A_443] {strides = array<i32>} : memref<200x64xf32, #tpu.memory_space<vmem>>, vector<1x16xf32>,
        %get3A_445 = vector.shape_cast %get3A_444 : vector<1x16xf32> to vector<16xf32>
        %mul3A_446 = arith.constant 8.000000e+00 : f32
        %mul3A_447 = vector.broadcast %mul3A_446 : f32 to vector<16xf32>
        %mul3A_448 = arith.mulf %get3A_445, %mul3A_447 : vector<16xf32>
        %swap3A_449 = arith.index_cast %add3A_441 : i32 to index
        %swap3A_450 = arith.constant 0 : index
        %swap3A_451 = tpu.vector_load %arg11[%swap3A_449, %swap3A_450] {strides = array<i32>} : memref<200x64xf32, #tpu.memory_space<vmem>>, vector<1x16xf32>,
        %swap3A_452 = vector.shape_cast %swap3A_451 : vector<1x16xf32> to vector<16xf32>
        %swap3A_453 = vector.shape_cast %mul3A_448 : vector<16xf32> to vector<1x16xf32>
        tpu.vector_store %arg11[%swap3A_449, %swap3A_450], %swap3A_453 {strides = array<i32>} : memref<200x64xf32, #tpu.memory_space<vmem>>, vector<1x16xf32>,
        %get3A_454 = arith.index_cast %add3A_441 : i32 to index
        %get3A_455 = arith.constant 16 : index
        %get3A_456 = tpu.vector_load %arg7[%get3A_454, %get3A_455] {strides = array<i32>} : memref<200x64xf32, #tpu.memory_space<vmem>>, vector<1x16xf32>,
        %get3A_457 = vector.shape_cast %get3A_456 : vector<1x16xf32> to vector<16xf32>
        %mul3A_458 = arith.constant 8.000000e+00 : f32
        %mul3A_459 = vector.broadcast %mul3A_458 : f32 to vector<16xf32>
        %mul3A_460 = arith.mulf %get3A_457, %mul3A_459 : vector<16xf32>
        %swap3A_461 = arith.index_cast %add3A_441 : i32 to index
        %swap3A_462 = arith.constant 16 : index
        %swap3A_463 = tpu.vector_load %arg11[%swap3A_461, %swap3A_462] {strides = array<i32>} : memref<200x64xf32, #tpu.memory_space<vmem>>, vector<1x16xf32>,
        %swap3A_464 = vector.shape_cast %swap3A_463 : vector<1x16xf32> to vector<16xf32>
        %swap3A_465 = vector.shape_cast %mul3A_460 : vector<16xf32> to vector<1x16xf32>
        tpu.vector_store %arg11[%swap3A_461, %swap3A_462], %swap3A_465 {strides = array<i32>} : memref<200x64xf32, #tpu.memory_space<vmem>>, vector<1x16xf32>,
        %get3A_466 = arith.index_cast %add3A_441 : i32 to index
        %get3A_467 = arith.constant 32 : index
        %get3A_468 = tpu.vector_load %arg7[%get3A_466, %get3A_467] {strides = array<i32>} : memref<200x64xf32, #tpu.memory_space<vmem>>, vector<1x16xf32>,
        %get3A_469 = vector.shape_cast %get3A_468 : vector<1x16xf32> to vector<16xf32>
        %mul3A_470 = arith.constant 8.000000e+00 : f32
        %mul3A_471 = vector.broadcast %mul3A_470 : f32 to vector<16xf32>
        %mul3A_472 = arith.mulf %get3A_469, %mul3A_471 : vector<16xf32>
        %swap3A_473 = arith.index_cast %add3A_441 : i32 to index
        %swap3A_474 = arith.constant 32 : index
        %swap3A_475 = tpu.vector_load %arg11[%swap3A_473, %swap3A_474] {strides = array<i32>} : memref<200x64xf32, #tpu.memory_space<vmem>>, vector<1x16xf32>,
        %swap3A_476 = vector.shape_cast %swap3A_475 : vector<1x16xf32> to vector<16xf32>
        %swap3A_477 = vector.shape_cast %mul3A_472 : vector<16xf32> to vector<1x16xf32>
        tpu.vector_store %arg11[%swap3A_473, %swap3A_474], %swap3A_477 {strides = array<i32>} : memref<200x64xf32, #tpu.memory_space<vmem>>, vector<1x16xf32>,
        %get3A_478 = arith.index_cast %add3A_441 : i32 to index
        %get3A_479 = arith.constant 48 : index
        %get3A_480 = tpu.vector_load %arg7[%get3A_478, %get3A_479] {strides = array<i32>} : memref<200x64xf32, #tpu.memory_space<vmem>>, vector<1x16xf32>,
        %get3A_481 = vector.shape_cast %get3A_480 : vector<1x16xf32> to vector<16xf32>
        %mul3A_482 = arith.constant 8.000000e+00 : f32
        %mul3A_483 = vector.broadcast %mul3A_482 : f32 to vector<16xf32>
        %mul3A_484 = arith.mulf %get3A_481, %mul3A_483 : vector<16xf32>
        %swap3A_485 = arith.index_cast %add3A_441 : i32 to index
        %swap3A_486 = arith.constant 48 : index
        %swap3A_487 = tpu.vector_load %arg11[%swap3A_485, %swap3A_486] {strides = array<i32>} : memref<200x64xf32, #tpu.memory_space<vmem>>, vector<1x16xf32>,
        %swap3A_488 = vector.shape_cast %swap3A_487 : vector<1x16xf32> to vector<16xf32>
        %swap3A_489 = vector.shape_cast %mul3A_484 : vector<16xf32> to vector<1x16xf32>
        tpu.vector_store %arg11[%swap3A_485, %swap3A_486], %swap3A_489 {strides = array<i32>} : memref<200x64xf32, #tpu.memory_space<vmem>>, vector<1x16xf32>,
        %mul3A_490 = arith.constant 8 : i32
        %mul3A_491 = arith.muli %scan3A_179, %mul3A_490 : i32
        %add3A_492 = arith.constant 6 : i32
        %add3A_493 = arith.addi %mul3A_491, %add3A_492 : i32
        %get3A_494 = arith.index_cast %add3A_493 : i32 to index
        %get3A_495 = arith.constant 0 : index
        %get3A_496 = tpu.vector_load %arg7[%get3A_494, %get3A_495] {strides = array<i32>} : memref<200x64xf32, #tpu.memory_space<vmem>>, vector<1x16xf32>,
        %get3A_497 = vector.shape_cast %get3A_496 : vector<1x16xf32> to vector<16xf32>
        %mul3A_498 = arith.constant 8.000000e+00 : f32
        %mul3A_499 = vector.broadcast %mul3A_498 : f32 to vector<16xf32>
        %mul3A_500 = arith.mulf %get3A_497, %mul3A_499 : vector<16xf32>
        %swap3A_501 = arith.index_cast %add3A_493 : i32 to index
        %swap3A_502 = arith.constant 0 : index
        %swap3A_503 = tpu.vector_load %arg11[%swap3A_501, %swap3A_502] {strides = array<i32>} : memref<200x64xf32, #tpu.memory_space<vmem>>, vector<1x16xf32>,
        %swap3A_504 = vector.shape_cast %swap3A_503 : vector<1x16xf32> to vector<16xf32>
        %swap3A_505 = vector.shape_cast %mul3A_500 : vector<16xf32> to vector<1x16xf32>
        tpu.vector_store %arg11[%swap3A_501, %swap3A_502], %swap3A_505 {strides = array<i32>} : memref<200x64xf32, #tpu.memory_space<vmem>>, vector<1x16xf32>,
        %get3A_506 = arith.index_cast %add3A_493 : i32 to index
        %get3A_507 = arith.constant 16 : index
        %get3A_508 = tpu.vector_load %arg7[%get3A_506, %get3A_507] {strides = array<i32>} : memref<200x64xf32, #tpu.memory_space<vmem>>, vector<1x16xf32>,
        %get3A_509 = vector.shape_cast %get3A_508 : vector<1x16xf32> to vector<16xf32>
        %mul3A_510 = arith.constant 8.000000e+00 : f32
        %mul3A_511 = vector.broadcast %mul3A_510 : f32 to vector<16xf32>
        %mul3A_512 = arith.mulf %get3A_509, %mul3A_511 : vector<16xf32>
        %swap3A_513 = arith.index_cast %add3A_493 : i32 to index
        %swap3A_514 = arith.constant 16 : index
        %swap3A_515 = tpu.vector_load %arg11[%swap3A_513, %swap3A_514] {strides = array<i32>} : memref<200x64xf32, #tpu.memory_space<vmem>>, vector<1x16xf32>,
        %swap3A_516 = vector.shape_cast %swap3A_515 : vector<1x16xf32> to vector<16xf32>
        %swap3A_517 = vector.shape_cast %mul3A_512 : vector<16xf32> to vector<1x16xf32>
        tpu.vector_store %arg11[%swap3A_513, %swap3A_514], %swap3A_517 {strides = array<i32>} : memref<200x64xf32, #tpu.memory_space<vmem>>, vector<1x16xf32>,
        %get3A_518 = arith.index_cast %add3A_493 : i32 to index
        %get3A_519 = arith.constant 32 : index
        %get3A_520 = tpu.vector_load %arg7[%get3A_518, %get3A_519] {strides = array<i32>} : memref<200x64xf32, #tpu.memory_space<vmem>>, vector<1x16xf32>,
        %get3A_521 = vector.shape_cast %get3A_520 : vector<1x16xf32> to vector<16xf32>
        %mul3A_522 = arith.constant 8.000000e+00 : f32
        %mul3A_523 = vector.broadcast %mul3A_522 : f32 to vector<16xf32>
        %mul3A_524 = arith.mulf %get3A_521, %mul3A_523 : vector<16xf32>
        %swap3A_525 = arith.index_cast %add3A_493 : i32 to index
        %swap3A_526 = arith.constant 32 : index
        %swap3A_527 = tpu.vector_load %arg11[%swap3A_525, %swap3A_526] {strides = array<i32>} : memref<200x64xf32, #tpu.memory_space<vmem>>, vector<1x16xf32>,
        %swap3A_528 = vector.shape_cast %swap3A_527 : vector<1x16xf32> to vector<16xf32>
        %swap3A_529 = vector.shape_cast %mul3A_524 : vector<16xf32> to vector<1x16xf32>
        tpu.vector_store %arg11[%swap3A_525, %swap3A_526], %swap3A_529 {strides = array<i32>} : memref<200x64xf32, #tpu.memory_space<vmem>>, vector<1x16xf32>,
        %get3A_530 = arith.index_cast %add3A_493 : i32 to index
        %get3A_531 = arith.constant 48 : index
        %get3A_532 = tpu.vector_load %arg7[%get3A_530, %get3A_531] {strides = array<i32>} : memref<200x64xf32, #tpu.memory_space<vmem>>, vector<1x16xf32>,
        %get3A_533 = vector.shape_cast %get3A_532 : vector<1x16xf32> to vector<16xf32>
        %mul3A_534 = arith.constant 8.000000e+00 : f32
        %mul3A_535 = vector.broadcast %mul3A_534 : f32 to vector<16xf32>
        %mul3A_536 = arith.mulf %get3A_533, %mul3A_535 : vector<16xf32>
        %swap3A_537 = arith.index_cast %add3A_493 : i32 to index
        %swap3A_538 = arith.constant 48 : index
        %swap3A_539 = tpu.vector_load %arg11[%swap3A_537, %swap3A_538] {strides = array<i32>} : memref<200x64xf32, #tpu.memory_space<vmem>>, vector<1x16xf32>,
        %swap3A_540 = vector.shape_cast %swap3A_539 : vector<1x16xf32> to vector<16xf32>
        %swap3A_541 = vector.shape_cast %mul3A_536 : vector<16xf32> to vector<1x16xf32>
        tpu.vector_store %arg11[%swap3A_537, %swap3A_538], %swap3A_541 {strides = array<i32>} : memref<200x64xf32, #tpu.memory_space<vmem>>, vector<1x16xf32>,
        %mul3A_542 = arith.constant 8 : i32
        %mul3A_543 = arith.muli %scan3A_179, %mul3A_542 : i32
        %add3A_544 = arith.constant 7 : i32
        %add3A_545 = arith.addi %mul3A_543, %add3A_544 : i32
        %get3A_546 = arith.index_cast %add3A_545 : i32 to index
        %get3A_547 = arith.constant 0 : index
        %get3A_548 = tpu.vector_load %arg7[%get3A_546, %get3A_547] {strides = array<i32>} : memref<200x64xf32, #tpu.memory_space<vmem>>, vector<1x16xf32>,
        %get3A_549 = vector.shape_cast %get3A_548 : vector<1x16xf32> to vector<16xf32>
        %mul3A_550 = arith.constant 8.000000e+00 : f32
        %mul3A_551 = vector.broadcast %mul3A_550 : f32 to vector<16xf32>
        %mul3A_552 = arith.mulf %get3A_549, %mul3A_551 : vector<16xf32>
        %swap3A_553 = arith.index_cast %add3A_545 : i32 to index
        %swap3A_554 = arith.constant 0 : index
        %swap3A_555 = tpu.vector_load %arg11[%swap3A_553, %swap3A_554] {strides = array<i32>} : memref<200x64xf32, #tpu.memory_space<vmem>>, vector<1x16xf32>,
        %swap3A_556 = vector.shape_cast %swap3A_555 : vector<1x16xf32> to vector<16xf32>
        %swap3A_557 = vector.shape_cast %mul3A_552 : vector<16xf32> to vector<1x16xf32>
        tpu.vector_store %arg11[%swap3A_553, %swap3A_554], %swap3A_557 {strides = array<i32>} : memref<200x64xf32, #tpu.memory_space<vmem>>, vector<1x16xf32>,
        %get3A_558 = arith.index_cast %add3A_545 : i32 to index
        %get3A_559 = arith.constant 16 : index
        %get3A_560 = tpu.vector_load %arg7[%get3A_558, %get3A_559] {strides = array<i32>} : memref<200x64xf32, #tpu.memory_space<vmem>>, vector<1x16xf32>,
        %get3A_561 = vector.shape_cast %get3A_560 : vector<1x16xf32> to vector<16xf32>
        %mul3A_562 = arith.constant 8.000000e+00 : f32
        %mul3A_563 = vector.broadcast %mul3A_562 : f32 to vector<16xf32>
        %mul3A_564 = arith.mulf %get3A_561, %mul3A_563 : vector<16xf32>
        %swap3A_565 = arith.index_cast %add3A_545 : i32 to index
        %swap3A_566 = arith.constant 16 : index
        %swap3A_567 = tpu.vector_load %arg11[%swap3A_565, %swap3A_566] {strides = array<i32>} : memref<200x64xf32, #tpu.memory_space<vmem>>, vector<1x16xf32>,
        %swap3A_568 = vector.shape_cast %swap3A_567 : vector<1x16xf32> to vector<16xf32>
        %swap3A_569 = vector.shape_cast %mul3A_564 : vector<16xf32> to vector<1x16xf32>
        tpu.vector_store %arg11[%swap3A_565, %swap3A_566], %swap3A_569 {strides = array<i32>} : memref<200x64xf32, #tpu.memory_space<vmem>>, vector<1x16xf32>,
        %get3A_570 = arith.index_cast %add3A_545 : i32 to index
        %get3A_571 = arith.constant 32 : index
        %get3A_572 = tpu.vector_load %arg7[%get3A_570, %get3A_571] {strides = array<i32>} : memref<200x64xf32, #tpu.memory_space<vmem>>, vector<1x16xf32>,
        %get3A_573 = vector.shape_cast %get3A_572 : vector<1x16xf32> to vector<16xf32>
        %mul3A_574 = arith.constant 8.000000e+00 : f32
        %mul3A_575 = vector.broadcast %mul3A_574 : f32 to vector<16xf32>
        %mul3A_576 = arith.mulf %get3A_573, %mul3A_575 : vector<16xf32>
        %swap3A_577 = arith.index_cast %add3A_545 : i32 to index
        %swap3A_578 = arith.constant 32 : index
        %swap3A_579 = tpu.vector_load %arg11[%swap3A_577, %swap3A_578] {strides = array<i32>} : memref<200x64xf32, #tpu.memory_space<vmem>>, vector<1x16xf32>,
        %swap3A_580 = vector.shape_cast %swap3A_579 : vector<1x16xf32> to vector<16xf32>
        %swap3A_581 = vector.shape_cast %mul3A_576 : vector<16xf32> to vector<1x16xf32>
        tpu.vector_store %arg11[%swap3A_577, %swap3A_578], %swap3A_581 {strides = array<i32>} : memref<200x64xf32, #tpu.memory_space<vmem>>, vector<1x16xf32>,
        %get3A_582 = arith.index_cast %add3A_545 : i32 to index
        %get3A_583 = arith.constant 48 : index
        %get3A_584 = tpu.vector_load %arg7[%get3A_582, %get3A_583] {strides = array<i32>} : memref<200x64xf32, #tpu.memory_space<vmem>>, vector<1x16xf32>,
        %get3A_585 = vector.shape_cast %get3A_584 : vector<1x16xf32> to vector<16xf32>
        %mul3A_586 = arith.constant 8.000000e+00 : f32
        %mul3A_587 = vector.broadcast %mul3A_586 : f32 to vector<16xf32>
        %mul3A_588 = arith.mulf %get3A_585, %mul3A_587 : vector<16xf32>
        %swap3A_589 = arith.index_cast %add3A_545 : i32 to index
        %swap3A_590 = arith.constant 48 : index
        %swap3A_591 = tpu.vector_load %arg11[%swap3A_589, %swap3A_590] {strides = array<i32>} : memref<200x64xf32, #tpu.memory_space<vmem>>, vector<1x16xf32>,
        %swap3A_592 = vector.shape_cast %swap3A_591 : vector<1x16xf32> to vector<16xf32>
        %swap3A_593 = vector.shape_cast %mul3A_588 : vector<16xf32> to vector<1x16xf32>
        tpu.vector_store %arg11[%swap3A_589, %swap3A_590], %swap3A_593 {strides = array<i32>} : memref<200x64xf32, #tpu.memory_space<vmem>>, vector<1x16xf32>,
      }
      %scan3A_100 = arith.constant 25 : i32
      %lt3A_101 = arith.constant 31 : i32
      %lt3A_102 = arith.cmpi slt, %scan3A_50, %lt3A_101 : i32
      %convert_element_type3A_103 = arith.extui %lt3A_102 : i1 to i32
      %cond3A_104 = arith.constant 0 : i32
      %cond3A_105 = arith.cmpi ne, %convert_element_type3A_103, %cond3A_104 : i32
      scf.if %cond3A_105 {
        %add3A_179 = arith.constant 4 : i32
        %add3A_180 = arith.addi %add3A_83, %add3A_179 : i32
        %dma_start3A_181 = arith.constant 0 : i32
        %dma_start3A_182 = tpu.memref_slice %arg5[%add3A_180, %dma_start3A_181] : memref<128x200xi32, #tpu.memory_space<vmem>> -> memref<1x200xi32, #tpu.memory_space<vmem>>
        %dma_start3A_183 = tpu.memref_squeeze %dma_start3A_182 : memref<1x200xi32, #tpu.memory_space<vmem>> -> memref<200xi32, #tpu.memory_space<vmem>>
        %dma_start3A_184 = arith.constant 0 : i32
        %dma_start3A_185 = arith.constant 0 : i32
        %dma_start3A_186 = tpu.memref_slice %arg3[%dma_start3A_184, %dma_start3A_185] : memref<1000000x64xf32, #tpu.memory_space<hbm>> -> memref<1000000x64xf32, #tpu.memory_space<hbm>>
        tpu.enqueue_indirect_dma source(%dma_start3A_186 : memref<1000000x64xf32, #tpu.memory_space<hbm>>) target(%arg7 : memref<200x64xf32, #tpu.memory_space<vmem>>) offsets(%dma_start3A_183 : memref<200xi32, #tpu.memory_space<vmem>>) semaphore(%arg13 : memref<!tpu.dma_semaphore, #tpu.memory_space<semaphore_mem>>)
      } else {
      }
      %add3A_106 = arith.addi %mul3A_2, %add3A_83 : i32
      %mul3A_107 = arith.constant 200 : i32
      %mul3A_108 = arith.muli %add3A_106, %mul3A_107 : i32
      %dma_start3A_109 = arith.constant 0 : i32
      %dma_start3A_110 = tpu.memref_slice %arg4[%mul3A_108, %dma_start3A_109] : memref<819200x128xf32, #tpu.memory_space<hbm>> -> memref<200x64xf32, #tpu.memory_space<hbm>>
      %dma_start3A_111 = arith.constant 0 : i32
      %dma_start3A_112 = tpu.memref_slice %arg4[%mul3A_108, %dma_start3A_111] : memref<819200x128xf32, #tpu.memory_space<hbm>> -> memref<200x64xf32, #tpu.memory_space<hbm>>
      tpu.enqueue_dma source(%arg11 : memref<200x64xf32, #tpu.memory_space<vmem>>) target(%dma_start3A_112 : memref<200x64xf32, #tpu.memory_space<hbm>>) target_semaphore(%arg17 : memref<!tpu.dma_semaphore, #tpu.memory_space<semaphore_mem>>)
      %mul3A_113 = arith.constant 4 : i32
      %mul3A_114 = arith.muli %scan3A_50, %mul3A_113 : i32
      %add3A_115 = arith.constant 2 : i32
      %add3A_116 = arith.addi %mul3A_114, %add3A_115 : i32
      %dma_wait3A_117 = arith.constant 0 : i32
      %dma_wait3A_118 = tpu.memref_slice %arg5[%add3A_116, %dma_wait3A_117] : memref<128x200xi32, #tpu.memory_space<vmem>> -> memref<1x200xi32, #tpu.memory_space<vmem>>
      %dma_wait3A_119 = tpu.memref_squeeze %dma_wait3A_118 : memref<1x200xi32, #tpu.memory_space<vmem>> -> memref<200xi32, #tpu.memory_space<vmem>>
      %dma_wait3A_120 = arith.constant 0 : i32
      %dma_wait3A_121 = arith.constant 0 : i32
      %dma_wait3A_122 = tpu.memref_slice %arg3[%dma_wait3A_120, %dma_wait3A_121] : memref<1000000x64xf32, #tpu.memory_space<hbm>> -> memref<1000000x64xf32, #tpu.memory_space<hbm>>
      tpu.wait_indirect_dma semaphore(%arg14 : memref<!tpu.dma_semaphore, #tpu.memory_space<semaphore_mem>>) src(%dma_wait3A_122 : memref<1000000x64xf32, #tpu.memory_space<hbm>>) dst(%arg8 : memref<200x64xf32, #tpu.memory_space<vmem>>)
      %ge3A_123 = arith.constant 2 : i32
      %ge3A_124 = arith.cmpi sge, %add3A_116, %ge3A_123 : i32
      %convert_element_type3A_125 = arith.extui %ge3A_124 : i1 to i32
      %cond3A_126 = arith.constant 0 : i32
      %cond3A_127 = arith.cmpi ne, %convert_element_type3A_125, %cond3A_126 : i32
      scf.if %cond3A_127 {
        %sub3A = arith.constant 2 : i32
        %sub3A_179 = arith.subi %add3A_116, %sub3A : i32
        %add3A_180 = arith.addi %mul3A_2, %sub3A_179 : i32
        %mul3A_181 = arith.constant 200 : i32
        %mul3A_182 = arith.muli %add3A_180, %mul3A_181 : i32
        %dma_wait3A_183 = arith.constant 0 : i32
        %dma_wait3A_184 = tpu.memref_slice %arg4[%mul3A_182, %dma_wait3A_183] : memref<819200x128xf32, #tpu.memory_space<hbm>> -> memref<200x64xf32, #tpu.memory_space<hbm>>
        %dma_wait3A_185 = arith.constant 0 : i32
        %dma_wait3A_186 = tpu.memref_slice %arg4[%mul3A_182, %dma_wait3A_185] : memref<819200x128xf32, #tpu.memory_space<hbm>> -> memref<200x64xf32, #tpu.memory_space<hbm>>
        tpu.wait_dma2 semaphore(%arg16 : memref<!tpu.dma_semaphore, #tpu.memory_space<semaphore_mem>>) src(%arg10 : memref<200x64xf32, #tpu.memory_space<vmem>>) dst(%dma_wait3A_186 : memref<200x64xf32, #tpu.memory_space<hbm>>)
      } else {
      }
      %scan3A_128 = arith.constant 0 : i32
      %scan3A_129 = arith.constant 0 : i32
      %scan3A_130 = arith.constant 25 : i32
      %scan3A_131 = arith.addi %scan3A_129, %scan3A_130 : i32
      %scan3A_132 = arith.constant 1 : i32
      scf.for %scan3A_179 = %scan3A_129 to %scan3A_131 step %scan3A_132  : i32 {
        %mul3A_180 = arith.constant 8 : i32
        %mul3A_181 = arith.muli %scan3A_179, %mul3A_180 : i32
        %add3A_182 = arith.constant 0 : i32
        %add3A_183 = arith.addi %mul3A_181, %add3A_182 : i32
        %get3A = arith.index_cast %add3A_183 : i32 to index
        %get3A_184 = arith.constant 0 : index
        %get3A_185 = tpu.vector_load %arg8[%get3A, %get3A_184] {strides = array<i32>} : memref<200x64xf32, #tpu.memory_space<vmem>>, vector<1x16xf32>,
        %get3A_186 = vector.shape_cast %get3A_185 : vector<1x16xf32> to vector<16xf32>
        %mul3A_187 = arith.constant 8.000000e+00 : f32
        %mul3A_188 = vector.broadcast %mul3A_187 : f32 to vector<16xf32>
        %mul3A_189 = arith.mulf %get3A_186, %mul3A_188 : vector<16xf32>
        %swap3A = arith.index_cast %add3A_183 : i32 to index
        %swap3A_190 = arith.constant 0 : index
        %swap3A_191 = tpu.vector_load %arg10[%swap3A, %swap3A_190] {strides = array<i32>} : memref<200x64xf32, #tpu.memory_space<vmem>>, vector<1x16xf32>,
        %swap3A_192 = vector.shape_cast %swap3A_191 : vector<1x16xf32> to vector<16xf32>
        %swap3A_193 = vector.shape_cast %mul3A_189 : vector<16xf32> to vector<1x16xf32>
        tpu.vector_store %arg10[%swap3A, %swap3A_190], %swap3A_193 {strides = array<i32>} : memref<200x64xf32, #tpu.memory_space<vmem>>, vector<1x16xf32>,
        %get3A_194 = arith.index_cast %add3A_183 : i32 to index
        %get3A_195 = arith.constant 16 : index
        %get3A_196 = tpu.vector_load %arg8[%get3A_194, %get3A_195] {strides = array<i32>} : memref<200x64xf32, #tpu.memory_space<vmem>>, vector<1x16xf32>,
        %get3A_197 = vector.shape_cast %get3A_196 : vector<1x16xf32> to vector<16xf32>
        %mul3A_198 = arith.constant 8.000000e+00 : f32
        %mul3A_199 = vector.broadcast %mul3A_198 : f32 to vector<16xf32>
        %mul3A_200 = arith.mulf %get3A_197, %mul3A_199 : vector<16xf32>
        %swap3A_201 = arith.index_cast %add3A_183 : i32 to index
        %swap3A_202 = arith.constant 16 : index
        %swap3A_203 = tpu.vector_load %arg10[%swap3A_201, %swap3A_202] {strides = array<i32>} : memref<200x64xf32, #tpu.memory_space<vmem>>, vector<1x16xf32>,
        %swap3A_204 = vector.shape_cast %swap3A_203 : vector<1x16xf32> to vector<16xf32>
        %swap3A_205 = vector.shape_cast %mul3A_200 : vector<16xf32> to vector<1x16xf32>
        tpu.vector_store %arg10[%swap3A_201, %swap3A_202], %swap3A_205 {strides = array<i32>} : memref<200x64xf32, #tpu.memory_space<vmem>>, vector<1x16xf32>,
        %get3A_206 = arith.index_cast %add3A_183 : i32 to index
        %get3A_207 = arith.constant 32 : index
        %get3A_208 = tpu.vector_load %arg8[%get3A_206, %get3A_207] {strides = array<i32>} : memref<200x64xf32, #tpu.memory_space<vmem>>, vector<1x16xf32>,
        %get3A_209 = vector.shape_cast %get3A_208 : vector<1x16xf32> to vector<16xf32>
        %mul3A_210 = arith.constant 8.000000e+00 : f32
        %mul3A_211 = vector.broadcast %mul3A_210 : f32 to vector<16xf32>
        %mul3A_212 = arith.mulf %get3A_209, %mul3A_211 : vector<16xf32>
        %swap3A_213 = arith.index_cast %add3A_183 : i32 to index
        %swap3A_214 = arith.constant 32 : index
        %swap3A_215 = tpu.vector_load %arg10[%swap3A_213, %swap3A_214] {strides = array<i32>} : memref<200x64xf32, #tpu.memory_space<vmem>>, vector<1x16xf32>,
        %swap3A_216 = vector.shape_cast %swap3A_215 : vector<1x16xf32> to vector<16xf32>
        %swap3A_217 = vector.shape_cast %mul3A_212 : vector<16xf32> to vector<1x16xf32>
        tpu.vector_store %arg10[%swap3A_213, %swap3A_214], %swap3A_217 {strides = array<i32>} : memref<200x64xf32, #tpu.memory_space<vmem>>, vector<1x16xf32>,
        %get3A_218 = arith.index_cast %add3A_183 : i32 to index
        %get3A_219 = arith.constant 48 : index
        %get3A_220 = tpu.vector_load %arg8[%get3A_218, %get3A_219] {strides = array<i32>} : memref<200x64xf32, #tpu.memory_space<vmem>>, vector<1x16xf32>,
        %get3A_221 = vector.shape_cast %get3A_220 : vector<1x16xf32> to vector<16xf32>
        %mul3A_222 = arith.constant 8.000000e+00 : f32
        %mul3A_223 = vector.broadcast %mul3A_222 : f32 to vector<16xf32>
        %mul3A_224 = arith.mulf %get3A_221, %mul3A_223 : vector<16xf32>
        %swap3A_225 = arith.index_cast %add3A_183 : i32 to index
        %swap3A_226 = arith.constant 48 : index
        %swap3A_227 = tpu.vector_load %arg10[%swap3A_225, %swap3A_226] {strides = array<i32>} : memref<200x64xf32, #tpu.memory_space<vmem>>, vector<1x16xf32>,
        %swap3A_228 = vector.shape_cast %swap3A_227 : vector<1x16xf32> to vector<16xf32>
        %swap3A_229 = vector.shape_cast %mul3A_224 : vector<16xf32> to vector<1x16xf32>
        tpu.vector_store %arg10[%swap3A_225, %swap3A_226], %swap3A_229 {strides = array<i32>} : memref<200x64xf32, #tpu.memory_space<vmem>>, vector<1x16xf32>,
        %mul3A_230 = arith.constant 8 : i32
        %mul3A_231 = arith.muli %scan3A_179, %mul3A_230 : i32
        %add3A_232 = arith.constant 1 : i32
        %add3A_233 = arith.addi %mul3A_231, %add3A_232 : i32
        %get3A_234 = arith.index_cast %add3A_233 : i32 to index
        %get3A_235 = arith.constant 0 : index
        %get3A_236 = tpu.vector_load %arg8[%get3A_234, %get3A_235] {strides = array<i32>} : memref<200x64xf32, #tpu.memory_space<vmem>>, vector<1x16xf32>,
        %get3A_237 = vector.shape_cast %get3A_236 : vector<1x16xf32> to vector<16xf32>
        %mul3A_238 = arith.constant 8.000000e+00 : f32
        %mul3A_239 = vector.broadcast %mul3A_238 : f32 to vector<16xf32>
        %mul3A_240 = arith.mulf %get3A_237, %mul3A_239 : vector<16xf32>
        %swap3A_241 = arith.index_cast %add3A_233 : i32 to index
        %swap3A_242 = arith.constant 0 : index
        %swap3A_243 = tpu.vector_load %arg10[%swap3A_241, %swap3A_242] {strides = array<i32>} : memref<200x64xf32, #tpu.memory_space<vmem>>, vector<1x16xf32>,
        %swap3A_244 = vector.shape_cast %swap3A_243 : vector<1x16xf32> to vector<16xf32>
        %swap3A_245 = vector.shape_cast %mul3A_240 : vector<16xf32> to vector<1x16xf32>
        tpu.vector_store %arg10[%swap3A_241, %swap3A_242], %swap3A_245 {strides = array<i32>} : memref<200x64xf32, #tpu.memory_space<vmem>>, vector<1x16xf32>,
        %get3A_246 = arith.index_cast %add3A_233 : i32 to index
        %get3A_247 = arith.constant 16 : index
        %get3A_248 = tpu.vector_load %arg8[%get3A_246, %get3A_247] {strides = array<i32>} : memref<200x64xf32, #tpu.memory_space<vmem>>, vector<1x16xf32>,
        %get3A_249 = vector.shape_cast %get3A_248 : vector<1x16xf32> to vector<16xf32>
        %mul3A_250 = arith.constant 8.000000e+00 : f32
        %mul3A_251 = vector.broadcast %mul3A_250 : f32 to vector<16xf32>
        %mul3A_252 = arith.mulf %get3A_249, %mul3A_251 : vector<16xf32>
        %swap3A_253 = arith.index_cast %add3A_233 : i32 to index
        %swap3A_254 = arith.constant 16 : index
        %swap3A_255 = tpu.vector_load %arg10[%swap3A_253, %swap3A_254] {strides = array<i32>} : memref<200x64xf32, #tpu.memory_space<vmem>>, vector<1x16xf32>,
        %swap3A_256 = vector.shape_cast %swap3A_255 : vector<1x16xf32> to vector<16xf32>
        %swap3A_257 = vector.shape_cast %mul3A_252 : vector<16xf32> to vector<1x16xf32>
        tpu.vector_store %arg10[%swap3A_253, %swap3A_254], %swap3A_257 {strides = array<i32>} : memref<200x64xf32, #tpu.memory_space<vmem>>, vector<1x16xf32>,
        %get3A_258 = arith.index_cast %add3A_233 : i32 to index
        %get3A_259 = arith.constant 32 : index
        %get3A_260 = tpu.vector_load %arg8[%get3A_258, %get3A_259] {strides = array<i32>} : memref<200x64xf32, #tpu.memory_space<vmem>>, vector<1x16xf32>,
        %get3A_261 = vector.shape_cast %get3A_260 : vector<1x16xf32> to vector<16xf32>
        %mul3A_262 = arith.constant 8.000000e+00 : f32
        %mul3A_263 = vector.broadcast %mul3A_262 : f32 to vector<16xf32>
        %mul3A_264 = arith.mulf %get3A_261, %mul3A_263 : vector<16xf32>
        %swap3A_265 = arith.index_cast %add3A_233 : i32 to index
        %swap3A_266 = arith.constant 32 : index
        %swap3A_267 = tpu.vector_load %arg10[%swap3A_265, %swap3A_266] {strides = array<i32>} : memref<200x64xf32, #tpu.memory_space<vmem>>, vector<1x16xf32>,
        %swap3A_268 = vector.shape_cast %swap3A_267 : vector<1x16xf32> to vector<16xf32>
        %swap3A_269 = vector.shape_cast %mul3A_264 : vector<16xf32> to vector<1x16xf32>
        tpu.vector_store %arg10[%swap3A_265, %swap3A_266], %swap3A_269 {strides = array<i32>} : memref<200x64xf32, #tpu.memory_space<vmem>>, vector<1x16xf32>,
        %get3A_270 = arith.index_cast %add3A_233 : i32 to index
        %get3A_271 = arith.constant 48 : index
        %get3A_272 = tpu.vector_load %arg8[%get3A_270, %get3A_271] {strides = array<i32>} : memref<200x64xf32, #tpu.memory_space<vmem>>, vector<1x16xf32>,
        %get3A_273 = vector.shape_cast %get3A_272 : vector<1x16xf32> to vector<16xf32>
        %mul3A_274 = arith.constant 8.000000e+00 : f32
        %mul3A_275 = vector.broadcast %mul3A_274 : f32 to vector<16xf32>
        %mul3A_276 = arith.mulf %get3A_273, %mul3A_275 : vector<16xf32>
        %swap3A_277 = arith.index_cast %add3A_233 : i32 to index
        %swap3A_278 = arith.constant 48 : index
        %swap3A_279 = tpu.vector_load %arg10[%swap3A_277, %swap3A_278] {strides = array<i32>} : memref<200x64xf32, #tpu.memory_space<vmem>>, vector<1x16xf32>,
        %swap3A_280 = vector.shape_cast %swap3A_279 : vector<1x16xf32> to vector<16xf32>
        %swap3A_281 = vector.shape_cast %mul3A_276 : vector<16xf32> to vector<1x16xf32>
        tpu.vector_store %arg10[%swap3A_277, %swap3A_278], %swap3A_281 {strides = array<i32>} : memref<200x64xf32, #tpu.memory_space<vmem>>, vector<1x16xf32>,
        %mul3A_282 = arith.constant 8 : i32
        %mul3A_283 = arith.muli %scan3A_179, %mul3A_282 : i32
        %add3A_284 = arith.constant 2 : i32
        %add3A_285 = arith.addi %mul3A_283, %add3A_284 : i32
        %get3A_286 = arith.index_cast %add3A_285 : i32 to index
        %get3A_287 = arith.constant 0 : index
        %get3A_288 = tpu.vector_load %arg8[%get3A_286, %get3A_287] {strides = array<i32>} : memref<200x64xf32, #tpu.memory_space<vmem>>, vector<1x16xf32>,
        %get3A_289 = vector.shape_cast %get3A_288 : vector<1x16xf32> to vector<16xf32>
        %mul3A_290 = arith.constant 8.000000e+00 : f32
        %mul3A_291 = vector.broadcast %mul3A_290 : f32 to vector<16xf32>
        %mul3A_292 = arith.mulf %get3A_289, %mul3A_291 : vector<16xf32>
        %swap3A_293 = arith.index_cast %add3A_285 : i32 to index
        %swap3A_294 = arith.constant 0 : index
        %swap3A_295 = tpu.vector_load %arg10[%swap3A_293, %swap3A_294] {strides = array<i32>} : memref<200x64xf32, #tpu.memory_space<vmem>>, vector<1x16xf32>,
        %swap3A_296 = vector.shape_cast %swap3A_295 : vector<1x16xf32> to vector<16xf32>
        %swap3A_297 = vector.shape_cast %mul3A_292 : vector<16xf32> to vector<1x16xf32>
        tpu.vector_store %arg10[%swap3A_293, %swap3A_294], %swap3A_297 {strides = array<i32>} : memref<200x64xf32, #tpu.memory_space<vmem>>, vector<1x16xf32>,
        %get3A_298 = arith.index_cast %add3A_285 : i32 to index
        %get3A_299 = arith.constant 16 : index
        %get3A_300 = tpu.vector_load %arg8[%get3A_298, %get3A_299] {strides = array<i32>} : memref<200x64xf32, #tpu.memory_space<vmem>>, vector<1x16xf32>,
        %get3A_301 = vector.shape_cast %get3A_300 : vector<1x16xf32> to vector<16xf32>
        %mul3A_302 = arith.constant 8.000000e+00 : f32
        %mul3A_303 = vector.broadcast %mul3A_302 : f32 to vector<16xf32>
        %mul3A_304 = arith.mulf %get3A_301, %mul3A_303 : vector<16xf32>
        %swap3A_305 = arith.index_cast %add3A_285 : i32 to index
        %swap3A_306 = arith.constant 16 : index
        %swap3A_307 = tpu.vector_load %arg10[%swap3A_305, %swap3A_306] {strides = array<i32>} : memref<200x64xf32, #tpu.memory_space<vmem>>, vector<1x16xf32>,
        %swap3A_308 = vector.shape_cast %swap3A_307 : vector<1x16xf32> to vector<16xf32>
        %swap3A_309 = vector.shape_cast %mul3A_304 : vector<16xf32> to vector<1x16xf32>
        tpu.vector_store %arg10[%swap3A_305, %swap3A_306], %swap3A_309 {strides = array<i32>} : memref<200x64xf32, #tpu.memory_space<vmem>>, vector<1x16xf32>,
        %get3A_310 = arith.index_cast %add3A_285 : i32 to index
        %get3A_311 = arith.constant 32 : index
        %get3A_312 = tpu.vector_load %arg8[%get3A_310, %get3A_311] {strides = array<i32>} : memref<200x64xf32, #tpu.memory_space<vmem>>, vector<1x16xf32>,
        %get3A_313 = vector.shape_cast %get3A_312 : vector<1x16xf32> to vector<16xf32>
        %mul3A_314 = arith.constant 8.000000e+00 : f32
        %mul3A_315 = vector.broadcast %mul3A_314 : f32 to vector<16xf32>
        %mul3A_316 = arith.mulf %get3A_313, %mul3A_315 : vector<16xf32>
        %swap3A_317 = arith.index_cast %add3A_285 : i32 to index
        %swap3A_318 = arith.constant 32 : index
        %swap3A_319 = tpu.vector_load %arg10[%swap3A_317, %swap3A_318] {strides = array<i32>} : memref<200x64xf32, #tpu.memory_space<vmem>>, vector<1x16xf32>,
        %swap3A_320 = vector.shape_cast %swap3A_319 : vector<1x16xf32> to vector<16xf32>
        %swap3A_321 = vector.shape_cast %mul3A_316 : vector<16xf32> to vector<1x16xf32>
        tpu.vector_store %arg10[%swap3A_317, %swap3A_318], %swap3A_321 {strides = array<i32>} : memref<200x64xf32, #tpu.memory_space<vmem>>, vector<1x16xf32>,
        %get3A_322 = arith.index_cast %add3A_285 : i32 to index
        %get3A_323 = arith.constant 48 : index
        %get3A_324 = tpu.vector_load %arg8[%get3A_322, %get3A_323] {strides = array<i32>} : memref<200x64xf32, #tpu.memory_space<vmem>>, vector<1x16xf32>,
        %get3A_325 = vector.shape_cast %get3A_324 : vector<1x16xf32> to vector<16xf32>
        %mul3A_326 = arith.constant 8.000000e+00 : f32
        %mul3A_327 = vector.broadcast %mul3A_326 : f32 to vector<16xf32>
        %mul3A_328 = arith.mulf %get3A_325, %mul3A_327 : vector<16xf32>
        %swap3A_329 = arith.index_cast %add3A_285 : i32 to index
        %swap3A_330 = arith.constant 48 : index
        %swap3A_331 = tpu.vector_load %arg10[%swap3A_329, %swap3A_330] {strides = array<i32>} : memref<200x64xf32, #tpu.memory_space<vmem>>, vector<1x16xf32>,
        %swap3A_332 = vector.shape_cast %swap3A_331 : vector<1x16xf32> to vector<16xf32>
        %swap3A_333 = vector.shape_cast %mul3A_328 : vector<16xf32> to vector<1x16xf32>
        tpu.vector_store %arg10[%swap3A_329, %swap3A_330], %swap3A_333 {strides = array<i32>} : memref<200x64xf32, #tpu.memory_space<vmem>>, vector<1x16xf32>,
        %mul3A_334 = arith.constant 8 : i32
        %mul3A_335 = arith.muli %scan3A_179, %mul3A_334 : i32
        %add3A_336 = arith.constant 3 : i32
        %add3A_337 = arith.addi %mul3A_335, %add3A_336 : i32
        %get3A_338 = arith.index_cast %add3A_337 : i32 to index
        %get3A_339 = arith.constant 0 : index
        %get3A_340 = tpu.vector_load %arg8[%get3A_338, %get3A_339] {strides = array<i32>} : memref<200x64xf32, #tpu.memory_space<vmem>>, vector<1x16xf32>,
        %get3A_341 = vector.shape_cast %get3A_340 : vector<1x16xf32> to vector<16xf32>
        %mul3A_342 = arith.constant 8.000000e+00 : f32
        %mul3A_343 = vector.broadcast %mul3A_342 : f32 to vector<16xf32>
        %mul3A_344 = arith.mulf %get3A_341, %mul3A_343 : vector<16xf32>
        %swap3A_345 = arith.index_cast %add3A_337 : i32 to index
        %swap3A_346 = arith.constant 0 : index
        %swap3A_347 = tpu.vector_load %arg10[%swap3A_345, %swap3A_346] {strides = array<i32>} : memref<200x64xf32, #tpu.memory_space<vmem>>, vector<1x16xf32>,
        %swap3A_348 = vector.shape_cast %swap3A_347 : vector<1x16xf32> to vector<16xf32>
        %swap3A_349 = vector.shape_cast %mul3A_344 : vector<16xf32> to vector<1x16xf32>
        tpu.vector_store %arg10[%swap3A_345, %swap3A_346], %swap3A_349 {strides = array<i32>} : memref<200x64xf32, #tpu.memory_space<vmem>>, vector<1x16xf32>,
        %get3A_350 = arith.index_cast %add3A_337 : i32 to index
        %get3A_351 = arith.constant 16 : index
        %get3A_352 = tpu.vector_load %arg8[%get3A_350, %get3A_351] {strides = array<i32>} : memref<200x64xf32, #tpu.memory_space<vmem>>, vector<1x16xf32>,
        %get3A_353 = vector.shape_cast %get3A_352 : vector<1x16xf32> to vector<16xf32>
        %mul3A_354 = arith.constant 8.000000e+00 : f32
        %mul3A_355 = vector.broadcast %mul3A_354 : f32 to vector<16xf32>
        %mul3A_356 = arith.mulf %get3A_353, %mul3A_355 : vector<16xf32>
        %swap3A_357 = arith.index_cast %add3A_337 : i32 to index
        %swap3A_358 = arith.constant 16 : index
        %swap3A_359 = tpu.vector_load %arg10[%swap3A_357, %swap3A_358] {strides = array<i32>} : memref<200x64xf32, #tpu.memory_space<vmem>>, vector<1x16xf32>,
        %swap3A_360 = vector.shape_cast %swap3A_359 : vector<1x16xf32> to vector<16xf32>
        %swap3A_361 = vector.shape_cast %mul3A_356 : vector<16xf32> to vector<1x16xf32>
        tpu.vector_store %arg10[%swap3A_357, %swap3A_358], %swap3A_361 {strides = array<i32>} : memref<200x64xf32, #tpu.memory_space<vmem>>, vector<1x16xf32>,
        %get3A_362 = arith.index_cast %add3A_337 : i32 to index
        %get3A_363 = arith.constant 32 : index
        %get3A_364 = tpu.vector_load %arg8[%get3A_362, %get3A_363] {strides = array<i32>} : memref<200x64xf32, #tpu.memory_space<vmem>>, vector<1x16xf32>,
        %get3A_365 = vector.shape_cast %get3A_364 : vector<1x16xf32> to vector<16xf32>
        %mul3A_366 = arith.constant 8.000000e+00 : f32
        %mul3A_367 = vector.broadcast %mul3A_366 : f32 to vector<16xf32>
        %mul3A_368 = arith.mulf %get3A_365, %mul3A_367 : vector<16xf32>
        %swap3A_369 = arith.index_cast %add3A_337 : i32 to index
        %swap3A_370 = arith.constant 32 : index
        %swap3A_371 = tpu.vector_load %arg10[%swap3A_369, %swap3A_370] {strides = array<i32>} : memref<200x64xf32, #tpu.memory_space<vmem>>, vector<1x16xf32>,
        %swap3A_372 = vector.shape_cast %swap3A_371 : vector<1x16xf32> to vector<16xf32>
        %swap3A_373 = vector.shape_cast %mul3A_368 : vector<16xf32> to vector<1x16xf32>
        tpu.vector_store %arg10[%swap3A_369, %swap3A_370], %swap3A_373 {strides = array<i32>} : memref<200x64xf32, #tpu.memory_space<vmem>>, vector<1x16xf32>,
        %get3A_374 = arith.index_cast %add3A_337 : i32 to index
        %get3A_375 = arith.constant 48 : index
        %get3A_376 = tpu.vector_load %arg8[%get3A_374, %get3A_375] {strides = array<i32>} : memref<200x64xf32, #tpu.memory_space<vmem>>, vector<1x16xf32>,
        %get3A_377 = vector.shape_cast %get3A_376 : vector<1x16xf32> to vector<16xf32>
        %mul3A_378 = arith.constant 8.000000e+00 : f32
        %mul3A_379 = vector.broadcast %mul3A_378 : f32 to vector<16xf32>
        %mul3A_380 = arith.mulf %get3A_377, %mul3A_379 : vector<16xf32>
        %swap3A_381 = arith.index_cast %add3A_337 : i32 to index
        %swap3A_382 = arith.constant 48 : index
        %swap3A_383 = tpu.vector_load %arg10[%swap3A_381, %swap3A_382] {strides = array<i32>} : memref<200x64xf32, #tpu.memory_space<vmem>>, vector<1x16xf32>,
        %swap3A_384 = vector.shape_cast %swap3A_383 : vector<1x16xf32> to vector<16xf32>
        %swap3A_385 = vector.shape_cast %mul3A_380 : vector<16xf32> to vector<1x16xf32>
        tpu.vector_store %arg10[%swap3A_381, %swap3A_382], %swap3A_385 {strides = array<i32>} : memref<200x64xf32, #tpu.memory_space<vmem>>, vector<1x16xf32>,
        %mul3A_386 = arith.constant 8 : i32
        %mul3A_387 = arith.muli %scan3A_179, %mul3A_386 : i32
        %add3A_388 = arith.constant 4 : i32
        %add3A_389 = arith.addi %mul3A_387, %add3A_388 : i32
        %get3A_390 = arith.index_cast %add3A_389 : i32 to index
        %get3A_391 = arith.constant 0 : index
        %get3A_392 = tpu.vector_load %arg8[%get3A_390, %get3A_391] {strides = array<i32>} : memref<200x64xf32, #tpu.memory_space<vmem>>, vector<1x16xf32>,
        %get3A_393 = vector.shape_cast %get3A_392 : vector<1x16xf32> to vector<16xf32>
        %mul3A_394 = arith.constant 8.000000e+00 : f32
        %mul3A_395 = vector.broadcast %mul3A_394 : f32 to vector<16xf32>
        %mul3A_396 = arith.mulf %get3A_393, %mul3A_395 : vector<16xf32>
        %swap3A_397 = arith.index_cast %add3A_389 : i32 to index
        %swap3A_398 = arith.constant 0 : index
        %swap3A_399 = tpu.vector_load %arg10[%swap3A_397, %swap3A_398] {strides = array<i32>} : memref<200x64xf32, #tpu.memory_space<vmem>>, vector<1x16xf32>,
        %swap3A_400 = vector.shape_cast %swap3A_399 : vector<1x16xf32> to vector<16xf32>
        %swap3A_401 = vector.shape_cast %mul3A_396 : vector<16xf32> to vector<1x16xf32>
        tpu.vector_store %arg10[%swap3A_397, %swap3A_398], %swap3A_401 {strides = array<i32>} : memref<200x64xf32, #tpu.memory_space<vmem>>, vector<1x16xf32>,
        %get3A_402 = arith.index_cast %add3A_389 : i32 to index
        %get3A_403 = arith.constant 16 : index
        %get3A_404 = tpu.vector_load %arg8[%get3A_402, %get3A_403] {strides = array<i32>} : memref<200x64xf32, #tpu.memory_space<vmem>>, vector<1x16xf32>,
        %get3A_405 = vector.shape_cast %get3A_404 : vector<1x16xf32> to vector<16xf32>
        %mul3A_406 = arith.constant 8.000000e+00 : f32
        %mul3A_407 = vector.broadcast %mul3A_406 : f32 to vector<16xf32>
        %mul3A_408 = arith.mulf %get3A_405, %mul3A_407 : vector<16xf32>
        %swap3A_409 = arith.index_cast %add3A_389 : i32 to index
        %swap3A_410 = arith.constant 16 : index
        %swap3A_411 = tpu.vector_load %arg10[%swap3A_409, %swap3A_410] {strides = array<i32>} : memref<200x64xf32, #tpu.memory_space<vmem>>, vector<1x16xf32>,
        %swap3A_412 = vector.shape_cast %swap3A_411 : vector<1x16xf32> to vector<16xf32>
        %swap3A_413 = vector.shape_cast %mul3A_408 : vector<16xf32> to vector<1x16xf32>
        tpu.vector_store %arg10[%swap3A_409, %swap3A_410], %swap3A_413 {strides = array<i32>} : memref<200x64xf32, #tpu.memory_space<vmem>>, vector<1x16xf32>,
        %get3A_414 = arith.index_cast %add3A_389 : i32 to index
        %get3A_415 = arith.constant 32 : index
        %get3A_416 = tpu.vector_load %arg8[%get3A_414, %get3A_415] {strides = array<i32>} : memref<200x64xf32, #tpu.memory_space<vmem>>, vector<1x16xf32>,
        %get3A_417 = vector.shape_cast %get3A_416 : vector<1x16xf32> to vector<16xf32>
        %mul3A_418 = arith.constant 8.000000e+00 : f32
        %mul3A_419 = vector.broadcast %mul3A_418 : f32 to vector<16xf32>
        %mul3A_420 = arith.mulf %get3A_417, %mul3A_419 : vector<16xf32>
        %swap3A_421 = arith.index_cast %add3A_389 : i32 to index
        %swap3A_422 = arith.constant 32 : index
        %swap3A_423 = tpu.vector_load %arg10[%swap3A_421, %swap3A_422] {strides = array<i32>} : memref<200x64xf32, #tpu.memory_space<vmem>>, vector<1x16xf32>,
        %swap3A_424 = vector.shape_cast %swap3A_423 : vector<1x16xf32> to vector<16xf32>
        %swap3A_425 = vector.shape_cast %mul3A_420 : vector<16xf32> to vector<1x16xf32>
        tpu.vector_store %arg10[%swap3A_421, %swap3A_422], %swap3A_425 {strides = array<i32>} : memref<200x64xf32, #tpu.memory_space<vmem>>, vector<1x16xf32>,
        %get3A_426 = arith.index_cast %add3A_389 : i32 to index
        %get3A_427 = arith.constant 48 : index
        %get3A_428 = tpu.vector_load %arg8[%get3A_426, %get3A_427] {strides = array<i32>} : memref<200x64xf32, #tpu.memory_space<vmem>>, vector<1x16xf32>,
        %get3A_429 = vector.shape_cast %get3A_428 : vector<1x16xf32> to vector<16xf32>
        %mul3A_430 = arith.constant 8.000000e+00 : f32
        %mul3A_431 = vector.broadcast %mul3A_430 : f32 to vector<16xf32>
        %mul3A_432 = arith.mulf %get3A_429, %mul3A_431 : vector<16xf32>
        %swap3A_433 = arith.index_cast %add3A_389 : i32 to index
        %swap3A_434 = arith.constant 48 : index
        %swap3A_435 = tpu.vector_load %arg10[%swap3A_433, %swap3A_434] {strides = array<i32>} : memref<200x64xf32, #tpu.memory_space<vmem>>, vector<1x16xf32>,
        %swap3A_436 = vector.shape_cast %swap3A_435 : vector<1x16xf32> to vector<16xf32>
        %swap3A_437 = vector.shape_cast %mul3A_432 : vector<16xf32> to vector<1x16xf32>
        tpu.vector_store %arg10[%swap3A_433, %swap3A_434], %swap3A_437 {strides = array<i32>} : memref<200x64xf32, #tpu.memory_space<vmem>>, vector<1x16xf32>,
        %mul3A_438 = arith.constant 8 : i32
        %mul3A_439 = arith.muli %scan3A_179, %mul3A_438 : i32
        %add3A_440 = arith.constant 5 : i32
        %add3A_441 = arith.addi %mul3A_439, %add3A_440 : i32
        %get3A_442 = arith.index_cast %add3A_441 : i32 to index
        %get3A_443 = arith.constant 0 : index
        %get3A_444 = tpu.vector_load %arg8[%get3A_442, %get3A_443] {strides = array<i32>} : memref<200x64xf32, #tpu.memory_space<vmem>>, vector<1x16xf32>,
        %get3A_445 = vector.shape_cast %get3A_444 : vector<1x16xf32> to vector<16xf32>
        %mul3A_446 = arith.constant 8.000000e+00 : f32
        %mul3A_447 = vector.broadcast %mul3A_446 : f32 to vector<16xf32>
        %mul3A_448 = arith.mulf %get3A_445, %mul3A_447 : vector<16xf32>
        %swap3A_449 = arith.index_cast %add3A_441 : i32 to index
        %swap3A_450 = arith.constant 0 : index
        %swap3A_451 = tpu.vector_load %arg10[%swap3A_449, %swap3A_450] {strides = array<i32>} : memref<200x64xf32, #tpu.memory_space<vmem>>, vector<1x16xf32>,
        %swap3A_452 = vector.shape_cast %swap3A_451 : vector<1x16xf32> to vector<16xf32>
        %swap3A_453 = vector.shape_cast %mul3A_448 : vector<16xf32> to vector<1x16xf32>
        tpu.vector_store %arg10[%swap3A_449, %swap3A_450], %swap3A_453 {strides = array<i32>} : memref<200x64xf32, #tpu.memory_space<vmem>>, vector<1x16xf32>,
        %get3A_454 = arith.index_cast %add3A_441 : i32 to index
        %get3A_455 = arith.constant 16 : index
        %get3A_456 = tpu.vector_load %arg8[%get3A_454, %get3A_455] {strides = array<i32>} : memref<200x64xf32, #tpu.memory_space<vmem>>, vector<1x16xf32>,
        %get3A_457 = vector.shape_cast %get3A_456 : vector<1x16xf32> to vector<16xf32>
        %mul3A_458 = arith.constant 8.000000e+00 : f32
        %mul3A_459 = vector.broadcast %mul3A_458 : f32 to vector<16xf32>
        %mul3A_460 = arith.mulf %get3A_457, %mul3A_459 : vector<16xf32>
        %swap3A_461 = arith.index_cast %add3A_441 : i32 to index
        %swap3A_462 = arith.constant 16 : index
        %swap3A_463 = tpu.vector_load %arg10[%swap3A_461, %swap3A_462] {strides = array<i32>} : memref<200x64xf32, #tpu.memory_space<vmem>>, vector<1x16xf32>,
        %swap3A_464 = vector.shape_cast %swap3A_463 : vector<1x16xf32> to vector<16xf32>
        %swap3A_465 = vector.shape_cast %mul3A_460 : vector<16xf32> to vector<1x16xf32>
        tpu.vector_store %arg10[%swap3A_461, %swap3A_462], %swap3A_465 {strides = array<i32>} : memref<200x64xf32, #tpu.memory_space<vmem>>, vector<1x16xf32>,
        %get3A_466 = arith.index_cast %add3A_441 : i32 to index
        %get3A_467 = arith.constant 32 : index
        %get3A_468 = tpu.vector_load %arg8[%get3A_466, %get3A_467] {strides = array<i32>} : memref<200x64xf32, #tpu.memory_space<vmem>>, vector<1x16xf32>,
        %get3A_469 = vector.shape_cast %get3A_468 : vector<1x16xf32> to vector<16xf32>
        %mul3A_470 = arith.constant 8.000000e+00 : f32
        %mul3A_471 = vector.broadcast %mul3A_470 : f32 to vector<16xf32>
        %mul3A_472 = arith.mulf %get3A_469, %mul3A_471 : vector<16xf32>
        %swap3A_473 = arith.index_cast %add3A_441 : i32 to index
        %swap3A_474 = arith.constant 32 : index
        %swap3A_475 = tpu.vector_load %arg10[%swap3A_473, %swap3A_474] {strides = array<i32>} : memref<200x64xf32, #tpu.memory_space<vmem>>, vector<1x16xf32>,
        %swap3A_476 = vector.shape_cast %swap3A_475 : vector<1x16xf32> to vector<16xf32>
        %swap3A_477 = vector.shape_cast %mul3A_472 : vector<16xf32> to vector<1x16xf32>
        tpu.vector_store %arg10[%swap3A_473, %swap3A_474], %swap3A_477 {strides = array<i32>} : memref<200x64xf32, #tpu.memory_space<vmem>>, vector<1x16xf32>,
        %get3A_478 = arith.index_cast %add3A_441 : i32 to index
        %get3A_479 = arith.constant 48 : index
        %get3A_480 = tpu.vector_load %arg8[%get3A_478, %get3A_479] {strides = array<i32>} : memref<200x64xf32, #tpu.memory_space<vmem>>, vector<1x16xf32>,
        %get3A_481 = vector.shape_cast %get3A_480 : vector<1x16xf32> to vector<16xf32>
        %mul3A_482 = arith.constant 8.000000e+00 : f32
        %mul3A_483 = vector.broadcast %mul3A_482 : f32 to vector<16xf32>
        %mul3A_484 = arith.mulf %get3A_481, %mul3A_483 : vector<16xf32>
        %swap3A_485 = arith.index_cast %add3A_441 : i32 to index
        %swap3A_486 = arith.constant 48 : index
        %swap3A_487 = tpu.vector_load %arg10[%swap3A_485, %swap3A_486] {strides = array<i32>} : memref<200x64xf32, #tpu.memory_space<vmem>>, vector<1x16xf32>,
        %swap3A_488 = vector.shape_cast %swap3A_487 : vector<1x16xf32> to vector<16xf32>
        %swap3A_489 = vector.shape_cast %mul3A_484 : vector<16xf32> to vector<1x16xf32>
        tpu.vector_store %arg10[%swap3A_485, %swap3A_486], %swap3A_489 {strides = array<i32>} : memref<200x64xf32, #tpu.memory_space<vmem>>, vector<1x16xf32>,
        %mul3A_490 = arith.constant 8 : i32
        %mul3A_491 = arith.muli %scan3A_179, %mul3A_490 : i32
        %add3A_492 = arith.constant 6 : i32
        %add3A_493 = arith.addi %mul3A_491, %add3A_492 : i32
        %get3A_494 = arith.index_cast %add3A_493 : i32 to index
        %get3A_495 = arith.constant 0 : index
        %get3A_496 = tpu.vector_load %arg8[%get3A_494, %get3A_495] {strides = array<i32>} : memref<200x64xf32, #tpu.memory_space<vmem>>, vector<1x16xf32>,
        %get3A_497 = vector.shape_cast %get3A_496 : vector<1x16xf32> to vector<16xf32>
        %mul3A_498 = arith.constant 8.000000e+00 : f32
        %mul3A_499 = vector.broadcast %mul3A_498 : f32 to vector<16xf32>
        %mul3A_500 = arith.mulf %get3A_497, %mul3A_499 : vector<16xf32>
        %swap3A_501 = arith.index_cast %add3A_493 : i32 to index
        %swap3A_502 = arith.constant 0 : index
        %swap3A_503 = tpu.vector_load %arg10[%swap3A_501, %swap3A_502] {strides = array<i32>} : memref<200x64xf32, #tpu.memory_space<vmem>>, vector<1x16xf32>,
        %swap3A_504 = vector.shape_cast %swap3A_503 : vector<1x16xf32> to vector<16xf32>
        %swap3A_505 = vector.shape_cast %mul3A_500 : vector<16xf32> to vector<1x16xf32>
        tpu.vector_store %arg10[%swap3A_501, %swap3A_502], %swap3A_505 {strides = array<i32>} : memref<200x64xf32, #tpu.memory_space<vmem>>, vector<1x16xf32>,
        %get3A_506 = arith.index_cast %add3A_493 : i32 to index
        %get3A_507 = arith.constant 16 : index
        %get3A_508 = tpu.vector_load %arg8[%get3A_506, %get3A_507] {strides = array<i32>} : memref<200x64xf32, #tpu.memory_space<vmem>>, vector<1x16xf32>,
        %get3A_509 = vector.shape_cast %get3A_508 : vector<1x16xf32> to vector<16xf32>
        %mul3A_510 = arith.constant 8.000000e+00 : f32
        %mul3A_511 = vector.broadcast %mul3A_510 : f32 to vector<16xf32>
        %mul3A_512 = arith.mulf %get3A_509, %mul3A_511 : vector<16xf32>
        %swap3A_513 = arith.index_cast %add3A_493 : i32 to index
        %swap3A_514 = arith.constant 16 : index
        %swap3A_515 = tpu.vector_load %arg10[%swap3A_513, %swap3A_514] {strides = array<i32>} : memref<200x64xf32, #tpu.memory_space<vmem>>, vector<1x16xf32>,
        %swap3A_516 = vector.shape_cast %swap3A_515 : vector<1x16xf32> to vector<16xf32>
        %swap3A_517 = vector.shape_cast %mul3A_512 : vector<16xf32> to vector<1x16xf32>
        tpu.vector_store %arg10[%swap3A_513, %swap3A_514], %swap3A_517 {strides = array<i32>} : memref<200x64xf32, #tpu.memory_space<vmem>>, vector<1x16xf32>,
        %get3A_518 = arith.index_cast %add3A_493 : i32 to index
        %get3A_519 = arith.constant 32 : index
        %get3A_520 = tpu.vector_load %arg8[%get3A_518, %get3A_519] {strides = array<i32>} : memref<200x64xf32, #tpu.memory_space<vmem>>, vector<1x16xf32>,
        %get3A_521 = vector.shape_cast %get3A_520 : vector<1x16xf32> to vector<16xf32>
        %mul3A_522 = arith.constant 8.000000e+00 : f32
        %mul3A_523 = vector.broadcast %mul3A_522 : f32 to vector<16xf32>
        %mul3A_524 = arith.mulf %get3A_521, %mul3A_523 : vector<16xf32>
        %swap3A_525 = arith.index_cast %add3A_493 : i32 to index
        %swap3A_526 = arith.constant 32 : index
        %swap3A_527 = tpu.vector_load %arg10[%swap3A_525, %swap3A_526] {strides = array<i32>} : memref<200x64xf32, #tpu.memory_space<vmem>>, vector<1x16xf32>,
        %swap3A_528 = vector.shape_cast %swap3A_527 : vector<1x16xf32> to vector<16xf32>
        %swap3A_529 = vector.shape_cast %mul3A_524 : vector<16xf32> to vector<1x16xf32>
        tpu.vector_store %arg10[%swap3A_525, %swap3A_526], %swap3A_529 {strides = array<i32>} : memref<200x64xf32, #tpu.memory_space<vmem>>, vector<1x16xf32>,
        %get3A_530 = arith.index_cast %add3A_493 : i32 to index
        %get3A_531 = arith.constant 48 : index
        %get3A_532 = tpu.vector_load %arg8[%get3A_530, %get3A_531] {strides = array<i32>} : memref<200x64xf32, #tpu.memory_space<vmem>>, vector<1x16xf32>,
        %get3A_533 = vector.shape_cast %get3A_532 : vector<1x16xf32> to vector<16xf32>
        %mul3A_534 = arith.constant 8.000000e+00 : f32
        %mul3A_535 = vector.broadcast %mul3A_534 : f32 to vector<16xf32>
        %mul3A_536 = arith.mulf %get3A_533, %mul3A_535 : vector<16xf32>
        %swap3A_537 = arith.index_cast %add3A_493 : i32 to index
        %swap3A_538 = arith.constant 48 : index
        %swap3A_539 = tpu.vector_load %arg10[%swap3A_537, %swap3A_538] {strides = array<i32>} : memref<200x64xf32, #tpu.memory_space<vmem>>, vector<1x16xf32>,
        %swap3A_540 = vector.shape_cast %swap3A_539 : vector<1x16xf32> to vector<16xf32>
        %swap3A_541 = vector.shape_cast %mul3A_536 : vector<16xf32> to vector<1x16xf32>
        tpu.vector_store %arg10[%swap3A_537, %swap3A_538], %swap3A_541 {strides = array<i32>} : memref<200x64xf32, #tpu.memory_space<vmem>>, vector<1x16xf32>,
        %mul3A_542 = arith.constant 8 : i32
        %mul3A_543 = arith.muli %scan3A_179, %mul3A_542 : i32
        %add3A_544 = arith.constant 7 : i32
        %add3A_545 = arith.addi %mul3A_543, %add3A_544 : i32
        %get3A_546 = arith.index_cast %add3A_545 : i32 to index
        %get3A_547 = arith.constant 0 : index
        %get3A_548 = tpu.vector_load %arg8[%get3A_546, %get3A_547] {strides = array<i32>} : memref<200x64xf32, #tpu.memory_space<vmem>>, vector<1x16xf32>,
        %get3A_549 = vector.shape_cast %get3A_548 : vector<1x16xf32> to vector<16xf32>
        %mul3A_550 = arith.constant 8.000000e+00 : f32
        %mul3A_551 = vector.broadcast %mul3A_550 : f32 to vector<16xf32>
        %mul3A_552 = arith.mulf %get3A_549, %mul3A_551 : vector<16xf32>
        %swap3A_553 = arith.index_cast %add3A_545 : i32 to index
        %swap3A_554 = arith.constant 0 : index
        %swap3A_555 = tpu.vector_load %arg10[%swap3A_553, %swap3A_554] {strides = array<i32>} : memref<200x64xf32, #tpu.memory_space<vmem>>, vector<1x16xf32>,
        %swap3A_556 = vector.shape_cast %swap3A_555 : vector<1x16xf32> to vector<16xf32>
        %swap3A_557 = vector.shape_cast %mul3A_552 : vector<16xf32> to vector<1x16xf32>
        tpu.vector_store %arg10[%swap3A_553, %swap3A_554], %swap3A_557 {strides = array<i32>} : memref<200x64xf32, #tpu.memory_space<vmem>>, vector<1x16xf32>,
        %get3A_558 = arith.index_cast %add3A_545 : i32 to index
        %get3A_559 = arith.constant 16 : index
        %get3A_560 = tpu.vector_load %arg8[%get3A_558, %get3A_559] {strides = array<i32>} : memref<200x64xf32, #tpu.memory_space<vmem>>, vector<1x16xf32>,
        %get3A_561 = vector.shape_cast %get3A_560 : vector<1x16xf32> to vector<16xf32>
        %mul3A_562 = arith.constant 8.000000e+00 : f32
        %mul3A_563 = vector.broadcast %mul3A_562 : f32 to vector<16xf32>
        %mul3A_564 = arith.mulf %get3A_561, %mul3A_563 : vector<16xf32>
        %swap3A_565 = arith.index_cast %add3A_545 : i32 to index
        %swap3A_566 = arith.constant 16 : index
        %swap3A_567 = tpu.vector_load %arg10[%swap3A_565, %swap3A_566] {strides = array<i32>} : memref<200x64xf32, #tpu.memory_space<vmem>>, vector<1x16xf32>,
        %swap3A_568 = vector.shape_cast %swap3A_567 : vector<1x16xf32> to vector<16xf32>
        %swap3A_569 = vector.shape_cast %mul3A_564 : vector<16xf32> to vector<1x16xf32>
        tpu.vector_store %arg10[%swap3A_565, %swap3A_566], %swap3A_569 {strides = array<i32>} : memref<200x64xf32, #tpu.memory_space<vmem>>, vector<1x16xf32>,
        %get3A_570 = arith.index_cast %add3A_545 : i32 to index
        %get3A_571 = arith.constant 32 : index
        %get3A_572 = tpu.vector_load %arg8[%get3A_570, %get3A_571] {strides = array<i32>} : memref<200x64xf32, #tpu.memory_space<vmem>>, vector<1x16xf32>,
        %get3A_573 = vector.shape_cast %get3A_572 : vector<1x16xf32> to vector<16xf32>
        %mul3A_574 = arith.constant 8.000000e+00 : f32
        %mul3A_575 = vector.broadcast %mul3A_574 : f32 to vector<16xf32>
        %mul3A_576 = arith.mulf %get3A_573, %mul3A_575 : vector<16xf32>
        %swap3A_577 = arith.index_cast %add3A_545 : i32 to index
        %swap3A_578 = arith.constant 32 : index
        %swap3A_579 = tpu.vector_load %arg10[%swap3A_577, %swap3A_578] {strides = array<i32>} : memref<200x64xf32, #tpu.memory_space<vmem>>, vector<1x16xf32>,
        %swap3A_580 = vector.shape_cast %swap3A_579 : vector<1x16xf32> to vector<16xf32>
        %swap3A_581 = vector.shape_cast %mul3A_576 : vector<16xf32> to vector<1x16xf32>
        tpu.vector_store %arg10[%swap3A_577, %swap3A_578], %swap3A_581 {strides = array<i32>} : memref<200x64xf32, #tpu.memory_space<vmem>>, vector<1x16xf32>,
        %get3A_582 = arith.index_cast %add3A_545 : i32 to index
        %get3A_583 = arith.constant 48 : index
        %get3A_584 = tpu.vector_load %arg8[%get3A_582, %get3A_583] {strides = array<i32>} : memref<200x64xf32, #tpu.memory_space<vmem>>, vector<1x16xf32>,
        %get3A_585 = vector.shape_cast %get3A_584 : vector<1x16xf32> to vector<16xf32>
        %mul3A_586 = arith.constant 8.000000e+00 : f32
        %mul3A_587 = vector.broadcast %mul3A_586 : f32 to vector<16xf32>
        %mul3A_588 = arith.mulf %get3A_585, %mul3A_587 : vector<16xf32>
        %swap3A_589 = arith.index_cast %add3A_545 : i32 to index
        %swap3A_590 = arith.constant 48 : index
        %swap3A_591 = tpu.vector_load %arg10[%swap3A_589, %swap3A_590] {strides = array<i32>} : memref<200x64xf32, #tpu.memory_space<vmem>>, vector<1x16xf32>,
        %swap3A_592 = vector.shape_cast %swap3A_591 : vector<1x16xf32> to vector<16xf32>
        %swap3A_593 = vector.shape_cast %mul3A_588 : vector<16xf32> to vector<1x16xf32>
        tpu.vector_store %arg10[%swap3A_589, %swap3A_590], %swap3A_593 {strides = array<i32>} : memref<200x64xf32, #tpu.memory_space<vmem>>, vector<1x16xf32>,
      }
      %scan3A_133 = arith.constant 25 : i32
      %lt3A_134 = arith.constant 31 : i32
      %lt3A_135 = arith.cmpi slt, %scan3A_50, %lt3A_134 : i32
      %convert_element_type3A_136 = arith.extui %lt3A_135 : i1 to i32
      %cond3A_137 = arith.constant 0 : i32
      %cond3A_138 = arith.cmpi ne, %convert_element_type3A_136, %cond3A_137 : i32
      scf.if %cond3A_138 {
        %add3A_179 = arith.constant 4 : i32
        %add3A_180 = arith.addi %add3A_116, %add3A_179 : i32
        %dma_start3A_181 = arith.constant 0 : i32
        %dma_start3A_182 = tpu.memref_slice %arg5[%add3A_180, %dma_start3A_181] : memref<128x200xi32, #tpu.memory_space<vmem>> -> memref<1x200xi32, #tpu.memory_space<vmem>>
        %dma_start3A_183 = tpu.memref_squeeze %dma_start3A_182 : memref<1x200xi32, #tpu.memory_space<vmem>> -> memref<200xi32, #tpu.memory_space<vmem>>
        %dma_start3A_184 = arith.constant 0 : i32
        %dma_start3A_185 = arith.constant 0 : i32
        %dma_start3A_186 = tpu.memref_slice %arg3[%dma_start3A_184, %dma_start3A_185] : memref<1000000x64xf32, #tpu.memory_space<hbm>> -> memref<1000000x64xf32, #tpu.memory_space<hbm>>
        tpu.enqueue_indirect_dma source(%dma_start3A_186 : memref<1000000x64xf32, #tpu.memory_space<hbm>>) target(%arg8 : memref<200x64xf32, #tpu.memory_space<vmem>>) offsets(%dma_start3A_183 : memref<200xi32, #tpu.memory_space<vmem>>) semaphore(%arg14 : memref<!tpu.dma_semaphore, #tpu.memory_space<semaphore_mem>>)
      } else {
      }
      %add3A_139 = arith.addi %mul3A_2, %add3A_116 : i32
      %mul3A_140 = arith.constant 200 : i32
      %mul3A_141 = arith.muli %add3A_139, %mul3A_140 : i32
      %dma_start3A_142 = arith.constant 0 : i32
      %dma_start3A_143 = tpu.memref_slice %arg4[%mul3A_141, %dma_start3A_142] : memref<819200x128xf32, #tpu.memory_space<hbm>> -> memref<200x64xf32, #tpu.memory_space<hbm>>
      %dma_start3A_144 = arith.constant 0 : i32
      %dma_start3A_145 = tpu.memref_slice %arg4[%mul3A_141, %dma_start3A_144] : memref<819200x128xf32, #tpu.memory_space<hbm>> -> memref<200x64xf32, #tpu.memory_space<hbm>>
      tpu.enqueue_dma source(%arg10 : memref<200x64xf32, #tpu.memory_space<vmem>>) target(%dma_start3A_145 : memref<200x64xf32, #tpu.memory_space<hbm>>) target_semaphore(%arg16 : memref<!tpu.dma_semaphore, #tpu.memory_space<semaphore_mem>>)
      %mul3A_146 = arith.constant 4 : i32
      %mul3A_147 = arith.muli %scan3A_50, %mul3A_146 : i32
      %add3A_148 = arith.constant 3 : i32
      %add3A_149 = arith.addi %mul3A_147, %add3A_148 : i32
      %dma_wait3A_150 = arith.constant 0 : i32
      %dma_wait3A_151 = tpu.memref_slice %arg5[%add3A_149, %dma_wait3A_150] : memref<128x200xi32, #tpu.memory_space<vmem>> -> memref<1x200xi32, #tpu.memory_space<vmem>>
      %dma_wait3A_152 = tpu.memref_squeeze %dma_wait3A_151 : memref<1x200xi32, #tpu.memory_space<vmem>> -> memref<200xi32, #tpu.memory_space<vmem>>
      %dma_wait3A_153 = arith.constant 0 : i32
      %dma_wait3A_154 = arith.constant 0 : i32
      %dma_wait3A_155 = tpu.memref_slice %arg3[%dma_wait3A_153, %dma_wait3A_154] : memref<1000000x64xf32, #tpu.memory_space<hbm>> -> memref<1000000x64xf32, #tpu.memory_space<hbm>>
      tpu.wait_indirect_dma semaphore(%arg15 : memref<!tpu.dma_semaphore, #tpu.memory_space<semaphore_mem>>) src(%dma_wait3A_155 : memref<1000000x64xf32, #tpu.memory_space<hbm>>) dst(%arg9 : memref<200x64xf32, #tpu.memory_space<vmem>>)
      %ge3A_156 = arith.constant 2 : i32
      %ge3A_157 = arith.cmpi sge, %add3A_149, %ge3A_156 : i32
      %convert_element_type3A_158 = arith.extui %ge3A_157 : i1 to i32
      %cond3A_159 = arith.constant 0 : i32
      %cond3A_160 = arith.cmpi ne, %convert_element_type3A_158, %cond3A_159 : i32
      scf.if %cond3A_160 {
        %sub3A = arith.constant 2 : i32
        %sub3A_179 = arith.subi %add3A_149, %sub3A : i32
        %add3A_180 = arith.addi %mul3A_2, %sub3A_179 : i32
        %mul3A_181 = arith.constant 200 : i32
        %mul3A_182 = arith.muli %add3A_180, %mul3A_181 : i32
        %dma_wait3A_183 = arith.constant 0 : i32
        %dma_wait3A_184 = tpu.memref_slice %arg4[%mul3A_182, %dma_wait3A_183] : memref<819200x128xf32, #tpu.memory_space<hbm>> -> memref<200x64xf32, #tpu.memory_space<hbm>>
        %dma_wait3A_185 = arith.constant 0 : i32
        %dma_wait3A_186 = tpu.memref_slice %arg4[%mul3A_182, %dma_wait3A_185] : memref<819200x128xf32, #tpu.memory_space<hbm>> -> memref<200x64xf32, #tpu.memory_space<hbm>>
        tpu.wait_dma2 semaphore(%arg17 : memref<!tpu.dma_semaphore, #tpu.memory_space<semaphore_mem>>) src(%arg11 : memref<200x64xf32, #tpu.memory_space<vmem>>) dst(%dma_wait3A_186 : memref<200x64xf32, #tpu.memory_space<hbm>>)
      } else {
      }
      %scan3A_161 = arith.constant 0 : i32
      %scan3A_162 = arith.constant 0 : i32
      %scan3A_163 = arith.constant 25 : i32
      %scan3A_164 = arith.addi %scan3A_162, %scan3A_163 : i32
      %scan3A_165 = arith.constant 1 : i32
      scf.for %scan3A_179 = %scan3A_162 to %scan3A_164 step %scan3A_165  : i32 {
        %mul3A_180 = arith.constant 8 : i32
        %mul3A_181 = arith.muli %scan3A_179, %mul3A_180 : i32
        %add3A_182 = arith.constant 0 : i32
        %add3A_183 = arith.addi %mul3A_181, %add3A_182 : i32
        %get3A = arith.index_cast %add3A_183 : i32 to index
        %get3A_184 = arith.constant 0 : index
        %get3A_185 = tpu.vector_load %arg9[%get3A, %get3A_184] {strides = array<i32>} : memref<200x64xf32, #tpu.memory_space<vmem>>, vector<1x16xf32>,
        %get3A_186 = vector.shape_cast %get3A_185 : vector<1x16xf32> to vector<16xf32>
        %mul3A_187 = arith.constant 8.000000e+00 : f32
        %mul3A_188 = vector.broadcast %mul3A_187 : f32 to vector<16xf32>
        %mul3A_189 = arith.mulf %get3A_186, %mul3A_188 : vector<16xf32>
        %swap3A = arith.index_cast %add3A_183 : i32 to index
        %swap3A_190 = arith.constant 0 : index
        %swap3A_191 = tpu.vector_load %arg11[%swap3A, %swap3A_190] {strides = array<i32>} : memref<200x64xf32, #tpu.memory_space<vmem>>, vector<1x16xf32>,
        %swap3A_192 = vector.shape_cast %swap3A_191 : vector<1x16xf32> to vector<16xf32>
        %swap3A_193 = vector.shape_cast %mul3A_189 : vector<16xf32> to vector<1x16xf32>
        tpu.vector_store %arg11[%swap3A, %swap3A_190], %swap3A_193 {strides = array<i32>} : memref<200x64xf32, #tpu.memory_space<vmem>>, vector<1x16xf32>,
        %get3A_194 = arith.index_cast %add3A_183 : i32 to index
        %get3A_195 = arith.constant 16 : index
        %get3A_196 = tpu.vector_load %arg9[%get3A_194, %get3A_195] {strides = array<i32>} : memref<200x64xf32, #tpu.memory_space<vmem>>, vector<1x16xf32>,
        %get3A_197 = vector.shape_cast %get3A_196 : vector<1x16xf32> to vector<16xf32>
        %mul3A_198 = arith.constant 8.000000e+00 : f32
        %mul3A_199 = vector.broadcast %mul3A_198 : f32 to vector<16xf32>
        %mul3A_200 = arith.mulf %get3A_197, %mul3A_199 : vector<16xf32>
        %swap3A_201 = arith.index_cast %add3A_183 : i32 to index
        %swap3A_202 = arith.constant 16 : index
        %swap3A_203 = tpu.vector_load %arg11[%swap3A_201, %swap3A_202] {strides = array<i32>} : memref<200x64xf32, #tpu.memory_space<vmem>>, vector<1x16xf32>,
        %swap3A_204 = vector.shape_cast %swap3A_203 : vector<1x16xf32> to vector<16xf32>
        %swap3A_205 = vector.shape_cast %mul3A_200 : vector<16xf32> to vector<1x16xf32>
        tpu.vector_store %arg11[%swap3A_201, %swap3A_202], %swap3A_205 {strides = array<i32>} : memref<200x64xf32, #tpu.memory_space<vmem>>, vector<1x16xf32>,
        %get3A_206 = arith.index_cast %add3A_183 : i32 to index
        %get3A_207 = arith.constant 32 : index
        %get3A_208 = tpu.vector_load %arg9[%get3A_206, %get3A_207] {strides = array<i32>} : memref<200x64xf32, #tpu.memory_space<vmem>>, vector<1x16xf32>,
        %get3A_209 = vector.shape_cast %get3A_208 : vector<1x16xf32> to vector<16xf32>
        %mul3A_210 = arith.constant 8.000000e+00 : f32
        %mul3A_211 = vector.broadcast %mul3A_210 : f32 to vector<16xf32>
        %mul3A_212 = arith.mulf %get3A_209, %mul3A_211 : vector<16xf32>
        %swap3A_213 = arith.index_cast %add3A_183 : i32 to index
        %swap3A_214 = arith.constant 32 : index
        %swap3A_215 = tpu.vector_load %arg11[%swap3A_213, %swap3A_214] {strides = array<i32>} : memref<200x64xf32, #tpu.memory_space<vmem>>, vector<1x16xf32>,
        %swap3A_216 = vector.shape_cast %swap3A_215 : vector<1x16xf32> to vector<16xf32>
        %swap3A_217 = vector.shape_cast %mul3A_212 : vector<16xf32> to vector<1x16xf32>
        tpu.vector_store %arg11[%swap3A_213, %swap3A_214], %swap3A_217 {strides = array<i32>} : memref<200x64xf32, #tpu.memory_space<vmem>>, vector<1x16xf32>,
        %get3A_218 = arith.index_cast %add3A_183 : i32 to index
        %get3A_219 = arith.constant 48 : index
        %get3A_220 = tpu.vector_load %arg9[%get3A_218, %get3A_219] {strides = array<i32>} : memref<200x64xf32, #tpu.memory_space<vmem>>, vector<1x16xf32>,
        %get3A_221 = vector.shape_cast %get3A_220 : vector<1x16xf32> to vector<16xf32>
        %mul3A_222 = arith.constant 8.000000e+00 : f32
        %mul3A_223 = vector.broadcast %mul3A_222 : f32 to vector<16xf32>
        %mul3A_224 = arith.mulf %get3A_221, %mul3A_223 : vector<16xf32>
        %swap3A_225 = arith.index_cast %add3A_183 : i32 to index
        %swap3A_226 = arith.constant 48 : index
        %swap3A_227 = tpu.vector_load %arg11[%swap3A_225, %swap3A_226] {strides = array<i32>} : memref<200x64xf32, #tpu.memory_space<vmem>>, vector<1x16xf32>,
        %swap3A_228 = vector.shape_cast %swap3A_227 : vector<1x16xf32> to vector<16xf32>
        %swap3A_229 = vector.shape_cast %mul3A_224 : vector<16xf32> to vector<1x16xf32>
        tpu.vector_store %arg11[%swap3A_225, %swap3A_226], %swap3A_229 {strides = array<i32>} : memref<200x64xf32, #tpu.memory_space<vmem>>, vector<1x16xf32>,
        %mul3A_230 = arith.constant 8 : i32
        %mul3A_231 = arith.muli %scan3A_179, %mul3A_230 : i32
        %add3A_232 = arith.constant 1 : i32
        %add3A_233 = arith.addi %mul3A_231, %add3A_232 : i32
        %get3A_234 = arith.index_cast %add3A_233 : i32 to index
        %get3A_235 = arith.constant 0 : index
        %get3A_236 = tpu.vector_load %arg9[%get3A_234, %get3A_235] {strides = array<i32>} : memref<200x64xf32, #tpu.memory_space<vmem>>, vector<1x16xf32>,
        %get3A_237 = vector.shape_cast %get3A_236 : vector<1x16xf32> to vector<16xf32>
        %mul3A_238 = arith.constant 8.000000e+00 : f32
        %mul3A_239 = vector.broadcast %mul3A_238 : f32 to vector<16xf32>
        %mul3A_240 = arith.mulf %get3A_237, %mul3A_239 : vector<16xf32>
        %swap3A_241 = arith.index_cast %add3A_233 : i32 to index
        %swap3A_242 = arith.constant 0 : index
        %swap3A_243 = tpu.vector_load %arg11[%swap3A_241, %swap3A_242] {strides = array<i32>} : memref<200x64xf32, #tpu.memory_space<vmem>>, vector<1x16xf32>,
        %swap3A_244 = vector.shape_cast %swap3A_243 : vector<1x16xf32> to vector<16xf32>
        %swap3A_245 = vector.shape_cast %mul3A_240 : vector<16xf32> to vector<1x16xf32>
        tpu.vector_store %arg11[%swap3A_241, %swap3A_242], %swap3A_245 {strides = array<i32>} : memref<200x64xf32, #tpu.memory_space<vmem>>, vector<1x16xf32>,
        %get3A_246 = arith.index_cast %add3A_233 : i32 to index
        %get3A_247 = arith.constant 16 : index
        %get3A_248 = tpu.vector_load %arg9[%get3A_246, %get3A_247] {strides = array<i32>} : memref<200x64xf32, #tpu.memory_space<vmem>>, vector<1x16xf32>,
        %get3A_249 = vector.shape_cast %get3A_248 : vector<1x16xf32> to vector<16xf32>
        %mul3A_250 = arith.constant 8.000000e+00 : f32
        %mul3A_251 = vector.broadcast %mul3A_250 : f32 to vector<16xf32>
        %mul3A_252 = arith.mulf %get3A_249, %mul3A_251 : vector<16xf32>
        %swap3A_253 = arith.index_cast %add3A_233 : i32 to index
        %swap3A_254 = arith.constant 16 : index
        %swap3A_255 = tpu.vector_load %arg11[%swap3A_253, %swap3A_254] {strides = array<i32>} : memref<200x64xf32, #tpu.memory_space<vmem>>, vector<1x16xf32>,
        %swap3A_256 = vector.shape_cast %swap3A_255 : vector<1x16xf32> to vector<16xf32>
        %swap3A_257 = vector.shape_cast %mul3A_252 : vector<16xf32> to vector<1x16xf32>
        tpu.vector_store %arg11[%swap3A_253, %swap3A_254], %swap3A_257 {strides = array<i32>} : memref<200x64xf32, #tpu.memory_space<vmem>>, vector<1x16xf32>,
        %get3A_258 = arith.index_cast %add3A_233 : i32 to index
        %get3A_259 = arith.constant 32 : index
        %get3A_260 = tpu.vector_load %arg9[%get3A_258, %get3A_259] {strides = array<i32>} : memref<200x64xf32, #tpu.memory_space<vmem>>, vector<1x16xf32>,
        %get3A_261 = vector.shape_cast %get3A_260 : vector<1x16xf32> to vector<16xf32>
        %mul3A_262 = arith.constant 8.000000e+00 : f32
        %mul3A_263 = vector.broadcast %mul3A_262 : f32 to vector<16xf32>
        %mul3A_264 = arith.mulf %get3A_261, %mul3A_263 : vector<16xf32>
        %swap3A_265 = arith.index_cast %add3A_233 : i32 to index
        %swap3A_266 = arith.constant 32 : index
        %swap3A_267 = tpu.vector_load %arg11[%swap3A_265, %swap3A_266] {strides = array<i32>} : memref<200x64xf32, #tpu.memory_space<vmem>>, vector<1x16xf32>,
        %swap3A_268 = vector.shape_cast %swap3A_267 : vector<1x16xf32> to vector<16xf32>
        %swap3A_269 = vector.shape_cast %mul3A_264 : vector<16xf32> to vector<1x16xf32>
        tpu.vector_store %arg11[%swap3A_265, %swap3A_266], %swap3A_269 {strides = array<i32>} : memref<200x64xf32, #tpu.memory_space<vmem>>, vector<1x16xf32>,
        %get3A_270 = arith.index_cast %add3A_233 : i32 to index
        %get3A_271 = arith.constant 48 : index
        %get3A_272 = tpu.vector_load %arg9[%get3A_270, %get3A_271] {strides = array<i32>} : memref<200x64xf32, #tpu.memory_space<vmem>>, vector<1x16xf32>,
        %get3A_273 = vector.shape_cast %get3A_272 : vector<1x16xf32> to vector<16xf32>
        %mul3A_274 = arith.constant 8.000000e+00 : f32
        %mul3A_275 = vector.broadcast %mul3A_274 : f32 to vector<16xf32>
        %mul3A_276 = arith.mulf %get3A_273, %mul3A_275 : vector<16xf32>
        %swap3A_277 = arith.index_cast %add3A_233 : i32 to index
        %swap3A_278 = arith.constant 48 : index
        %swap3A_279 = tpu.vector_load %arg11[%swap3A_277, %swap3A_278] {strides = array<i32>} : memref<200x64xf32, #tpu.memory_space<vmem>>, vector<1x16xf32>,
        %swap3A_280 = vector.shape_cast %swap3A_279 : vector<1x16xf32> to vector<16xf32>
        %swap3A_281 = vector.shape_cast %mul3A_276 : vector<16xf32> to vector<1x16xf32>
        tpu.vector_store %arg11[%swap3A_277, %swap3A_278], %swap3A_281 {strides = array<i32>} : memref<200x64xf32, #tpu.memory_space<vmem>>, vector<1x16xf32>,
        %mul3A_282 = arith.constant 8 : i32
        %mul3A_283 = arith.muli %scan3A_179, %mul3A_282 : i32
        %add3A_284 = arith.constant 2 : i32
        %add3A_285 = arith.addi %mul3A_283, %add3A_284 : i32
        %get3A_286 = arith.index_cast %add3A_285 : i32 to index
        %get3A_287 = arith.constant 0 : index
        %get3A_288 = tpu.vector_load %arg9[%get3A_286, %get3A_287] {strides = array<i32>} : memref<200x64xf32, #tpu.memory_space<vmem>>, vector<1x16xf32>,
        %get3A_289 = vector.shape_cast %get3A_288 : vector<1x16xf32> to vector<16xf32>
        %mul3A_290 = arith.constant 8.000000e+00 : f32
        %mul3A_291 = vector.broadcast %mul3A_290 : f32 to vector<16xf32>
        %mul3A_292 = arith.mulf %get3A_289, %mul3A_291 : vector<16xf32>
        %swap3A_293 = arith.index_cast %add3A_285 : i32 to index
        %swap3A_294 = arith.constant 0 : index
        %swap3A_295 = tpu.vector_load %arg11[%swap3A_293, %swap3A_294] {strides = array<i32>} : memref<200x64xf32, #tpu.memory_space<vmem>>, vector<1x16xf32>,
        %swap3A_296 = vector.shape_cast %swap3A_295 : vector<1x16xf32> to vector<16xf32>
        %swap3A_297 = vector.shape_cast %mul3A_292 : vector<16xf32> to vector<1x16xf32>
        tpu.vector_store %arg11[%swap3A_293, %swap3A_294], %swap3A_297 {strides = array<i32>} : memref<200x64xf32, #tpu.memory_space<vmem>>, vector<1x16xf32>,
        %get3A_298 = arith.index_cast %add3A_285 : i32 to index
        %get3A_299 = arith.constant 16 : index
        %get3A_300 = tpu.vector_load %arg9[%get3A_298, %get3A_299] {strides = array<i32>} : memref<200x64xf32, #tpu.memory_space<vmem>>, vector<1x16xf32>,
        %get3A_301 = vector.shape_cast %get3A_300 : vector<1x16xf32> to vector<16xf32>
        %mul3A_302 = arith.constant 8.000000e+00 : f32
        %mul3A_303 = vector.broadcast %mul3A_302 : f32 to vector<16xf32>
        %mul3A_304 = arith.mulf %get3A_301, %mul3A_303 : vector<16xf32>
        %swap3A_305 = arith.index_cast %add3A_285 : i32 to index
        %swap3A_306 = arith.constant 16 : index
        %swap3A_307 = tpu.vector_load %arg11[%swap3A_305, %swap3A_306] {strides = array<i32>} : memref<200x64xf32, #tpu.memory_space<vmem>>, vector<1x16xf32>,
        %swap3A_308 = vector.shape_cast %swap3A_307 : vector<1x16xf32> to vector<16xf32>
        %swap3A_309 = vector.shape_cast %mul3A_304 : vector<16xf32> to vector<1x16xf32>
        tpu.vector_store %arg11[%swap3A_305, %swap3A_306], %swap3A_309 {strides = array<i32>} : memref<200x64xf32, #tpu.memory_space<vmem>>, vector<1x16xf32>,
        %get3A_310 = arith.index_cast %add3A_285 : i32 to index
        %get3A_311 = arith.constant 32 : index
        %get3A_312 = tpu.vector_load %arg9[%get3A_310, %get3A_311] {strides = array<i32>} : memref<200x64xf32, #tpu.memory_space<vmem>>, vector<1x16xf32>,
        %get3A_313 = vector.shape_cast %get3A_312 : vector<1x16xf32> to vector<16xf32>
        %mul3A_314 = arith.constant 8.000000e+00 : f32
        %mul3A_315 = vector.broadcast %mul3A_314 : f32 to vector<16xf32>
        %mul3A_316 = arith.mulf %get3A_313, %mul3A_315 : vector<16xf32>
        %swap3A_317 = arith.index_cast %add3A_285 : i32 to index
        %swap3A_318 = arith.constant 32 : index
        %swap3A_319 = tpu.vector_load %arg11[%swap3A_317, %swap3A_318] {strides = array<i32>} : memref<200x64xf32, #tpu.memory_space<vmem>>, vector<1x16xf32>,
        %swap3A_320 = vector.shape_cast %swap3A_319 : vector<1x16xf32> to vector<16xf32>
        %swap3A_321 = vector.shape_cast %mul3A_316 : vector<16xf32> to vector<1x16xf32>
        tpu.vector_store %arg11[%swap3A_317, %swap3A_318], %swap3A_321 {strides = array<i32>} : memref<200x64xf32, #tpu.memory_space<vmem>>, vector<1x16xf32>,
        %get3A_322 = arith.index_cast %add3A_285 : i32 to index
        %get3A_323 = arith.constant 48 : index
        %get3A_324 = tpu.vector_load %arg9[%get3A_322, %get3A_323] {strides = array<i32>} : memref<200x64xf32, #tpu.memory_space<vmem>>, vector<1x16xf32>,
        %get3A_325 = vector.shape_cast %get3A_324 : vector<1x16xf32> to vector<16xf32>
        %mul3A_326 = arith.constant 8.000000e+00 : f32
        %mul3A_327 = vector.broadcast %mul3A_326 : f32 to vector<16xf32>
        %mul3A_328 = arith.mulf %get3A_325, %mul3A_327 : vector<16xf32>
        %swap3A_329 = arith.index_cast %add3A_285 : i32 to index
        %swap3A_330 = arith.constant 48 : index
        %swap3A_331 = tpu.vector_load %arg11[%swap3A_329, %swap3A_330] {strides = array<i32>} : memref<200x64xf32, #tpu.memory_space<vmem>>, vector<1x16xf32>,
        %swap3A_332 = vector.shape_cast %swap3A_331 : vector<1x16xf32> to vector<16xf32>
        %swap3A_333 = vector.shape_cast %mul3A_328 : vector<16xf32> to vector<1x16xf32>
        tpu.vector_store %arg11[%swap3A_329, %swap3A_330], %swap3A_333 {strides = array<i32>} : memref<200x64xf32, #tpu.memory_space<vmem>>, vector<1x16xf32>,
        %mul3A_334 = arith.constant 8 : i32
        %mul3A_335 = arith.muli %scan3A_179, %mul3A_334 : i32
        %add3A_336 = arith.constant 3 : i32
        %add3A_337 = arith.addi %mul3A_335, %add3A_336 : i32
        %get3A_338 = arith.index_cast %add3A_337 : i32 to index
        %get3A_339 = arith.constant 0 : index
        %get3A_340 = tpu.vector_load %arg9[%get3A_338, %get3A_339] {strides = array<i32>} : memref<200x64xf32, #tpu.memory_space<vmem>>, vector<1x16xf32>,
        %get3A_341 = vector.shape_cast %get3A_340 : vector<1x16xf32> to vector<16xf32>
        %mul3A_342 = arith.constant 8.000000e+00 : f32
        %mul3A_343 = vector.broadcast %mul3A_342 : f32 to vector<16xf32>
        %mul3A_344 = arith.mulf %get3A_341, %mul3A_343 : vector<16xf32>
        %swap3A_345 = arith.index_cast %add3A_337 : i32 to index
        %swap3A_346 = arith.constant 0 : index
        %swap3A_347 = tpu.vector_load %arg11[%swap3A_345, %swap3A_346] {strides = array<i32>} : memref<200x64xf32, #tpu.memory_space<vmem>>, vector<1x16xf32>,
        %swap3A_348 = vector.shape_cast %swap3A_347 : vector<1x16xf32> to vector<16xf32>
        %swap3A_349 = vector.shape_cast %mul3A_344 : vector<16xf32> to vector<1x16xf32>
        tpu.vector_store %arg11[%swap3A_345, %swap3A_346], %swap3A_349 {strides = array<i32>} : memref<200x64xf32, #tpu.memory_space<vmem>>, vector<1x16xf32>,
        %get3A_350 = arith.index_cast %add3A_337 : i32 to index
        %get3A_351 = arith.constant 16 : index
        %get3A_352 = tpu.vector_load %arg9[%get3A_350, %get3A_351] {strides = array<i32>} : memref<200x64xf32, #tpu.memory_space<vmem>>, vector<1x16xf32>,
        %get3A_353 = vector.shape_cast %get3A_352 : vector<1x16xf32> to vector<16xf32>
        %mul3A_354 = arith.constant 8.000000e+00 : f32
        %mul3A_355 = vector.broadcast %mul3A_354 : f32 to vector<16xf32>
        %mul3A_356 = arith.mulf %get3A_353, %mul3A_355 : vector<16xf32>
        %swap3A_357 = arith.index_cast %add3A_337 : i32 to index
        %swap3A_358 = arith.constant 16 : index
        %swap3A_359 = tpu.vector_load %arg11[%swap3A_357, %swap3A_358] {strides = array<i32>} : memref<200x64xf32, #tpu.memory_space<vmem>>, vector<1x16xf32>,
        %swap3A_360 = vector.shape_cast %swap3A_359 : vector<1x16xf32> to vector<16xf32>
        %swap3A_361 = vector.shape_cast %mul3A_356 : vector<16xf32> to vector<1x16xf32>
        tpu.vector_store %arg11[%swap3A_357, %swap3A_358], %swap3A_361 {strides = array<i32>} : memref<200x64xf32, #tpu.memory_space<vmem>>, vector<1x16xf32>,
        %get3A_362 = arith.index_cast %add3A_337 : i32 to index
        %get3A_363 = arith.constant 32 : index
        %get3A_364 = tpu.vector_load %arg9[%get3A_362, %get3A_363] {strides = array<i32>} : memref<200x64xf32, #tpu.memory_space<vmem>>, vector<1x16xf32>,
        %get3A_365 = vector.shape_cast %get3A_364 : vector<1x16xf32> to vector<16xf32>
        %mul3A_366 = arith.constant 8.000000e+00 : f32
        %mul3A_367 = vector.broadcast %mul3A_366 : f32 to vector<16xf32>
        %mul3A_368 = arith.mulf %get3A_365, %mul3A_367 : vector<16xf32>
        %swap3A_369 = arith.index_cast %add3A_337 : i32 to index
        %swap3A_370 = arith.constant 32 : index
        %swap3A_371 = tpu.vector_load %arg11[%swap3A_369, %swap3A_370] {strides = array<i32>} : memref<200x64xf32, #tpu.memory_space<vmem>>, vector<1x16xf32>,
        %swap3A_372 = vector.shape_cast %swap3A_371 : vector<1x16xf32> to vector<16xf32>
        %swap3A_373 = vector.shape_cast %mul3A_368 : vector<16xf32> to vector<1x16xf32>
        tpu.vector_store %arg11[%swap3A_369, %swap3A_370], %swap3A_373 {strides = array<i32>} : memref<200x64xf32, #tpu.memory_space<vmem>>, vector<1x16xf32>,
        %get3A_374 = arith.index_cast %add3A_337 : i32 to index
        %get3A_375 = arith.constant 48 : index
        %get3A_376 = tpu.vector_load %arg9[%get3A_374, %get3A_375] {strides = array<i32>} : memref<200x64xf32, #tpu.memory_space<vmem>>, vector<1x16xf32>,
        %get3A_377 = vector.shape_cast %get3A_376 : vector<1x16xf32> to vector<16xf32>
        %mul3A_378 = arith.constant 8.000000e+00 : f32
        %mul3A_379 = vector.broadcast %mul3A_378 : f32 to vector<16xf32>
        %mul3A_380 = arith.mulf %get3A_377, %mul3A_379 : vector<16xf32>
        %swap3A_381 = arith.index_cast %add3A_337 : i32 to index
        %swap3A_382 = arith.constant 48 : index
        %swap3A_383 = tpu.vector_load %arg11[%swap3A_381, %swap3A_382] {strides = array<i32>} : memref<200x64xf32, #tpu.memory_space<vmem>>, vector<1x16xf32>,
        %swap3A_384 = vector.shape_cast %swap3A_383 : vector<1x16xf32> to vector<16xf32>
        %swap3A_385 = vector.shape_cast %mul3A_380 : vector<16xf32> to vector<1x16xf32>
        tpu.vector_store %arg11[%swap3A_381, %swap3A_382], %swap3A_385 {strides = array<i32>} : memref<200x64xf32, #tpu.memory_space<vmem>>, vector<1x16xf32>,
        %mul3A_386 = arith.constant 8 : i32
        %mul3A_387 = arith.muli %scan3A_179, %mul3A_386 : i32
        %add3A_388 = arith.constant 4 : i32
        %add3A_389 = arith.addi %mul3A_387, %add3A_388 : i32
        %get3A_390 = arith.index_cast %add3A_389 : i32 to index
        %get3A_391 = arith.constant 0 : index
        %get3A_392 = tpu.vector_load %arg9[%get3A_390, %get3A_391] {strides = array<i32>} : memref<200x64xf32, #tpu.memory_space<vmem>>, vector<1x16xf32>,
        %get3A_393 = vector.shape_cast %get3A_392 : vector<1x16xf32> to vector<16xf32>
        %mul3A_394 = arith.constant 8.000000e+00 : f32
        %mul3A_395 = vector.broadcast %mul3A_394 : f32 to vector<16xf32>
        %mul3A_396 = arith.mulf %get3A_393, %mul3A_395 : vector<16xf32>
        %swap3A_397 = arith.index_cast %add3A_389 : i32 to index
        %swap3A_398 = arith.constant 0 : index
        %swap3A_399 = tpu.vector_load %arg11[%swap3A_397, %swap3A_398] {strides = array<i32>} : memref<200x64xf32, #tpu.memory_space<vmem>>, vector<1x16xf32>,
        %swap3A_400 = vector.shape_cast %swap3A_399 : vector<1x16xf32> to vector<16xf32>
        %swap3A_401 = vector.shape_cast %mul3A_396 : vector<16xf32> to vector<1x16xf32>
        tpu.vector_store %arg11[%swap3A_397, %swap3A_398], %swap3A_401 {strides = array<i32>} : memref<200x64xf32, #tpu.memory_space<vmem>>, vector<1x16xf32>,
        %get3A_402 = arith.index_cast %add3A_389 : i32 to index
        %get3A_403 = arith.constant 16 : index
        %get3A_404 = tpu.vector_load %arg9[%get3A_402, %get3A_403] {strides = array<i32>} : memref<200x64xf32, #tpu.memory_space<vmem>>, vector<1x16xf32>,
        %get3A_405 = vector.shape_cast %get3A_404 : vector<1x16xf32> to vector<16xf32>
        %mul3A_406 = arith.constant 8.000000e+00 : f32
        %mul3A_407 = vector.broadcast %mul3A_406 : f32 to vector<16xf32>
        %mul3A_408 = arith.mulf %get3A_405, %mul3A_407 : vector<16xf32>
        %swap3A_409 = arith.index_cast %add3A_389 : i32 to index
        %swap3A_410 = arith.constant 16 : index
        %swap3A_411 = tpu.vector_load %arg11[%swap3A_409, %swap3A_410] {strides = array<i32>} : memref<200x64xf32, #tpu.memory_space<vmem>>, vector<1x16xf32>,
        %swap3A_412 = vector.shape_cast %swap3A_411 : vector<1x16xf32> to vector<16xf32>
        %swap3A_413 = vector.shape_cast %mul3A_408 : vector<16xf32> to vector<1x16xf32>
        tpu.vector_store %arg11[%swap3A_409, %swap3A_410], %swap3A_413 {strides = array<i32>} : memref<200x64xf32, #tpu.memory_space<vmem>>, vector<1x16xf32>,
        %get3A_414 = arith.index_cast %add3A_389 : i32 to index
        %get3A_415 = arith.constant 32 : index
        %get3A_416 = tpu.vector_load %arg9[%get3A_414, %get3A_415] {strides = array<i32>} : memref<200x64xf32, #tpu.memory_space<vmem>>, vector<1x16xf32>,
        %get3A_417 = vector.shape_cast %get3A_416 : vector<1x16xf32> to vector<16xf32>
        %mul3A_418 = arith.constant 8.000000e+00 : f32
        %mul3A_419 = vector.broadcast %mul3A_418 : f32 to vector<16xf32>
        %mul3A_420 = arith.mulf %get3A_417, %mul3A_419 : vector<16xf32>
        %swap3A_421 = arith.index_cast %add3A_389 : i32 to index
        %swap3A_422 = arith.constant 32 : index
        %swap3A_423 = tpu.vector_load %arg11[%swap3A_421, %swap3A_422] {strides = array<i32>} : memref<200x64xf32, #tpu.memory_space<vmem>>, vector<1x16xf32>,
        %swap3A_424 = vector.shape_cast %swap3A_423 : vector<1x16xf32> to vector<16xf32>
        %swap3A_425 = vector.shape_cast %mul3A_420 : vector<16xf32> to vector<1x16xf32>
        tpu.vector_store %arg11[%swap3A_421, %swap3A_422], %swap3A_425 {strides = array<i32>} : memref<200x64xf32, #tpu.memory_space<vmem>>, vector<1x16xf32>,
        %get3A_426 = arith.index_cast %add3A_389 : i32 to index
        %get3A_427 = arith.constant 48 : index
        %get3A_428 = tpu.vector_load %arg9[%get3A_426, %get3A_427] {strides = array<i32>} : memref<200x64xf32, #tpu.memory_space<vmem>>, vector<1x16xf32>,
        %get3A_429 = vector.shape_cast %get3A_428 : vector<1x16xf32> to vector<16xf32>
        %mul3A_430 = arith.constant 8.000000e+00 : f32
        %mul3A_431 = vector.broadcast %mul3A_430 : f32 to vector<16xf32>
        %mul3A_432 = arith.mulf %get3A_429, %mul3A_431 : vector<16xf32>
        %swap3A_433 = arith.index_cast %add3A_389 : i32 to index
        %swap3A_434 = arith.constant 48 : index
        %swap3A_435 = tpu.vector_load %arg11[%swap3A_433, %swap3A_434] {strides = array<i32>} : memref<200x64xf32, #tpu.memory_space<vmem>>, vector<1x16xf32>,
        %swap3A_436 = vector.shape_cast %swap3A_435 : vector<1x16xf32> to vector<16xf32>
        %swap3A_437 = vector.shape_cast %mul3A_432 : vector<16xf32> to vector<1x16xf32>
        tpu.vector_store %arg11[%swap3A_433, %swap3A_434], %swap3A_437 {strides = array<i32>} : memref<200x64xf32, #tpu.memory_space<vmem>>, vector<1x16xf32>,
        %mul3A_438 = arith.constant 8 : i32
        %mul3A_439 = arith.muli %scan3A_179, %mul3A_438 : i32
        %add3A_440 = arith.constant 5 : i32
        %add3A_441 = arith.addi %mul3A_439, %add3A_440 : i32
        %get3A_442 = arith.index_cast %add3A_441 : i32 to index
        %get3A_443 = arith.constant 0 : index
        %get3A_444 = tpu.vector_load %arg9[%get3A_442, %get3A_443] {strides = array<i32>} : memref<200x64xf32, #tpu.memory_space<vmem>>, vector<1x16xf32>,
        %get3A_445 = vector.shape_cast %get3A_444 : vector<1x16xf32> to vector<16xf32>
        %mul3A_446 = arith.constant 8.000000e+00 : f32
        %mul3A_447 = vector.broadcast %mul3A_446 : f32 to vector<16xf32>
        %mul3A_448 = arith.mulf %get3A_445, %mul3A_447 : vector<16xf32>
        %swap3A_449 = arith.index_cast %add3A_441 : i32 to index
        %swap3A_450 = arith.constant 0 : index
        %swap3A_451 = tpu.vector_load %arg11[%swap3A_449, %swap3A_450] {strides = array<i32>} : memref<200x64xf32, #tpu.memory_space<vmem>>, vector<1x16xf32>,
        %swap3A_452 = vector.shape_cast %swap3A_451 : vector<1x16xf32> to vector<16xf32>
        %swap3A_453 = vector.shape_cast %mul3A_448 : vector<16xf32> to vector<1x16xf32>
        tpu.vector_store %arg11[%swap3A_449, %swap3A_450], %swap3A_453 {strides = array<i32>} : memref<200x64xf32, #tpu.memory_space<vmem>>, vector<1x16xf32>,
        %get3A_454 = arith.index_cast %add3A_441 : i32 to index
        %get3A_455 = arith.constant 16 : index
        %get3A_456 = tpu.vector_load %arg9[%get3A_454, %get3A_455] {strides = array<i32>} : memref<200x64xf32, #tpu.memory_space<vmem>>, vector<1x16xf32>,
        %get3A_457 = vector.shape_cast %get3A_456 : vector<1x16xf32> to vector<16xf32>
        %mul3A_458 = arith.constant 8.000000e+00 : f32
        %mul3A_459 = vector.broadcast %mul3A_458 : f32 to vector<16xf32>
        %mul3A_460 = arith.mulf %get3A_457, %mul3A_459 : vector<16xf32>
        %swap3A_461 = arith.index_cast %add3A_441 : i32 to index
        %swap3A_462 = arith.constant 16 : index
        %swap3A_463 = tpu.vector_load %arg11[%swap3A_461, %swap3A_462] {strides = array<i32>} : memref<200x64xf32, #tpu.memory_space<vmem>>, vector<1x16xf32>,
        %swap3A_464 = vector.shape_cast %swap3A_463 : vector<1x16xf32> to vector<16xf32>
        %swap3A_465 = vector.shape_cast %mul3A_460 : vector<16xf32> to vector<1x16xf32>
        tpu.vector_store %arg11[%swap3A_461, %swap3A_462], %swap3A_465 {strides = array<i32>} : memref<200x64xf32, #tpu.memory_space<vmem>>, vector<1x16xf32>,
        %get3A_466 = arith.index_cast %add3A_441 : i32 to index
        %get3A_467 = arith.constant 32 : index
        %get3A_468 = tpu.vector_load %arg9[%get3A_466, %get3A_467] {strides = array<i32>} : memref<200x64xf32, #tpu.memory_space<vmem>>, vector<1x16xf32>,
        %get3A_469 = vector.shape_cast %get3A_468 : vector<1x16xf32> to vector<16xf32>
        %mul3A_470 = arith.constant 8.000000e+00 : f32
        %mul3A_471 = vector.broadcast %mul3A_470 : f32 to vector<16xf32>
        %mul3A_472 = arith.mulf %get3A_469, %mul3A_471 : vector<16xf32>
        %swap3A_473 = arith.index_cast %add3A_441 : i32 to index
        %swap3A_474 = arith.constant 32 : index
        %swap3A_475 = tpu.vector_load %arg11[%swap3A_473, %swap3A_474] {strides = array<i32>} : memref<200x64xf32, #tpu.memory_space<vmem>>, vector<1x16xf32>,
        %swap3A_476 = vector.shape_cast %swap3A_475 : vector<1x16xf32> to vector<16xf32>
        %swap3A_477 = vector.shape_cast %mul3A_472 : vector<16xf32> to vector<1x16xf32>
        tpu.vector_store %arg11[%swap3A_473, %swap3A_474], %swap3A_477 {strides = array<i32>} : memref<200x64xf32, #tpu.memory_space<vmem>>, vector<1x16xf32>,
        %get3A_478 = arith.index_cast %add3A_441 : i32 to index
        %get3A_479 = arith.constant 48 : index
        %get3A_480 = tpu.vector_load %arg9[%get3A_478, %get3A_479] {strides = array<i32>} : memref<200x64xf32, #tpu.memory_space<vmem>>, vector<1x16xf32>,
        %get3A_481 = vector.shape_cast %get3A_480 : vector<1x16xf32> to vector<16xf32>
        %mul3A_482 = arith.constant 8.000000e+00 : f32
        %mul3A_483 = vector.broadcast %mul3A_482 : f32 to vector<16xf32>
        %mul3A_484 = arith.mulf %get3A_481, %mul3A_483 : vector<16xf32>
        %swap3A_485 = arith.index_cast %add3A_441 : i32 to index
        %swap3A_486 = arith.constant 48 : index
        %swap3A_487 = tpu.vector_load %arg11[%swap3A_485, %swap3A_486] {strides = array<i32>} : memref<200x64xf32, #tpu.memory_space<vmem>>, vector<1x16xf32>,
        %swap3A_488 = vector.shape_cast %swap3A_487 : vector<1x16xf32> to vector<16xf32>
        %swap3A_489 = vector.shape_cast %mul3A_484 : vector<16xf32> to vector<1x16xf32>
        tpu.vector_store %arg11[%swap3A_485, %swap3A_486], %swap3A_489 {strides = array<i32>} : memref<200x64xf32, #tpu.memory_space<vmem>>, vector<1x16xf32>,
        %mul3A_490 = arith.constant 8 : i32
        %mul3A_491 = arith.muli %scan3A_179, %mul3A_490 : i32
        %add3A_492 = arith.constant 6 : i32
        %add3A_493 = arith.addi %mul3A_491, %add3A_492 : i32
        %get3A_494 = arith.index_cast %add3A_493 : i32 to index
        %get3A_495 = arith.constant 0 : index
        %get3A_496 = tpu.vector_load %arg9[%get3A_494, %get3A_495] {strides = array<i32>} : memref<200x64xf32, #tpu.memory_space<vmem>>, vector<1x16xf32>,
        %get3A_497 = vector.shape_cast %get3A_496 : vector<1x16xf32> to vector<16xf32>
        %mul3A_498 = arith.constant 8.000000e+00 : f32
        %mul3A_499 = vector.broadcast %mul3A_498 : f32 to vector<16xf32>
        %mul3A_500 = arith.mulf %get3A_497, %mul3A_499 : vector<16xf32>
        %swap3A_501 = arith.index_cast %add3A_493 : i32 to index
        %swap3A_502 = arith.constant 0 : index
        %swap3A_503 = tpu.vector_load %arg11[%swap3A_501, %swap3A_502] {strides = array<i32>} : memref<200x64xf32, #tpu.memory_space<vmem>>, vector<1x16xf32>,
        %swap3A_504 = vector.shape_cast %swap3A_503 : vector<1x16xf32> to vector<16xf32>
        %swap3A_505 = vector.shape_cast %mul3A_500 : vector<16xf32> to vector<1x16xf32>
        tpu.vector_store %arg11[%swap3A_501, %swap3A_502], %swap3A_505 {strides = array<i32>} : memref<200x64xf32, #tpu.memory_space<vmem>>, vector<1x16xf32>,
        %get3A_506 = arith.index_cast %add3A_493 : i32 to index
        %get3A_507 = arith.constant 16 : index
        %get3A_508 = tpu.vector_load %arg9[%get3A_506, %get3A_507] {strides = array<i32>} : memref<200x64xf32, #tpu.memory_space<vmem>>, vector<1x16xf32>,
        %get3A_509 = vector.shape_cast %get3A_508 : vector<1x16xf32> to vector<16xf32>
        %mul3A_510 = arith.constant 8.000000e+00 : f32
        %mul3A_511 = vector.broadcast %mul3A_510 : f32 to vector<16xf32>
        %mul3A_512 = arith.mulf %get3A_509, %mul3A_511 : vector<16xf32>
        %swap3A_513 = arith.index_cast %add3A_493 : i32 to index
        %swap3A_514 = arith.constant 16 : index
        %swap3A_515 = tpu.vector_load %arg11[%swap3A_513, %swap3A_514] {strides = array<i32>} : memref<200x64xf32, #tpu.memory_space<vmem>>, vector<1x16xf32>,
        %swap3A_516 = vector.shape_cast %swap3A_515 : vector<1x16xf32> to vector<16xf32>
        %swap3A_517 = vector.shape_cast %mul3A_512 : vector<16xf32> to vector<1x16xf32>
        tpu.vector_store %arg11[%swap3A_513, %swap3A_514], %swap3A_517 {strides = array<i32>} : memref<200x64xf32, #tpu.memory_space<vmem>>, vector<1x16xf32>,
        %get3A_518 = arith.index_cast %add3A_493 : i32 to index
        %get3A_519 = arith.constant 32 : index
        %get3A_520 = tpu.vector_load %arg9[%get3A_518, %get3A_519] {strides = array<i32>} : memref<200x64xf32, #tpu.memory_space<vmem>>, vector<1x16xf32>,
        %get3A_521 = vector.shape_cast %get3A_520 : vector<1x16xf32> to vector<16xf32>
        %mul3A_522 = arith.constant 8.000000e+00 : f32
        %mul3A_523 = vector.broadcast %mul3A_522 : f32 to vector<16xf32>
        %mul3A_524 = arith.mulf %get3A_521, %mul3A_523 : vector<16xf32>
        %swap3A_525 = arith.index_cast %add3A_493 : i32 to index
        %swap3A_526 = arith.constant 32 : index
        %swap3A_527 = tpu.vector_load %arg11[%swap3A_525, %swap3A_526] {strides = array<i32>} : memref<200x64xf32, #tpu.memory_space<vmem>>, vector<1x16xf32>,
        %swap3A_528 = vector.shape_cast %swap3A_527 : vector<1x16xf32> to vector<16xf32>
        %swap3A_529 = vector.shape_cast %mul3A_524 : vector<16xf32> to vector<1x16xf32>
        tpu.vector_store %arg11[%swap3A_525, %swap3A_526], %swap3A_529 {strides = array<i32>} : memref<200x64xf32, #tpu.memory_space<vmem>>, vector<1x16xf32>,
        %get3A_530 = arith.index_cast %add3A_493 : i32 to index
        %get3A_531 = arith.constant 48 : index
        %get3A_532 = tpu.vector_load %arg9[%get3A_530, %get3A_531] {strides = array<i32>} : memref<200x64xf32, #tpu.memory_space<vmem>>, vector<1x16xf32>,
        %get3A_533 = vector.shape_cast %get3A_532 : vector<1x16xf32> to vector<16xf32>
        %mul3A_534 = arith.constant 8.000000e+00 : f32
        %mul3A_535 = vector.broadcast %mul3A_534 : f32 to vector<16xf32>
        %mul3A_536 = arith.mulf %get3A_533, %mul3A_535 : vector<16xf32>
        %swap3A_537 = arith.index_cast %add3A_493 : i32 to index
        %swap3A_538 = arith.constant 48 : index
        %swap3A_539 = tpu.vector_load %arg11[%swap3A_537, %swap3A_538] {strides = array<i32>} : memref<200x64xf32, #tpu.memory_space<vmem>>, vector<1x16xf32>,
        %swap3A_540 = vector.shape_cast %swap3A_539 : vector<1x16xf32> to vector<16xf32>
        %swap3A_541 = vector.shape_cast %mul3A_536 : vector<16xf32> to vector<1x16xf32>
        tpu.vector_store %arg11[%swap3A_537, %swap3A_538], %swap3A_541 {strides = array<i32>} : memref<200x64xf32, #tpu.memory_space<vmem>>, vector<1x16xf32>,
        %mul3A_542 = arith.constant 8 : i32
        %mul3A_543 = arith.muli %scan3A_179, %mul3A_542 : i32
        %add3A_544 = arith.constant 7 : i32
        %add3A_545 = arith.addi %mul3A_543, %add3A_544 : i32
        %get3A_546 = arith.index_cast %add3A_545 : i32 to index
        %get3A_547 = arith.constant 0 : index
        %get3A_548 = tpu.vector_load %arg9[%get3A_546, %get3A_547] {strides = array<i32>} : memref<200x64xf32, #tpu.memory_space<vmem>>, vector<1x16xf32>,
        %get3A_549 = vector.shape_cast %get3A_548 : vector<1x16xf32> to vector<16xf32>
        %mul3A_550 = arith.constant 8.000000e+00 : f32
        %mul3A_551 = vector.broadcast %mul3A_550 : f32 to vector<16xf32>
        %mul3A_552 = arith.mulf %get3A_549, %mul3A_551 : vector<16xf32>
        %swap3A_553 = arith.index_cast %add3A_545 : i32 to index
        %swap3A_554 = arith.constant 0 : index
        %swap3A_555 = tpu.vector_load %arg11[%swap3A_553, %swap3A_554] {strides = array<i32>} : memref<200x64xf32, #tpu.memory_space<vmem>>, vector<1x16xf32>,
        %swap3A_556 = vector.shape_cast %swap3A_555 : vector<1x16xf32> to vector<16xf32>
        %swap3A_557 = vector.shape_cast %mul3A_552 : vector<16xf32> to vector<1x16xf32>
        tpu.vector_store %arg11[%swap3A_553, %swap3A_554], %swap3A_557 {strides = array<i32>} : memref<200x64xf32, #tpu.memory_space<vmem>>, vector<1x16xf32>,
        %get3A_558 = arith.index_cast %add3A_545 : i32 to index
        %get3A_559 = arith.constant 16 : index
        %get3A_560 = tpu.vector_load %arg9[%get3A_558, %get3A_559] {strides = array<i32>} : memref<200x64xf32, #tpu.memory_space<vmem>>, vector<1x16xf32>,
        %get3A_561 = vector.shape_cast %get3A_560 : vector<1x16xf32> to vector<16xf32>
        %mul3A_562 = arith.constant 8.000000e+00 : f32
        %mul3A_563 = vector.broadcast %mul3A_562 : f32 to vector<16xf32>
        %mul3A_564 = arith.mulf %get3A_561, %mul3A_563 : vector<16xf32>
        %swap3A_565 = arith.index_cast %add3A_545 : i32 to index
        %swap3A_566 = arith.constant 16 : index
        %swap3A_567 = tpu.vector_load %arg11[%swap3A_565, %swap3A_566] {strides = array<i32>} : memref<200x64xf32, #tpu.memory_space<vmem>>, vector<1x16xf32>,
        %swap3A_568 = vector.shape_cast %swap3A_567 : vector<1x16xf32> to vector<16xf32>
        %swap3A_569 = vector.shape_cast %mul3A_564 : vector<16xf32> to vector<1x16xf32>
        tpu.vector_store %arg11[%swap3A_565, %swap3A_566], %swap3A_569 {strides = array<i32>} : memref<200x64xf32, #tpu.memory_space<vmem>>, vector<1x16xf32>,
        %get3A_570 = arith.index_cast %add3A_545 : i32 to index
        %get3A_571 = arith.constant 32 : index
        %get3A_572 = tpu.vector_load %arg9[%get3A_570, %get3A_571] {strides = array<i32>} : memref<200x64xf32, #tpu.memory_space<vmem>>, vector<1x16xf32>,
        %get3A_573 = vector.shape_cast %get3A_572 : vector<1x16xf32> to vector<16xf32>
        %mul3A_574 = arith.constant 8.000000e+00 : f32
        %mul3A_575 = vector.broadcast %mul3A_574 : f32 to vector<16xf32>
        %mul3A_576 = arith.mulf %get3A_573, %mul3A_575 : vector<16xf32>
        %swap3A_577 = arith.index_cast %add3A_545 : i32 to index
        %swap3A_578 = arith.constant 32 : index
        %swap3A_579 = tpu.vector_load %arg11[%swap3A_577, %swap3A_578] {strides = array<i32>} : memref<200x64xf32, #tpu.memory_space<vmem>>, vector<1x16xf32>,
        %swap3A_580 = vector.shape_cast %swap3A_579 : vector<1x16xf32> to vector<16xf32>
        %swap3A_581 = vector.shape_cast %mul3A_576 : vector<16xf32> to vector<1x16xf32>
        tpu.vector_store %arg11[%swap3A_577, %swap3A_578], %swap3A_581 {strides = array<i32>} : memref<200x64xf32, #tpu.memory_space<vmem>>, vector<1x16xf32>,
        %get3A_582 = arith.index_cast %add3A_545 : i32 to index
        %get3A_583 = arith.constant 48 : index
        %get3A_584 = tpu.vector_load %arg9[%get3A_582, %get3A_583] {strides = array<i32>} : memref<200x64xf32, #tpu.memory_space<vmem>>, vector<1x16xf32>,
        %get3A_585 = vector.shape_cast %get3A_584 : vector<1x16xf32> to vector<16xf32>
        %mul3A_586 = arith.constant 8.000000e+00 : f32
        %mul3A_587 = vector.broadcast %mul3A_586 : f32 to vector<16xf32>
        %mul3A_588 = arith.mulf %get3A_585, %mul3A_587 : vector<16xf32>
        %swap3A_589 = arith.index_cast %add3A_545 : i32 to index
        %swap3A_590 = arith.constant 48 : index
        %swap3A_591 = tpu.vector_load %arg11[%swap3A_589, %swap3A_590] {strides = array<i32>} : memref<200x64xf32, #tpu.memory_space<vmem>>, vector<1x16xf32>,
        %swap3A_592 = vector.shape_cast %swap3A_591 : vector<1x16xf32> to vector<16xf32>
        %swap3A_593 = vector.shape_cast %mul3A_588 : vector<16xf32> to vector<1x16xf32>
        tpu.vector_store %arg11[%swap3A_589, %swap3A_590], %swap3A_593 {strides = array<i32>} : memref<200x64xf32, #tpu.memory_space<vmem>>, vector<1x16xf32>,
      }
      %scan3A_166 = arith.constant 25 : i32
      %lt3A_167 = arith.constant 31 : i32
      %lt3A_168 = arith.cmpi slt, %scan3A_50, %lt3A_167 : i32
      %convert_element_type3A_169 = arith.extui %lt3A_168 : i1 to i32
      %cond3A_170 = arith.constant 0 : i32
      %cond3A_171 = arith.cmpi ne, %convert_element_type3A_169, %cond3A_170 : i32
      scf.if %cond3A_171 {
        %add3A_179 = arith.constant 4 : i32
        %add3A_180 = arith.addi %add3A_149, %add3A_179 : i32
        %dma_start3A_181 = arith.constant 0 : i32
        %dma_start3A_182 = tpu.memref_slice %arg5[%add3A_180, %dma_start3A_181] : memref<128x200xi32, #tpu.memory_space<vmem>> -> memref<1x200xi32, #tpu.memory_space<vmem>>
        %dma_start3A_183 = tpu.memref_squeeze %dma_start3A_182 : memref<1x200xi32, #tpu.memory_space<vmem>> -> memref<200xi32, #tpu.memory_space<vmem>>
        %dma_start3A_184 = arith.constant 0 : i32
        %dma_start3A_185 = arith.constant 0 : i32
        %dma_start3A_186 = tpu.memref_slice %arg3[%dma_start3A_184, %dma_start3A_185] : memref<1000000x64xf32, #tpu.memory_space<hbm>> -> memref<1000000x64xf32, #tpu.memory_space<hbm>>
        tpu.enqueue_indirect_dma source(%dma_start3A_186 : memref<1000000x64xf32, #tpu.memory_space<hbm>>) target(%arg9 : memref<200x64xf32, #tpu.memory_space<vmem>>) offsets(%dma_start3A_183 : memref<200xi32, #tpu.memory_space<vmem>>) semaphore(%arg15 : memref<!tpu.dma_semaphore, #tpu.memory_space<semaphore_mem>>)
      } else {
      }
      %add3A_172 = arith.addi %mul3A_2, %add3A_149 : i32
      %mul3A_173 = arith.constant 200 : i32
      %mul3A_174 = arith.muli %add3A_172, %mul3A_173 : i32
      %dma_start3A_175 = arith.constant 0 : i32
      %dma_start3A_176 = tpu.memref_slice %arg4[%mul3A_174, %dma_start3A_175] : memref<819200x128xf32, #tpu.memory_space<hbm>> -> memref<200x64xf32, #tpu.memory_space<hbm>>
      %dma_start3A_177 = arith.constant 0 : i32
      %dma_start3A_178 = tpu.memref_slice %arg4[%mul3A_174, %dma_start3A_177] : memref<819200x128xf32, #tpu.memory_space<hbm>> -> memref<200x64xf32, #tpu.memory_space<hbm>>
      tpu.enqueue_dma source(%arg11 : memref<200x64xf32, #tpu.memory_space<vmem>>) target(%dma_start3A_178 : memref<200x64xf32, #tpu.memory_space<hbm>>) target_semaphore(%arg17 : memref<!tpu.dma_semaphore, #tpu.memory_space<semaphore_mem>>)
    }
    %scan3A_34 = arith.constant 32 : i32
    %add3A_35 = arith.constant 126 : i32
    %add3A_36 = arith.addi %mul3A_2, %add3A_35 : i32
    %mul3A_37 = arith.constant 200 : i32
    %mul3A_38 = arith.muli %add3A_36, %mul3A_37 : i32
    %dma_wait3A = arith.constant 0 : i32
    %dma_wait3A_39 = tpu.memref_slice %arg4[%mul3A_38, %dma_wait3A] : memref<819200x128xf32, #tpu.memory_space<hbm>> -> memref<200x64xf32, #tpu.memory_space<hbm>>
    %dma_wait3A_40 = arith.constant 0 : i32
    %dma_wait3A_41 = tpu.memref_slice %arg4[%mul3A_38, %dma_wait3A_40] : memref<819200x128xf32, #tpu.memory_space<hbm>> -> memref<200x64xf32, #tpu.memory_space<hbm>>
    tpu.wait_dma2 semaphore(%arg16 : memref<!tpu.dma_semaphore, #tpu.memory_space<semaphore_mem>>) src(%arg10 : memref<200x64xf32, #tpu.memory_space<vmem>>) dst(%dma_wait3A_41 : memref<200x64xf32, #tpu.memory_space<hbm>>)
    %add3A_42 = arith.constant 127 : i32
    %add3A_43 = arith.addi %mul3A_2, %add3A_42 : i32
    %mul3A_44 = arith.constant 200 : i32
    %mul3A_45 = arith.muli %add3A_43, %mul3A_44 : i32
    %dma_wait3A_46 = arith.constant 0 : i32
    %dma_wait3A_47 = tpu.memref_slice %arg4[%mul3A_45, %dma_wait3A_46] : memref<819200x128xf32, #tpu.memory_space<hbm>> -> memref<200x64xf32, #tpu.memory_space<hbm>>
    %dma_wait3A_48 = arith.constant 0 : i32
    %dma_wait3A_49 = tpu.memref_slice %arg4[%mul3A_45, %dma_wait3A_48] : memref<819200x128xf32, #tpu.memory_space<hbm>> -> memref<200x64xf32, #tpu.memory_space<hbm>>
    tpu.wait_dma2 semaphore(%arg17 : memref<!tpu.dma_semaphore, #tpu.memory_space<semaphore_mem>>) src(%arg11 : memref<200x64xf32, #tpu.memory_space<vmem>>) dst(%dma_wait3A_49 : memref<200x64xf32, #tpu.memory_space<hbm>>)
    return
  }
}

</mosaic_0001>

<sc_bundles>
// kernel: kernel.3.cloned.1.call-start
scs
__scs_entry_jumppad:
0x0: {  	(pc) =	sbr.rel $0x88, $3  }
0x1: {  	(tag) =	ssettag $0x0;
	lr =	simm.s32 $0x1  }
0x2: {  	[smem:$0x3F9F] =	sst lr;
	_ =	strace $0xD0000000  }
0x3: {  	_ = 	snop  }
0x4: {  	_ = 	snop  }
0x5: {  	_ = 	snop  }
0x6: {  	_ = 	snop  }
0x7: {  	_ = 	snop  }
__scs_overlays_trampoline_lowered:
0x8: {  	[smem:$0x3FAE] =	sst s0  }
0x9: {  	[smem:$0x3FAF] =	sst s1  }
0xa: {  	[smem:$0x3FB0] =	sst s2  }
0xb: {  	[smem:$0x3FB1] =	sst s3  }
0xc: {  	[smem:$0x3FB2] =	sst s4  }
0xd: {  	[smem:$0x3FB3] =	sst s5  }
0xe: {  	[smem:$0x3FB4] =	sst s6  }
0xf: {  	[smem:$0x3FB5] =	sst s7  }
0x10: {  	[smem:$0x3FB6] =	sst s8  }
0x11: {  	[smem:$0x3FB7] =	sst s9;
	s0 =	simm.s32 @!p0 $0x0  }
0x12: {  	s1 =	sld [smem:$0x3F9D];
	s0 =	simm.s32 @p0 $0x1  }
0x13: {  	[smem:$0x3FB8] =	sst s0;
	s0 =	simm.s32 @!p1 $0x0  }
0x14: {  	s2 =	sld [smem:$0x3F9C];
	s0 =	simm.s32 @p1 $0x1  }
0x15: {  	[smem:$0x3FB9] =	sst s0;
	s0 =	simm.s32 @!p2 $0x0  }
0x16: {  	s3 =	sld [smem:$0x3FDB];
	s0 =	simm.s32 @p2 $0x1  }
0x17: {  	s4 =	simm.s32 $0x1BF5;
	[smem:$0x3FBB] =	sst s0  }
0x18: {  	s0 =	sld [smem:$0x3F9E];
	_ =	swait.ge [sflag:s4], $0x0  }
0x19: {  	s7 =	sld [smem:$0x3F9F]  }
0x1a: {  	s8 =	sadd.s32 $0xFFFFE003, lr  }
0x1b: {  	s9 =	sadd.s32 $0xFFFFFEF7, lr;
	s5 =	simm.s32 $0xFFFFFFFF;
	p2 =	slt.u32 s8, $0xFFFFF086  }
0x1c: {  	p1 =	slt.u32 s9, $0xF7A;
	s5 =	simm.s32 @!p2 $0x0  }
0x1d: {  	s5 =	simm.s32 @p1 $0x1;
	p0 =	seq.s32 s7, s2  }
0x1e: {  	s7 =	smul.u32 @!p0 $0xF7A, s2;
	p2 =	seq.s32 @!p0 s5, $0x0  }
0x1f: {  	s9 =	smul.u32 $0xF7A, s1;
	s8 =	simm.s32 @!p0 $0x1BF5;
	p2 =	por !p2, p0  }
0x20: {  	[sflag:s8] =	ssyncset.s32 @!p0 $0xFFFFF086;
	s6 =	sadd.s32 @!p0 s3, s7;
	s7 =	simm.s32 @!p0 $0x108  }
0x21: {  	s3 =	sadd.s32 s3, s9;
	s6 =	sadd.s32 @!p0 $0x88, s6;
	s7 =	simm.s32 @p2 $0x1082  }
0x22: {  	[simem:s7], [sflag:s8] =	dma.local @!p0 [hbm:s6], $0xF7A  }
0x23: {  	s9 =	sor.u32 $0xD0000000, s2;
	s6 =	simm.s32 $0x108;
	_ =	swait.ge @!p0 [sflag:s8], $0x0  }
0x24: {  	s3 =	sadd.s32 $0x88, s3;
	s6 =	simm.s32 @!p1 $0x1082;
	[sflag:s4] =	ssyncset.s32 $0xFFFFF086  }
0x25: {  	[simem:s6], [sflag:s4] =	dma.local [hbm:s3], $0xF7A  }
0x26: {  	[smem:$0x3F9F] =	sst s1;
	(tag) =	ssettag s2;
	_ =	strace s9  }
0x27: {  	s1 =	sld [smem:$0x3FAF]  }
0x28: {  	s2 =	sld [smem:$0x3FB0]  }
0x29: {  	s4 =	sld [smem:$0x3FB2]  }
0x2a: {  	p0 =	seq.s32 s5, $0x0;
	s5 =	sld [smem:$0x3FB3]  }
0x2b: {  	s6 =	sld [smem:$0x3FB4]  }
0x2c: {  	s7 =	sld [smem:$0x3FB5]  }
0x2d: {  	s3 =	simm.s32 $0x108;
	s8 =	sld [smem:$0x3FB6]  }
0x2e: {  	s3 =	simm.s32 @!p0 $0x1082;
	s9 =	sld [smem:$0x3FB7]  }
0x2f: {  	lr =	sadd.s32 s0, s3;
	s0 =	sld [smem:$0x3FAE]  }
0x30: {  	s3 =	sld [smem:$0x3FB1]  }
0x31: {  	[smem:$0x3FBA] =	sst s10  }
0x32: {  	s10 =	sld [smem:$0x3FB8];
	_ =	sdelay $0x3  }
0x33: {  	p0 =	seq.s32 s10, $0x1;
	s10 =	sld [smem:$0x3FBA];
	_ =	sdelay $0x3  }
0x34: {  	[smem:$0x3FBA] =	sst s10  }
0x35: {  	s10 =	sld [smem:$0x3FB9];
	_ =	sdelay $0x3  }
0x36: {  	p1 =	seq.s32 s10, $0x1;
	s10 =	sld [smem:$0x3FBA];
	_ =	sdelay $0x3  }
0x37: {  	[smem:$0x3FBA] =	sst s10  }
0x38: {  	s10 =	sld [smem:$0x3FBB]  }
0x39: {  	_ = 	snop;
	(pc) =	sbr.ind lr, $3  }
0x3a: {  	_ = 	snop  }
0x3b: {  	_ = 	snop  }
0x3c: {  	p2 =	seq.s32 s10, $0x1;
	s10 =	sld [smem:$0x3FBA]  }
0x3d: {  	_ =	shalt  }
0x3e: {  	_ =	shalt  }
0x3f: {  	_ =	shalt  }
0x40: {  	_ =	shalt  }
0x41: {  	_ =	shalt  }
0x42: {  	_ =	shalt  }
0x43: {  	_ =	shalt  }
0x44: {  	_ =	shalt  }
0x45: {  	_ =	shalt  }
0x46: {  	_ =	shalt  }
0x47: {  	_ =	shalt  }
0x48: {  	_ =	shalt  }
0x49: {  	_ =	shalt  }
0x4a: {  	_ =	shalt  }
0x4b: {  	_ =	shalt  }
0x4c: {  	_ =	shalt  }
0x4d: {  	_ =	shalt  }
0x4e: {  	_ =	shalt  }
0x4f: {  	_ =	shalt  }
0x50: {  	_ =	shalt  }
0x51: {  	_ =	shalt  }
0x52: {  	_ =	shalt  }
0x53: {  	_ =	shalt  }
0x54: {  	_ =	shalt  }
0x55: {  	_ =	shalt  }
0x56: {  	_ =	shalt  }
0x57: {  	_ =	shalt  }
0x58: {  	_ =	shalt  }
0x59: {  	_ =	shalt  }
0x5a: {  	_ =	shalt  }
0x5b: {  	_ =	shalt  }
0x5c: {  	_ =	shalt  }
0x5d: {  	_ =	shalt  }
0x5e: {  	_ =	shalt  }
0x5f: {  	_ =	shalt  }
0x60: {  	_ =	shalt  }
0x61: {  	_ =	shalt  }
0x62: {  	_ =	shalt  }
0x63: {  	_ =	shalt  }
0x64: {  	_ =	shalt  }
0x65: {  	_ =	shalt  }
0x66: {  	_ =	shalt  }
0x67: {  	_ =	shalt  }
0x68: {  	_ =	shalt  }
0x69: {  	_ =	shalt  }
0x6a: {  	_ =	shalt  }
0x6b: {  	_ =	shalt  }
0x6c: {  	_ =	shalt  }
0x6d: {  	_ =	shalt  }
0x6e: {  	_ =	shalt  }
0x6f: {  	_ =	shalt  }
0x70: {  	_ =	shalt  }
0x71: {  	_ =	shalt  }
0x72: {  	_ =	shalt  }
0x73: {  	_ =	shalt  }
0x74: {  	_ =	shalt  }
0x75: {  	_ =	shalt  }
0x76: {  	_ =	shalt  }
0x77: {  	_ =	shalt  }
0x78: {  	_ =	shalt  }
0x79: {  	_ =	shalt  }
0x7a: {  	_ =	shalt  }
0x7b: {  	_ =	shalt  }
0x7c: {  	_ =	shalt  }
0x7d: {  	_ =	shalt  }
0x7e: {  	_ =	shalt  }
0x7f: {  	_ =	shalt  }
0x80: {  	_ =	shalt  }
0x81: {  	_ =	shalt  }
0x82: {  	_ =	shalt  }
0x83: {  	_ =	shalt  }
0x84: {  	_ =	shalt  }
0x85: {  	_ =	shalt  }
0x86: {  	_ =	shalt  }
0x87: {  	_ =	shalt  }
.Lfunc_end0:
.L_simem_size_0:
called_computation.1_lowered:
.L_overlay_start_0:
0x88: {  	s2 =	sld [smem:$0x3FD9]  }
0x89: {  	s3 =	sld [smem:$0x3FFE];
	_ =	sdelay $0x1  }
0x8a: {  	s1 =	srdreg.scid  }
0x8b: {  	s0 =	sand.u32 $0x1, s1  }
0x8c: {  	s17 =	sshll.u32 s0, $0xA;
	s2 =	sadd.s32 s3, s2  }
0x8d: {  	s2 =	sadd.s32 s2, s17  }
0x8e: {  	[smem:$0x3FC6] =	sst s2  }
0x8f: {  	_ = 	snop  }
0x90: {  	s2 =	sld [smem:$0x3FD0];
	(tm) =	ssettm $0x1  }
0x91: {  	s18 =	sld [smem:$0x3FFB];
	_ =	sdelay $0x3  }
0x92: {  	_ =	strace s18  }
0x93: {  	s3 =	sld [smem:$0x3FFC];
	_ =	sdelay $0x3  }
0x94: {  	_ =	strace s3  }
0x95: {  	s3 =	sld [smem:$0x3FFD];
	_ =	sdelay $0x3  }
0x96: {  	_ =	strace s3  }
0x97: {  	_ =	strace $0x8FFFFFFF  }
0x98: {  	s19 =	sld [smem:$0x3FDB];
	_ =	sdelay $0x1  }
0x99: {  	s4 =	simm.s32 $_scs_section_size  }
0x9a: {  	s5 =	simm.s32 $_size__tile_overlayer_lowered;
	s6 =	simm.s32 $_tile_overlayer_lowered  }
0x9b: {  	s22 =	simm.s32 $0x1BFF;
	s21 =	sshll.u32 s6, $0x1;
	s3 =	sadd.s32 s4, s19  }
0x9c: {  	s7 =	simm.s32 $0x0;
	s20 =	sshll.u32 s5, $0x1;
	s5 =	sadd.s32 s21, s3  }
0x9d: {  	[timem:s7], [sflag:s22] =	dma.local [hbm:s5], s20  }
0x9e: {  	_ =	swait.ge [sflag:s22], s20  }
0x9f: {  	s4 =	ssub.s32 $0x0, s20;
	[sflag:s22] =	ssyncset.done $0x0  }
0xa0: {  	[sflag:s22] =	ssyncadd.s32 s4;
	_ =	sdelay $0x1  }
0xa1: {  	s23 =	simm.s32 $0x1B8B  }
0xa2: {  	_ =	swait.ge [sflag:s23], $0x1  }
0xa3: {  	[sflag:s23] =	ssyncset.done $0x0  }
0xa4: {  	s25 =	simm.s32 $0x1B8E;
	s24 =	sld [smem:$0x3FFE];
	[sflag:s23] =	ssyncadd.s32 $0xFFFFFFFF  }
0xa5: {  	s26 =	simm.s32 $execute0_lowered;
	[smem:$0x3FD2] =	sst s25  }
0xa6: {  	s5 =	sshll.u32 s26, $0x1;
	_ =	strace $0x80000046;
	[dreg:$0x1] =	wrdreg $0xFFFFFFFF  }
0xa7: {  	s28 =	simm.s32 $_size_execute0_lowered;
	s3 =	sadd.s32 s3, s5;
	[dreg:$0x0] =	wrdreg $0x0  }
0xa8: {  	s5 =	sshll.u32 s28, $0x1;
	[dreg:$0x2] =	wrdreg s3  }
0xa9: {  	[dreg:$0x3] =	wrdreg s5  }
0xaa: {  	[dreg:$0x4] =	wrdreg $0xC0  }
0xab: {  	_ =	task [dreg:s7], $0x5FFFF  }
0xac: {  	[dreg:$0x1] =	wrdreg $0xFFFFFFFF  }
0xad: {  	[dreg:$0x0] =	wrdreg $0x60  }
0xae: {  	[dreg:$0x2] =	wrdreg s2  }
0xaf: {  	[dreg:$0x3] =	wrdreg s24  }
0xb0: {  	[dreg:$0x4] =	wrdreg $0x9  }
0xb1: {  	_ =	task.clear_ibuf [dreg:s7], $0x5FFFF;
	_ =	strace $0x90000046  }
0xb2: {  	s29 =	simm.s32 $0x9;
	_ =	strace $0x80000048  }
0xb3: {  	_ =	swait.ge [sflag:s29], $0x1  }
0xb4: {  	[sflag:s29] =	ssyncadd.s32 $0xFFFFFFFF  }
0xb5: {  	_ =	strace $0x90000048  }
0xb6: {  	_ =	sfence  }
0xb7: {  	s30 =	sld [smem:$0x0];
	_ =	sdelay $0x2  }
0xb8: {  	s31 =	sshll.u32 s1, $0xD;
	s1 =	sshrl.u32 s1, $0x2  }
0xb9: {  	s3 =	sand.u32 $0x4000, s31;
	s1 =	sadd.s32 s1, s30  }
0xba: {  	s0 =	sor.u32 s3, s0;
	s1 =	sshll.u32 s1, $0x11  }
0xbb: {  	s0 =	sor.u32 s1, s0  }
0xbc: {  	s0 =	sadd.s32 $0x8F2B, s0  }
0xbd: {  	[sflag:s0] =	ssyncadd.remote.s32 $0x1  }
0xbe: {  	_ =	sfence.sel $0xFFFF  }
0xbf: {  	[dreg:$0x0] =	wrdreg $0xFFFFFFFF;
	(pc) =	sbr.abs _section_cstart, $3  }
0xc0: {  	[dreg:$0x1] =	wrdreg $0xFFFFFFFF  }
0xc1: {  	_ =	task.clear_ibuf [dreg:s7], $0x2FFFF;
	_ =	strace $0x9FFFFFFF  }
0xc2: {  	(tm) =	ssettm $0x7FFFFFFF  }
0xc3: {  	_ =	shalt  }
tec
execute0_lowered:
.L_overlay_start_1:
0x0: {  	(tag) =	ssettag $0x1  }
0x1: {  	s0 =	rddreg [dreg:$0x0]  }
0x2: {  	s1 =	rddreg [dreg:$0x1]  }
0x3: {  	s2 =	srdreg.scid;
	s4 =	stileid.u32  }
0x4: {  	s9 =	simm.s32 $0xC8;
	s11 =	simm.s32 $0x9600;
	s12 =	simm.s32 $0x190  }
0x5: {  	s13 =	simm.s32 $0xC800;
	s14 =	simm.s32 $0x258;
	s15 =	simm.s32 $0xFA00  }
0x6: {  	s16 =	simm.s32 $0x1;
	s17 =	simm.s32 $0x40;
	s18 =	simm.s32 $0x80  }
0x7: {  	s19 =	simm.s32 $0x12C00;
	s20 =	simm.s32 $0x2;
	s21 =	simm.s32 $0x15E00  }
0x8: {  	s22 =	simm.s32 $0x3;
	s23 =	simm.s32 $0x5;
	s24 =	simm.s32 $0x4  }
0x9: {  	s25 =	simm.s32 $0x6;
	s26 =	simm.s32 $0x0;
	s3 =	sand.u32 $0x1, s2  }
0xa: {  	s2 =	simm.s32 $0x0;
	s4 =	sshll.u32 s4, $0x8;
	s5 =	sshll.u32 s3, $0x7  }
0xb: {  	[smem:$0x7FF] =	sst s2;
	s6 =	ssub.s32 $0x2, s3;
	s3 =	sor.u32 s5, s4  }
0xc: {  	_ =	strace $0x80000047;
	s7 =	sshrl.u32 s6, $0x1;
	s8 =	smul.u32 $0x19, s3  }
0xd: {  	s4 =	sadd.s32 $0xF42E00, s1;
	s5 =	sadd.s32 $0xA00, s1;
	s31 =	ssub.s32 s6, s7  }
0xe: {  	s7 =	smax.u32 s31, $0x1;
	s6 =	sadd.s32 s0, s8;
	s8 =	simm.s32 $0x7  }
.LBB2_1:
0xf: {  	[tilespmem:s2], [sflag:$0x7] =	stream.linear.gather [hbm4b:s6+s2], $0x6400, $0x38;
	[tilespmem:$0x19000] =	vst v63  }
0x10: {  	_ =	swait.ge [sflag:s8], $0x6400  }
0x11: {  	[sflag:s8] =	ssyncset.done $0x0  }
0x12: {  	s0 =	simm.s32 $0x6400;
	[sflag:s8] =	ssyncadd.s32 $0xFFFF9C00  }
0x13: {  	[tilespmem:s0], [sflag:$0x1] =	stream.indirect.gather [hbm4b:s4+s9], $0x40, s2, s9, $0xb8;
	[tilespmem:$0x19000] =	vst v63  }
0x14: {  	_ = 	snop  }
0x15: {  	[tilespmem:s11], [sflag:$0x2] =	stream.indirect.gather [hbm4b:s4+s9], $0x40, s9, s9, $0xb8;
	[tilespmem:$0x19000] =	vst v63  }
0x16: {  	_ = 	snop  }
0x17: {  	[tilespmem:s13], [sflag:$0x3] =	stream.indirect.gather [hbm4b:s4+s9], $0x40, s12, s9, $0xb8;
	[tilespmem:$0x19000] =	vst v63  }
0x18: {  	s28 =	simm.s32 $0x0  }
0x19: {  	[tilespmem:s15], [sflag:$0x4] =	stream.indirect.gather [hbm4b:s4+s9], $0x40, s14, s9, $0xb8;
	[tilespmem:$0x19000] =	vst v63  }
.LBB2_2:
0x1a: {  	_ =	swait.ge [sflag:s16], $0x3200  }
0x1b: {  	p1 =	seq.s32 s28, $0x0;
	[sflag:s16] =	ssyncset.done $0x0  }
0x1c: {  	s0 =	simm.s32 @!p1 $0x5;
	[sflag:s16] =	ssyncadd.s32 $0xFFFFCE00  }
0x1d: {  	_ =	swait.ge @!p1 [sflag:s0], $0x3200  }
0x1e: {  	[sflag:s0] =	ssyncset.done @!p1 $0x0  }
0x1f: {  	s30 =	simm.s32 $0x0;
	[sflag:s0] =	ssyncadd.s32 @!p1 $0xFFFFCE00  }
0x20: {  	v0 =	vld [tilespmem:s30+$0x65F0]  }
0x21: {  	v1 =	vld [tilespmem:s30+$0x6400];
	_ =	sdelay $0x1  }
0x22: {  	v2 =	vld [tilespmem:s30+$0x6410]  }
0x23: {  	v3 =	vld [tilespmem:s30+$0x6420]  }
0x24: {  	v4 =	vld [tilespmem:s30+$0x6430];
	v0 =	vmul.f32 $8.000000000e+00, v0  }
0x25: {  	v5 =	vld [tilespmem:s30+$0x6440];
	v1 =	vmul.f32 $8.000000000e+00, v1  }
0x26: {  	v6 =	vld [tilespmem:s30+$0x6450];
	[tilespmem:s30+$0x12DF0] =	vst v0  }
0x27: {  	v0 =	vmul.f32 $8.000000000e+00, v2;
	[tilespmem:s30+$0x12C00] =	vst v1;
	v1 =	vld [tilespmem:s30+$0x6470]  }
0x28: {  	v7 =	vld [tilespmem:s30+$0x6460];
	v2 =	vmul.f32 $8.000000000e+00, v3  }
0x29: {  	v3 =	vmul.f32 $8.000000000e+00, v4;
	[tilespmem:s30+$0x12C10] =	vst v0;
	v0 =	vld [tilespmem:s30+$0x6480]  }
0x2a: {  	v4 =	vmul.f32 $8.000000000e+00, v5;
	[tilespmem:s30+$0x12C20] =	vst v2;
	v2 =	vld [tilespmem:s30+$0x6490]  }
0x2b: {  	v5 =	vmul.f32 $8.000000000e+00, v6;
	[tilespmem:s30+$0x12C30] =	vst v3;
	v3 =	vld [tilespmem:s30+$0x64A0]  }
0x2c: {  	[tilespmem:s30+$0x12C40] =	vst v4;
	v4 =	vld [tilespmem:s30+$0x64B0];
	v1 =	vmul.f32 $8.000000000e+00, v1  }
0x2d: {  	v6 =	vmul.f32 $8.000000000e+00, v7;
	[tilespmem:s30+$0x12C50] =	vst v5;
	v5 =	vld [tilespmem:s30+$0x64C0]  }
0x2e: {  	v0 =	vmul.f32 $8.000000000e+00, v0;
	[tilespmem:s30+$0x12C70] =	vst v1;
	v1 =	vld [tilespmem:s30+$0x64E0]  }
0x2f: {  	[tilespmem:s30+$0x12C60] =	vst v6;
	v6 =	vld [tilespmem:s30+$0x64D0];
	v2 =	vmul.f32 $8.000000000e+00, v2  }
0x30: {  	v3 =	vmul.f32 $8.000000000e+00, v3;
	[tilespmem:s30+$0x12C80] =	vst v0;
	v0 =	vld [tilespmem:s30+$0x64F0]  }
0x31: {  	v4 =	vmul.f32 $8.000000000e+00, v4;
	[tilespmem:s30+$0x12C90] =	vst v2;
	v2 =	vld [tilespmem:s30+$0x6500]  }
0x32: {  	v5 =	vmul.f32 $8.000000000e+00, v5;
	[tilespmem:s30+$0x12CA0] =	vst v3;
	v3 =	vld [tilespmem:s30+$0x6510]  }
0x33: {  	[tilespmem:s30+$0x12CB0] =	vst v4;
	v4 =	vld [tilespmem:s30+$0x6520];
	v1 =	vmul.f32 $8.000000000e+00, v1  }
0x34: {  	v6 =	vmul.f32 $8.000000000e+00, v6;
	[tilespmem:s30+$0x12CC0] =	vst v5;
	v5 =	vld [tilespmem:s30+$0x6530]  }
0x35: {  	v0 =	vmul.f32 $8.000000000e+00, v0;
	[tilespmem:s30+$0x12CE0] =	vst v1;
	v1 =	vld [tilespmem:s30+$0x6550]  }
0x36: {  	[tilespmem:s30+$0x12CD0] =	vst v6;
	v6 =	vld [tilespmem:s30+$0x6540];
	v2 =	vmul.f32 $8.000000000e+00, v2  }
0x37: {  	[tilespmem:s30+$0x12CF0] =	vst v0;
	v0 =	vmul.f32 $8.000000000e+00, v3;
	v3 =	vld [tilespmem:s30+$0x6570]  }
0x38: {  	v7 =	vld [tilespmem:s30+$0x6560];
	[tilespmem:s30+$0x12D00] =	vst v2;
	v2 =	vmul.f32 $8.000000000e+00, v4  }
0x39: {  	v4 =	vld [tilespmem:s30+$0x6580];
	[tilespmem:s30+$0x12D10] =	vst v0;
	v0 =	vmul.f32 $8.000000000e+00, v5  }
0x3a: {  	v8 =	vld [tilespmem:s30+$0x6590];
	[tilespmem:s30+$0x12D20] =	vst v2;
	v5 =	vmul.f32 $8.000000000e+00, v1  }
0x3b: {  	v2 =	vmul.f32 $8.000000000e+00, v6;
	[tilespmem:s30+$0x12D30] =	vst v0;
	v0 =	vld [tilespmem:s30+$0x65A0]  }
0x3c: {  	v1 =	vld [tilespmem:s30+$0x65B0];
	[tilespmem:s30+$0x12D50] =	vst v5;
	v5 =	vmul.f32 $8.000000000e+00, v3  }
0x3d: {  	v6 =	vmul.f32 $8.000000000e+00, v7;
	[tilespmem:s30+$0x12D40] =	vst v2;
	v2 =	vld [tilespmem:s30+$0x65C0]  }
0x3e: {  	v3 =	vld [tilespmem:s30+$0x65D0];
	[tilespmem:s30+$0x12D70] =	vst v5;
	v5 =	vmul.f32 $8.000000000e+00, v4  }
0x3f: {  	s29 =	sshll.u32 s28, $0x2;
	s1 =	simm.s32 $0x1000;
	s0 =	simm.s32 $0x200;
	[tilespmem:s30+$0x12D60] =	vst v6;
	v6 =	vmul.f32 $8.000000000e+00, v8;
	v4 =	vld [tilespmem:s30+$0x65E0]  }
.LBB2_3:
0x40: {  	p0 =	sne.s32 s1, $0xC000;
	v7 =	vld [tilespmem:s0+$0x65F0];
	[tilespmem:s30+$0x12D80] =	vst v5;
	v0 =	vmul.f32 $8.000000000e+00, v0  }
0x41: {  	v5 =	vld [tilespmem:s0+$0x6400];
	[tilespmem:s30+$0x12D90] =	vst v6;
	v1 =	vmul.f32 $8.000000000e+00, v1  }
0x42: {  	v6 =	vld [tilespmem:s0+$0x6410];
	[tilespmem:s30+$0x12DA0] =	vst v0;
	v0 =	vmul.f32 $8.000000000e+00, v2  }
0x43: {  	v2 =	vld [tilespmem:s0+$0x6420];
	[tilespmem:s30+$0x12DB0] =	vst v1;
	v1 =	vmul.f32 $8.000000000e+00, v3  }
0x44: {  	v3 =	vld [tilespmem:s0+$0x6430];
	[tilespmem:s30+$0x12DC0] =	vst v0;
	v0 =	vmul.f32 $8.000000000e+00, v4  }
0x45: {  	v4 =	vld [tilespmem:s0+$0x6440];
	v7 =	vmul.f32 $8.000000000e+00, v7;
	[tilespmem:s30+$0x12DD0] =	vst v1  }
0x46: {  	v1 =	vmul.f32 $8.000000000e+00, v5;
	v5 =	vld [tilespmem:s0+$0x6450];
	[tilespmem:s30+$0x12DE0] =	vst v0;
	s30 =	smov.u32 s0  }
0x47: {  	v0 =	vmul.f32 $8.000000000e+00, v6;
	v6 =	vld [tilespmem:s30+$0x6460];
	[tilespmem:s30+$0x12DF0] =	vst v7  }
0x48: {  	[tilespmem:s30+$0x12C00] =	vst v1;
	v1 =	vmul.f32 $8.000000000e+00, v2;
	v2 =	vld [tilespmem:s30+$0x6470]  }
0x49: {  	[tilespmem:s30+$0x12C10] =	vst v0;
	v0 =	vmul.f32 $8.000000000e+00, v3;
	v3 =	vld [tilespmem:s30+$0x6480]  }
0x4a: {  	[tilespmem:s30+$0x12C20] =	vst v1;
	v1 =	vmul.f32 $8.000000000e+00, v4;
	v4 =	vld [tilespmem:s30+$0x6490]  }
0x4b: {  	[tilespmem:s30+$0x12C30] =	vst v0;
	v0 =	vmul.f32 $8.000000000e+00, v5;
	v5 =	vld [tilespmem:s30+$0x64A0]  }
0x4c: {  	[tilespmem:s30+$0x12C40] =	vst v1;
	v1 =	vmul.f32 $8.000000000e+00, v6;
	v6 =	vld [tilespmem:s30+$0x64B0]  }
0x4d: {  	[tilespmem:s30+$0x12C50] =	vst v0;
	v0 =	vmul.f32 $8.000000000e+00, v2;
	v2 =	vld [tilespmem:s30+$0x64C0]  }
0x4e: {  	[tilespmem:s30+$0x12C60] =	vst v1;
	v1 =	vmul.f32 $8.000000000e+00, v3;
	v3 =	vld [tilespmem:s30+$0x64D0]  }
0x4f: {  	[tilespmem:s30+$0x12C70] =	vst v0;
	v0 =	vmul.f32 $8.000000000e+00, v4;
	v4 =	vld [tilespmem:s30+$0x64E0]  }
0x50: {  	[tilespmem:s30+$0x12C80] =	vst v1;
	v1 =	vmul.f32 $8.000000000e+00, v5;
	v5 =	vld [tilespmem:s30+$0x64F0]  }
0x51: {  	[tilespmem:s30+$0x12C90] =	vst v0;
	v0 =	vmul.f32 $8.000000000e+00, v6;
	v6 =	vld [tilespmem:s30+$0x6500]  }
0x52: {  	[tilespmem:s30+$0x12CA0] =	vst v1;
	v1 =	vmul.f32 $8.000000000e+00, v2;
	v2 =	vld [tilespmem:s30+$0x6510]  }
0x53: {  	[tilespmem:s30+$0x12CB0] =	vst v0;
	v0 =	vmul.f32 $8.000000000e+00, v3;
	v3 =	vld [tilespmem:s30+$0x6520]  }
0x54: {  	[tilespmem:s30+$0x12CC0] =	vst v1;
	v1 =	vmul.f32 $8.000000000e+00, v4;
	v4 =	vld [tilespmem:s30+$0x6530]  }
0x55: {  	[tilespmem:s30+$0x12CD0] =	vst v0;
	v0 =	vmul.f32 $8.000000000e+00, v5;
	v5 =	vld [tilespmem:s30+$0x6540]  }
0x56: {  	[tilespmem:s30+$0x12CE0] =	vst v1;
	v1 =	vmul.f32 $8.000000000e+00, v6;
	v6 =	vld [tilespmem:s30+$0x6550]  }
0x57: {  	[tilespmem:s30+$0x12CF0] =	vst v0;
	v0 =	vmul.f32 $8.000000000e+00, v2;
	v2 =	vld [tilespmem:s30+$0x6560]  }
0x58: {  	[tilespmem:s30+$0x12D00] =	vst v1;
	v1 =	vmul.f32 $8.000000000e+00, v3;
	v3 =	vld [tilespmem:s30+$0x6570]  }
0x59: {  	[tilespmem:s30+$0x12D10] =	vst v0;
	v0 =	vmul.f32 $8.000000000e+00, v4;
	v4 =	vld [tilespmem:s30+$0x6580]  }
0x5a: {  	[tilespmem:s30+$0x12D20] =	vst v1;
	v1 =	vmul.f32 $8.000000000e+00, v5;
	v7 =	vld [tilespmem:s30+$0x6590]  }
.Ltmp0:
0x5b: {  	[tilespmem:s30+$0x12D30] =	vst v0;
	v5 =	vmul.f32 $8.000000000e+00, v6;
	v0 =	vld [tilespmem:s30+$0x65A0];
	(pc) =	sbr.rel @p0 .LBB2_3-.Ltmp0, $4  }
0x5c: {  	[tilespmem:s30+$0x12D40] =	vst v1;
	v6 =	vmul.f32 $8.000000000e+00, v2;
	v1 =	vld [tilespmem:s30+$0x65B0]  }
0x5d: {  	[tilespmem:s30+$0x12D50] =	vst v5;
	v8 =	vmul.f32 $8.000000000e+00, v3;
	v2 =	vld [tilespmem:s30+$0x65C0]  }
0x5e: {  	[tilespmem:s30+$0x12D60] =	vst v6;
	v5 =	vmul.f32 $8.000000000e+00, v4;
	v3 =	vld [tilespmem:s30+$0x65D0]  }
0x5f: {  	s0 =	sshra.s32 s1, $0x2;
	s1 =	sadd.s32 $0x800, s1;
	[tilespmem:s30+$0x12D70] =	vst v8;
	v6 =	vmul.f32 $8.000000000e+00, v7;
	v4 =	vld [tilespmem:s30+$0x65E0]  }
0x60: {  	v7 =	vld [tilespmem:s0+$0x65F0];
	[tilespmem:s30+$0x12D80] =	vst v5;
	v0 =	vmul.f32 $8.000000000e+00, v0  }
0x61: {  	v5 =	vld [tilespmem:s0+$0x6400];
	[tilespmem:s30+$0x12D90] =	vst v6;
	v1 =	vmul.f32 $8.000000000e+00, v1  }
0x62: {  	v6 =	vld [tilespmem:s0+$0x6410];
	[tilespmem:s30+$0x12DA0] =	vst v0;
	v2 =	vmul.f32 $8.000000000e+00, v2  }
0x63: {  	v0 =	vld [tilespmem:s0+$0x6420];
	[tilespmem:s30+$0x12DB0] =	vst v1;
	v3 =	vmul.f32 $8.000000000e+00, v3  }
0x64: {  	v1 =	vld [tilespmem:s0+$0x6430];
	[tilespmem:s30+$0x12DC0] =	vst v2;
	v4 =	vmul.f32 $8.000000000e+00, v4  }
0x65: {  	v2 =	vld [tilespmem:s0+$0x6440];
	[tilespmem:s30+$0x12DD0] =	vst v3;
	v7 =	vmul.f32 $8.000000000e+00, v7  }
0x66: {  	v3 =	vld [tilespmem:s0+$0x6450];
	[tilespmem:s30+$0x12DE0] =	vst v4;
	v4 =	vmul.f32 $8.000000000e+00, v5  }
0x67: {  	v5 =	vld [tilespmem:s0+$0x6460];
	[tilespmem:s0+$0x12DF0] =	vst v7;
	v6 =	vmul.f32 $8.000000000e+00, v6  }
0x68: {  	[tilespmem:s0+$0x12C00] =	vst v4;
	v4 =	vld [tilespmem:s0+$0x6470];
	v0 =	vmul.f32 $8.000000000e+00, v0  }
0x69: {  	[tilespmem:s0+$0x12C10] =	vst v6;
	v6 =	vld [tilespmem:s0+$0x6480];
	v1 =	vmul.f32 $8.000000000e+00, v1  }
0x6a: {  	[tilespmem:s0+$0x12C20] =	vst v0;
	v0 =	vld [tilespmem:s0+$0x6490];
	v2 =	vmul.f32 $8.000000000e+00, v2  }
0x6b: {  	[tilespmem:s0+$0x12C30] =	vst v1;
	v1 =	vld [tilespmem:s0+$0x64A0];
	v3 =	vmul.f32 $8.000000000e+00, v3  }
0x6c: {  	[tilespmem:s0+$0x12C40] =	vst v2;
	v2 =	vld [tilespmem:s0+$0x64B0];
	v5 =	vmul.f32 $8.000000000e+00, v5  }
0x6d: {  	[tilespmem:s0+$0x12C50] =	vst v3;
	v3 =	vld [tilespmem:s0+$0x64C0];
	v4 =	vmul.f32 $8.000000000e+00, v4  }
0x6e: {  	[tilespmem:s0+$0x12C60] =	vst v5;
	v5 =	vld [tilespmem:s0+$0x64D0];
	v6 =	vmul.f32 $8.000000000e+00, v6  }
0x6f: {  	[tilespmem:s0+$0x12C70] =	vst v4;
	v4 =	vld [tilespmem:s0+$0x64E0];
	v0 =	vmul.f32 $8.000000000e+00, v0  }
0x70: {  	[tilespmem:s0+$0x12C80] =	vst v6;
	v6 =	vld [tilespmem:s0+$0x64F0];
	v1 =	vmul.f32 $8.000000000e+00, v1  }
0x71: {  	[tilespmem:s0+$0x12C90] =	vst v0;
	v0 =	vld [tilespmem:s0+$0x6500];
	v2 =	vmul.f32 $8.000000000e+00, v2  }
0x72: {  	[tilespmem:s0+$0x12CA0] =	vst v1;
	v1 =	vld [tilespmem:s0+$0x6510];
	v3 =	vmul.f32 $8.000000000e+00, v3  }
0x73: {  	[tilespmem:s0+$0x12CB0] =	vst v2;
	v2 =	vld [tilespmem:s0+$0x6520];
	v5 =	vmul.f32 $8.000000000e+00, v5  }
0x74: {  	[tilespmem:s0+$0x12CC0] =	vst v3;
	v3 =	vld [tilespmem:s0+$0x6530];
	v4 =	vmul.f32 $8.000000000e+00, v4  }
0x75: {  	[tilespmem:s0+$0x12CD0] =	vst v5;
	v5 =	vld [tilespmem:s0+$0x6540];
	v6 =	vmul.f32 $8.000000000e+00, v6  }
0x76: {  	[tilespmem:s0+$0x12CE0] =	vst v4;
	v4 =	vld [tilespmem:s0+$0x6550];
	v0 =	vmul.f32 $8.000000000e+00, v0  }
0x77: {  	[tilespmem:s0+$0x12CF0] =	vst v6;
	v6 =	vld [tilespmem:s0+$0x6560];
	v1 =	vmul.f32 $8.000000000e+00, v1  }
0x78: {  	[tilespmem:s0+$0x12D00] =	vst v0;
	v0 =	vld [tilespmem:s0+$0x6570];
	v2 =	vmul.f32 $8.000000000e+00, v2  }
0x79: {  	[tilespmem:s0+$0x12D10] =	vst v1;
	v1 =	vld [tilespmem:s0+$0x6580];
	v3 =	vmul.f32 $8.000000000e+00, v3  }
0x7a: {  	[tilespmem:s0+$0x12D20] =	vst v2;
	v2 =	vld [tilespmem:s0+$0x6590];
	v5 =	vmul.f32 $8.000000000e+00, v5  }
0x7b: {  	[tilespmem:s0+$0x12D30] =	vst v3;
	v3 =	vld [tilespmem:s0+$0x65A0];
	v4 =	vmul.f32 $8.000000000e+00, v4  }
0x7c: {  	[tilespmem:s0+$0x12D40] =	vst v5;
	v5 =	vld [tilespmem:s0+$0x65B0];
	v6 =	vmul.f32 $8.000000000e+00, v6  }
0x7d: {  	[tilespmem:s0+$0x12D50] =	vst v4;
	v4 =	vld [tilespmem:s0+$0x65C0];
	v0 =	vmul.f32 $8.000000000e+00, v0  }
0x7e: {  	[tilespmem:s0+$0x12D60] =	vst v6;
	v6 =	vld [tilespmem:s0+$0x65D0];
	v1 =	vmul.f32 $8.000000000e+00, v1  }
0x7f: {  	[tilespmem:s0+$0x12D70] =	vst v0;
	v0 =	vmul.f32 $8.000000000e+00, v2;
	v2 =	vld [tilespmem:s0+$0x65E0]  }
0x80: {  	[tilespmem:s0+$0x12D80] =	vst v1;
	v1 =	vmul.f32 $8.000000000e+00, v3  }
0x81: {  	[tilespmem:s0+$0x12D90] =	vst v0;
	v0 =	vmul.f32 $8.000000000e+00, v5  }
0x82: {  	p0 =	seq.s32 s28, $0x1F;
	[tilespmem:s0+$0x12DA0] =	vst v1;
	v1 =	vmul.f32 $8.000000000e+00, v4  }
0x83: {  	s1 =	smul.u32 @!p0 $0xC80, s28;
	[tilespmem:s0+$0x12DB0] =	vst v0;
	v0 =	vmul.f32 $8.000000000e+00, v6  }
0x84: {  	[tilespmem:s0+$0x12DC0] =	vst v1;
	v1 =	vmul.f32 $8.000000000e+00, v2  }
0x85: {  	s10 =	sadd.s32 s3, s29;
	s31 =	simm.s32 @!p0 $0x6400;
	s30 =	sshra.s32 @!p0 s1, $0x2;
	[tilespmem:s0+$0x12DD0] =	vst v0  }
0x86: {  	s10 =	smul.u32 $0xC80, s10;
	s1 =	sadd.s32 @!p0 $0x320, s30;
	[tilespmem:s0+$0x12DE0] =	vst v1;
	s0 =	simm.s32 @!p0 $0xC8  }
0x87: {  	[tilespmem:s31], [sflag:$0x1] =	stream.indirect.gather @!p0 [hbm4b:s4+s0], $0x40, s1, s0, $0xb8;
	[tilespmem:$0x19000] =	vst v63  }
0x88: {  	s10 =	sadd.s32 s5, s10  }
0x89: {  	[hbm4b:s10+s17] =	stream.strided.scatter [tilespmem:s19], [sflag:$0x5], $0x3200, s18, s17, $0x38;
	[tilespmem:$0x19000] =	vst v63  }
0x8a: {  	_ =	swait.ge [sflag:s20], $0x3200  }
0x8b: {  	[sflag:s20] =	ssyncset.done $0x0  }
0x8c: {  	s0 =	simm.s32 @!p1 $0x6;
	[sflag:s20] =	ssyncadd.s32 $0xFFFFCE00  }
0x8d: {  	_ =	swait.ge @!p1 [sflag:s0], $0x3200  }
0x8e: {  	[sflag:s0] =	ssyncset.done @!p1 $0x0  }
0x8f: {  	[sflag:s0] =	ssyncadd.s32 @!p1 $0xFFFFCE00;
	s0 =	simm.s32 $0x0  }
0x90: {  	v0 =	vld [tilespmem:s0+$0x97F0]  }
0x91: {  	v1 =	vld [tilespmem:s0+$0x9600];
	_ =	sdelay $0x1  }
0x92: {  	v2 =	vld [tilespmem:s0+$0x9610]  }
0x93: {  	v3 =	vld [tilespmem:s0+$0x9620]  }
0x94: {  	v4 =	vld [tilespmem:s0+$0x9630];
	v0 =	vmul.f32 $8.000000000e+00, v0  }
0x95: {  	v5 =	vld [tilespmem:s0+$0x9640];
	v1 =	vmul.f32 $8.000000000e+00, v1  }
0x96: {  	v6 =	vld [tilespmem:s0+$0x9650];
	[tilespmem:s0+$0x15FF0] =	vst v0  }
0x97: {  	v0 =	vmul.f32 $8.000000000e+00, v2;
	[tilespmem:s0+$0x15E00] =	vst v1;
	v1 =	vld [tilespmem:s0+$0x9670]  }
0x98: {  	v7 =	vld [tilespmem:s0+$0x9660];
	v2 =	vmul.f32 $8.000000000e+00, v3  }
0x99: {  	v3 =	vmul.f32 $8.000000000e+00, v4;
	[tilespmem:s0+$0x15E10] =	vst v0;
	v0 =	vld [tilespmem:s0+$0x9680]  }
0x9a: {  	v4 =	vmul.f32 $8.000000000e+00, v5;
	[tilespmem:s0+$0x15E20] =	vst v2;
	v2 =	vld [tilespmem:s0+$0x9690]  }
0x9b: {  	v5 =	vmul.f32 $8.000000000e+00, v6;
	[tilespmem:s0+$0x15E30] =	vst v3;
	v3 =	vld [tilespmem:s0+$0x96A0]  }
0x9c: {  	[tilespmem:s0+$0x15E40] =	vst v4;
	v4 =	vld [tilespmem:s0+$0x96B0];
	v1 =	vmul.f32 $8.000000000e+00, v1  }
0x9d: {  	v6 =	vmul.f32 $8.000000000e+00, v7;
	[tilespmem:s0+$0x15E50] =	vst v5;
	v5 =	vld [tilespmem:s0+$0x96C0]  }
0x9e: {  	v0 =	vmul.f32 $8.000000000e+00, v0;
	[tilespmem:s0+$0x15E70] =	vst v1;
	v1 =	vld [tilespmem:s0+$0x96E0]  }
0x9f: {  	[tilespmem:s0+$0x15E60] =	vst v6;
	v6 =	vld [tilespmem:s0+$0x96D0];
	v2 =	vmul.f32 $8.000000000e+00, v2  }
0xa0: {  	v3 =	vmul.f32 $8.000000000e+00, v3;
	[tilespmem:s0+$0x15E80] =	vst v0;
	v0 =	vld [tilespmem:s0+$0x96F0]  }
0xa1: {  	v4 =	vmul.f32 $8.000000000e+00, v4;
	[tilespmem:s0+$0x15E90] =	vst v2;
	v2 =	vld [tilespmem:s0+$0x9700]  }
0xa2: {  	v5 =	vmul.f32 $8.000000000e+00, v5;
	[tilespmem:s0+$0x15EA0] =	vst v3;
	v3 =	vld [tilespmem:s0+$0x9710]  }
0xa3: {  	[tilespmem:s0+$0x15EB0] =	vst v4;
	v4 =	vld [tilespmem:s0+$0x9720];
	v1 =	vmul.f32 $8.000000000e+00, v1  }
0xa4: {  	v6 =	vmul.f32 $8.000000000e+00, v6;
	[tilespmem:s0+$0x15EC0] =	vst v5;
	v5 =	vld [tilespmem:s0+$0x9730]  }
0xa5: {  	v0 =	vmul.f32 $8.000000000e+00, v0;
	[tilespmem:s0+$0x15EE0] =	vst v1;
	v1 =	vld [tilespmem:s0+$0x9750]  }
0xa6: {  	[tilespmem:s0+$0x15ED0] =	vst v6;
	v6 =	vld [tilespmem:s0+$0x9740];
	v2 =	vmul.f32 $8.000000000e+00, v2  }
0xa7: {  	[tilespmem:s0+$0x15EF0] =	vst v0;
	v0 =	vmul.f32 $8.000000000e+00, v3;
	v3 =	vld [tilespmem:s0+$0x9770]  }
0xa8: {  	v7 =	vld [tilespmem:s0+$0x9760];
	[tilespmem:s0+$0x15F00] =	vst v2;
	v2 =	vmul.f32 $8.000000000e+00, v4  }
0xa9: {  	v4 =	vld [tilespmem:s0+$0x9780];
	[tilespmem:s0+$0x15F10] =	vst v0;
	v0 =	vmul.f32 $8.000000000e+00, v5  }
0xaa: {  	v8 =	vld [tilespmem:s0+$0x9790];
	[tilespmem:s0+$0x15F20] =	vst v2;
	v5 =	vmul.f32 $8.000000000e+00, v1  }
0xab: {  	v2 =	vmul.f32 $8.000000000e+00, v6;
	[tilespmem:s0+$0x15F30] =	vst v0;
	v0 =	vld [tilespmem:s0+$0x97A0]  }
0xac: {  	v1 =	vld [tilespmem:s0+$0x97B0];
	[tilespmem:s0+$0x15F50] =	vst v5;
	v5 =	vmul.f32 $8.000000000e+00, v3  }
0xad: {  	v6 =	vmul.f32 $8.000000000e+00, v7;
	[tilespmem:s0+$0x15F40] =	vst v2;
	v2 =	vld [tilespmem:s0+$0x97C0]  }
0xae: {  	v3 =	vld [tilespmem:s0+$0x97D0];
	[tilespmem:s0+$0x15F70] =	vst v5;
	v5 =	vmul.f32 $8.000000000e+00, v4  }
0xaf: {  	s31 =	sor.u32 $0x1, s29;
	s1 =	simm.s32 $0x200;
	s10 =	simm.s32 $0x1000;
	[tilespmem:s0+$0x15F60] =	vst v6;
	v6 =	vmul.f32 $8.000000000e+00, v8;
	v4 =	vld [tilespmem:s0+$0x97E0]  }
.LBB2_5:
0xb0: {  	p1 =	sne.s32 s10, $0xC000;
	v7 =	vld [tilespmem:s1+$0x97F0];
	[tilespmem:s0+$0x15F80] =	vst v5;
	v0 =	vmul.f32 $8.000000000e+00, v0  }
0xb1: {  	v5 =	vld [tilespmem:s1+$0x9600];
	[tilespmem:s0+$0x15F90] =	vst v6;
	v1 =	vmul.f32 $8.000000000e+00, v1  }
0xb2: {  	v6 =	vld [tilespmem:s1+$0x9610];
	[tilespmem:s0+$0x15FA0] =	vst v0;
	v0 =	vmul.f32 $8.000000000e+00, v2  }
0xb3: {  	v2 =	vld [tilespmem:s1+$0x9620];
	[tilespmem:s0+$0x15FB0] =	vst v1;
	v1 =	vmul.f32 $8.000000000e+00, v3  }
0xb4: {  	v3 =	vld [tilespmem:s1+$0x9630];
	[tilespmem:s0+$0x15FC0] =	vst v0;
	v0 =	vmul.f32 $8.000000000e+00, v4  }
0xb5: {  	v4 =	vld [tilespmem:s1+$0x9640];
	v7 =	vmul.f32 $8.000000000e+00, v7;
	[tilespmem:s0+$0x15FD0] =	vst v1  }
0xb6: {  	v1 =	vmul.f32 $8.000000000e+00, v5;
	v5 =	vld [tilespmem:s1+$0x9650];
	[tilespmem:s0+$0x15FE0] =	vst v0;
	s0 =	smov.u32 s1  }
0xb7: {  	v0 =	vmul.f32 $8.000000000e+00, v6;
	v6 =	vld [tilespmem:s0+$0x9660];
	[tilespmem:s0+$0x15FF0] =	vst v7  }
0xb8: {  	[tilespmem:s0+$0x15E00] =	vst v1;
	v1 =	vmul.f32 $8.000000000e+00, v2;
	v2 =	vld [tilespmem:s0+$0x9670]  }
0xb9: {  	[tilespmem:s0+$0x15E10] =	vst v0;
	v0 =	vmul.f32 $8.000000000e+00, v3;
	v3 =	vld [tilespmem:s0+$0x9680]  }
0xba: {  	[tilespmem:s0+$0x15E20] =	vst v1;
	v1 =	vmul.f32 $8.000000000e+00, v4;
	v4 =	vld [tilespmem:s0+$0x9690]  }
0xbb: {  	[tilespmem:s0+$0x15E30] =	vst v0;
	v0 =	vmul.f32 $8.000000000e+00, v5;
	v5 =	vld [tilespmem:s0+$0x96A0]  }
0xbc: {  	[tilespmem:s0+$0x15E40] =	vst v1;
	v1 =	vmul.f32 $8.000000000e+00, v6;
	v6 =	vld [tilespmem:s0+$0x96B0]  }
0xbd: {  	[tilespmem:s0+$0x15E50] =	vst v0;
	v0 =	vmul.f32 $8.000000000e+00, v2;
	v2 =	vld [tilespmem:s0+$0x96C0]  }
0xbe: {  	[tilespmem:s0+$0x15E60] =	vst v1;
	v1 =	vmul.f32 $8.000000000e+00, v3;
	v3 =	vld [tilespmem:s0+$0x96D0]  }
0xbf: {  	[tilespmem:s0+$0x15E70] =	vst v0;
	v0 =	vmul.f32 $8.000000000e+00, v4;
	v4 =	vld [tilespmem:s0+$0x96E0]  }
0xc0: {  	[tilespmem:s0+$0x15E80] =	vst v1;
	v1 =	vmul.f32 $8.000000000e+00, v5;
	v5 =	vld [tilespmem:s0+$0x96F0]  }
0xc1: {  	[tilespmem:s0+$0x15E90] =	vst v0;
	v0 =	vmul.f32 $8.000000000e+00, v6;
	v6 =	vld [tilespmem:s0+$0x9700]  }
0xc2: {  	[tilespmem:s0+$0x15EA0] =	vst v1;
	v1 =	vmul.f32 $8.000000000e+00, v2;
	v2 =	vld [tilespmem:s0+$0x9710]  }
0xc3: {  	[tilespmem:s0+$0x15EB0] =	vst v0;
	v0 =	vmul.f32 $8.000000000e+00, v3;
	v3 =	vld [tilespmem:s0+$0x9720]  }
0xc4: {  	[tilespmem:s0+$0x15EC0] =	vst v1;
	v1 =	vmul.f32 $8.000000000e+00, v4;
	v4 =	vld [tilespmem:s0+$0x9730]  }
0xc5: {  	[tilespmem:s0+$0x15ED0] =	vst v0;
	v0 =	vmul.f32 $8.000000000e+00, v5;
	v5 =	vld [tilespmem:s0+$0x9740]  }
0xc6: {  	[tilespmem:s0+$0x15EE0] =	vst v1;
	v1 =	vmul.f32 $8.000000000e+00, v6;
	v6 =	vld [tilespmem:s0+$0x9750]  }
0xc7: {  	[tilespmem:s0+$0x15EF0] =	vst v0;
	v0 =	vmul.f32 $8.000000000e+00, v2;
	v2 =	vld [tilespmem:s0+$0x9760]  }
0xc8: {  	[tilespmem:s0+$0x15F00] =	vst v1;
	v1 =	vmul.f32 $8.000000000e+00, v3;
	v3 =	vld [tilespmem:s0+$0x9770]  }
0xc9: {  	[tilespmem:s0+$0x15F10] =	vst v0;
	v0 =	vmul.f32 $8.000000000e+00, v4;
	v4 =	vld [tilespmem:s0+$0x9780]  }
0xca: {  	[tilespmem:s0+$0x15F20] =	vst v1;
	v1 =	vmul.f32 $8.000000000e+00, v5;
	v7 =	vld [tilespmem:s0+$0x9790]  }
.Ltmp1:
0xcb: {  	[tilespmem:s0+$0x15F30] =	vst v0;
	v5 =	vmul.f32 $8.000000000e+00, v6;
	v0 =	vld [tilespmem:s0+$0x97A0];
	(pc) =	sbr.rel @p1 .LBB2_5-.Ltmp1, $4  }
0xcc: {  	[tilespmem:s0+$0x15F40] =	vst v1;
	v6 =	vmul.f32 $8.000000000e+00, v2;
	v1 =	vld [tilespmem:s0+$0x97B0]  }
0xcd: {  	[tilespmem:s0+$0x15F50] =	vst v5;
	v8 =	vmul.f32 $8.000000000e+00, v3;
	v2 =	vld [tilespmem:s0+$0x97C0]  }
0xce: {  	[tilespmem:s0+$0x15F60] =	vst v6;
	v5 =	vmul.f32 $8.000000000e+00, v4;
	v3 =	vld [tilespmem:s0+$0x97D0]  }
0xcf: {  	s1 =	sshra.s32 s10, $0x2;
	s10 =	sadd.s32 $0x800, s10;
	[tilespmem:s0+$0x15F70] =	vst v8;
	v6 =	vmul.f32 $8.000000000e+00, v7;
	v4 =	vld [tilespmem:s0+$0x97E0]  }
0xd0: {  	v7 =	vld [tilespmem:s1+$0x97F0];
	[tilespmem:s0+$0x15F80] =	vst v5;
	v0 =	vmul.f32 $8.000000000e+00, v0  }
0xd1: {  	v5 =	vld [tilespmem:s1+$0x9600];
	[tilespmem:s0+$0x15F90] =	vst v6;
	v1 =	vmul.f32 $8.000000000e+00, v1  }
0xd2: {  	v6 =	vld [tilespmem:s1+$0x9610];
	[tilespmem:s0+$0x15FA0] =	vst v0;
	v2 =	vmul.f32 $8.000000000e+00, v2  }
0xd3: {  	v0 =	vld [tilespmem:s1+$0x9620];
	[tilespmem:s0+$0x15FB0] =	vst v1;
	v3 =	vmul.f32 $8.000000000e+00, v3  }
0xd4: {  	v1 =	vld [tilespmem:s1+$0x9630];
	[tilespmem:s0+$0x15FC0] =	vst v2;
	v4 =	vmul.f32 $8.000000000e+00, v4  }
0xd5: {  	v2 =	vld [tilespmem:s1+$0x9640];
	[tilespmem:s0+$0x15FD0] =	vst v3;
	v7 =	vmul.f32 $8.000000000e+00, v7  }
0xd6: {  	v3 =	vld [tilespmem:s1+$0x9650];
	[tilespmem:s0+$0x15FE0] =	vst v4;
	v4 =	vmul.f32 $8.000000000e+00, v5  }
0xd7: {  	v5 =	vld [tilespmem:s1+$0x9660];
	[tilespmem:s1+$0x15FF0] =	vst v7;
	v6 =	vmul.f32 $8.000000000e+00, v6  }
0xd8: {  	[tilespmem:s1+$0x15E00] =	vst v4;
	v4 =	vld [tilespmem:s1+$0x9670];
	v0 =	vmul.f32 $8.000000000e+00, v0  }
0xd9: {  	[tilespmem:s1+$0x15E10] =	vst v6;
	v6 =	vld [tilespmem:s1+$0x9680];
	v1 =	vmul.f32 $8.000000000e+00, v1  }
0xda: {  	[tilespmem:s1+$0x15E20] =	vst v0;
	v0 =	vld [tilespmem:s1+$0x9690];
	v2 =	vmul.f32 $8.000000000e+00, v2  }
0xdb: {  	[tilespmem:s1+$0x15E30] =	vst v1;
	v1 =	vld [tilespmem:s1+$0x96A0];
	v3 =	vmul.f32 $8.000000000e+00, v3  }
0xdc: {  	[tilespmem:s1+$0x15E40] =	vst v2;
	v2 =	vld [tilespmem:s1+$0x96B0];
	v5 =	vmul.f32 $8.000000000e+00, v5  }
0xdd: {  	[tilespmem:s1+$0x15E50] =	vst v3;
	v3 =	vld [tilespmem:s1+$0x96C0];
	v4 =	vmul.f32 $8.000000000e+00, v4  }
0xde: {  	[tilespmem:s1+$0x15E60] =	vst v5;
	v5 =	vld [tilespmem:s1+$0x96D0];
	v6 =	vmul.f32 $8.000000000e+00, v6  }
0xdf: {  	[tilespmem:s1+$0x15E70] =	vst v4;
	v4 =	vld [tilespmem:s1+$0x96E0];
	v0 =	vmul.f32 $8.000000000e+00, v0  }
0xe0: {  	[tilespmem:s1+$0x15E80] =	vst v6;
	v6 =	vld [tilespmem:s1+$0x96F0];
	v1 =	vmul.f32 $8.000000000e+00, v1  }
0xe1: {  	[tilespmem:s1+$0x15E90] =	vst v0;
	v0 =	vld [tilespmem:s1+$0x9700];
	v2 =	vmul.f32 $8.000000000e+00, v2  }
0xe2: {  	[tilespmem:s1+$0x15EA0] =	vst v1;
	v1 =	vld [tilespmem:s1+$0x9710];
	v3 =	vmul.f32 $8.000000000e+00, v3  }
0xe3: {  	[tilespmem:s1+$0x15EB0] =	vst v2;
	v2 =	vld [tilespmem:s1+$0x9720];
	v5 =	vmul.f32 $8.000000000e+00, v5  }
0xe4: {  	[tilespmem:s1+$0x15EC0] =	vst v3;
	v3 =	vld [tilespmem:s1+$0x9730];
	v4 =	vmul.f32 $8.000000000e+00, v4  }
0xe5: {  	[tilespmem:s1+$0x15ED0] =	vst v5;
	v5 =	vld [tilespmem:s1+$0x9740];
	v6 =	vmul.f32 $8.000000000e+00, v6  }
0xe6: {  	[tilespmem:s1+$0x15EE0] =	vst v4;
	v4 =	vld [tilespmem:s1+$0x9750];
	v0 =	vmul.f32 $8.000000000e+00, v0  }
0xe7: {  	[tilespmem:s1+$0x15EF0] =	vst v6;
	v6 =	vld [tilespmem:s1+$0x9760];
	v1 =	vmul.f32 $8.000000000e+00, v1  }
0xe8: {  	[tilespmem:s1+$0x15F00] =	vst v0;
	v0 =	vld [tilespmem:s1+$0x9770];
	v2 =	vmul.f32 $8.000000000e+00, v2  }
0xe9: {  	[tilespmem:s1+$0x15F10] =	vst v1;
	v1 =	vld [tilespmem:s1+$0x9780];
	v3 =	vmul.f32 $8.000000000e+00, v3  }
0xea: {  	[tilespmem:s1+$0x15F20] =	vst v2;
	v2 =	vld [tilespmem:s1+$0x9790];
	v5 =	vmul.f32 $8.000000000e+00, v5  }
0xeb: {  	[tilespmem:s1+$0x15F30] =	vst v3;
	v3 =	vld [tilespmem:s1+$0x97A0];
	v4 =	vmul.f32 $8.000000000e+00, v4  }
0xec: {  	[tilespmem:s1+$0x15F40] =	vst v5;
	v5 =	vld [tilespmem:s1+$0x97B0];
	v6 =	vmul.f32 $8.000000000e+00, v6  }
0xed: {  	[tilespmem:s1+$0x15F50] =	vst v4;
	v4 =	vld [tilespmem:s1+$0x97C0];
	v0 =	vmul.f32 $8.000000000e+00, v0  }
0xee: {  	[tilespmem:s1+$0x15F60] =	vst v6;
	v6 =	vld [tilespmem:s1+$0x97D0];
	v1 =	vmul.f32 $8.000000000e+00, v1  }
0xef: {  	[tilespmem:s1+$0x15F70] =	vst v0;
	v0 =	vmul.f32 $8.000000000e+00, v2;
	v2 =	vld [tilespmem:s1+$0x97E0]  }
0xf0: {  	[tilespmem:s1+$0x15F80] =	vst v1;
	v1 =	vmul.f32 $8.000000000e+00, v3  }
0xf1: {  	[tilespmem:s1+$0x15F90] =	vst v0;
	v0 =	vmul.f32 $8.000000000e+00, v5  }
0xf2: {  	[tilespmem:s1+$0x15FA0] =	vst v1;
	v1 =	vmul.f32 $8.000000000e+00, v4  }
0xf3: {  	[tilespmem:s1+$0x15FB0] =	vst v0;
	v0 =	vmul.f32 $8.000000000e+00, v6  }
0xf4: {  	[tilespmem:s1+$0x15FC0] =	vst v1;
	v1 =	vmul.f32 $8.000000000e+00, v2  }
0xf5: {  	s10 =	sadd.s32 s3, s31;
	s31 =	simm.s32 @!p0 $0x9600;
	[tilespmem:s1+$0x15FD0] =	vst v0  }
0xf6: {  	s10 =	smul.u32 $0xC80, s10;
	s0 =	sadd.s32 @!p0 $0x3E8, s30;
	[tilespmem:s1+$0x15FE0] =	vst v1;
	s1 =	simm.s32 @!p0 $0xC8  }
0xf7: {  	[tilespmem:s31], [sflag:$0x2] =	stream.indirect.gather @!p0 [hbm4b:s4+s1], $0x40, s0, s1, $0xb8;
	[tilespmem:$0x19000] =	vst v63  }
0xf8: {  	s10 =	sadd.s32 s5, s10  }
0xf9: {  	[hbm4b:s10+s17] =	stream.strided.scatter [tilespmem:s21], [sflag:$0x6], $0x3200, s18, s17, $0x38;
	[tilespmem:$0x19000] =	vst v63  }
0xfa: {  	_ =	swait.ge [sflag:s22], $0x3200  }
0xfb: {  	[sflag:s22] =	ssyncset.done $0x0  }
0xfc: {  	[sflag:s22] =	ssyncadd.s32 $0xFFFFCE00  }
0xfd: {  	_ =	swait.ge [sflag:s23], $0x3200  }
0xfe: {  	[sflag:s23] =	ssyncset.done $0x0  }
0xff: {  	s0 =	simm.s32 $0x0;
	[sflag:s23] =	ssyncadd.s32 $0xFFFFCE00  }
0x100: {  	v0 =	vld [tilespmem:s0+$0xC9F0]  }
0x101: {  	v1 =	vld [tilespmem:s0+$0xC800];
	_ =	sdelay $0x1  }
0x102: {  	v2 =	vld [tilespmem:s0+$0xC810]  }
0x103: {  	v3 =	vld [tilespmem:s0+$0xC820]  }
0x104: {  	v4 =	vld [tilespmem:s0+$0xC830];
	v0 =	vmul.f32 $8.000000000e+00, v0  }
0x105: {  	v5 =	vld [tilespmem:s0+$0xC840];
	v1 =	vmul.f32 $8.000000000e+00, v1  }
0x106: {  	v6 =	vld [tilespmem:s0+$0xC850];
	[tilespmem:s0+$0x12DF0] =	vst v0  }
0x107: {  	v0 =	vmul.f32 $8.000000000e+00, v2;
	[tilespmem:s0+$0x12C00] =	vst v1;
	v1 =	vld [tilespmem:s0+$0xC870]  }
0x108: {  	v7 =	vld [tilespmem:s0+$0xC860];
	v2 =	vmul.f32 $8.000000000e+00, v3  }
0x109: {  	v3 =	vmul.f32 $8.000000000e+00, v4;
	[tilespmem:s0+$0x12C10] =	vst v0;
	v0 =	vld [tilespmem:s0+$0xC880]  }
0x10a: {  	v4 =	vmul.f32 $8.000000000e+00, v5;
	[tilespmem:s0+$0x12C20] =	vst v2;
	v2 =	vld [tilespmem:s0+$0xC890]  }
0x10b: {  	v5 =	vmul.f32 $8.000000000e+00, v6;
	[tilespmem:s0+$0x12C30] =	vst v3;
	v3 =	vld [tilespmem:s0+$0xC8A0]  }
0x10c: {  	[tilespmem:s0+$0x12C40] =	vst v4;
	v4 =	vld [tilespmem:s0+$0xC8B0];
	v1 =	vmul.f32 $8.000000000e+00, v1  }
0x10d: {  	v6 =	vmul.f32 $8.000000000e+00, v7;
	[tilespmem:s0+$0x12C50] =	vst v5;
	v5 =	vld [tilespmem:s0+$0xC8C0]  }
0x10e: {  	v0 =	vmul.f32 $8.000000000e+00, v0;
	[tilespmem:s0+$0x12C70] =	vst v1;
	v1 =	vld [tilespmem:s0+$0xC8E0]  }
0x10f: {  	[tilespmem:s0+$0x12C60] =	vst v6;
	v6 =	vld [tilespmem:s0+$0xC8D0];
	v2 =	vmul.f32 $8.000000000e+00, v2  }
0x110: {  	v3 =	vmul.f32 $8.000000000e+00, v3;
	[tilespmem:s0+$0x12C80] =	vst v0;
	v0 =	vld [tilespmem:s0+$0xC8F0]  }
0x111: {  	v4 =	vmul.f32 $8.000000000e+00, v4;
	[tilespmem:s0+$0x12C90] =	vst v2;
	v2 =	vld [tilespmem:s0+$0xC900]  }
0x112: {  	v5 =	vmul.f32 $8.000000000e+00, v5;
	[tilespmem:s0+$0x12CA0] =	vst v3;
	v3 =	vld [tilespmem:s0+$0xC910]  }
0x113: {  	[tilespmem:s0+$0x12CB0] =	vst v4;
	v4 =	vld [tilespmem:s0+$0xC920];
	v1 =	vmul.f32 $8.000000000e+00, v1  }
0x114: {  	v6 =	vmul.f32 $8.000000000e+00, v6;
	[tilespmem:s0+$0x12CC0] =	vst v5;
	v5 =	vld [tilespmem:s0+$0xC930]  }
0x115: {  	v0 =	vmul.f32 $8.000000000e+00, v0;
	[tilespmem:s0+$0x12CE0] =	vst v1;
	v1 =	vld [tilespmem:s0+$0xC950]  }
0x116: {  	[tilespmem:s0+$0x12CD0] =	vst v6;
	v6 =	vld [tilespmem:s0+$0xC940];
	v2 =	vmul.f32 $8.000000000e+00, v2  }
0x117: {  	[tilespmem:s0+$0x12CF0] =	vst v0;
	v0 =	vmul.f32 $8.000000000e+00, v3;
	v3 =	vld [tilespmem:s0+$0xC970]  }
0x118: {  	v7 =	vld [tilespmem:s0+$0xC960];
	[tilespmem:s0+$0x12D00] =	vst v2;
	v2 =	vmul.f32 $8.000000000e+00, v4  }
0x119: {  	v4 =	vld [tilespmem:s0+$0xC980];
	[tilespmem:s0+$0x12D10] =	vst v0;
	v0 =	vmul.f32 $8.000000000e+00, v5  }
0x11a: {  	v8 =	vld [tilespmem:s0+$0xC990];
	[tilespmem:s0+$0x12D20] =	vst v2;
	v5 =	vmul.f32 $8.000000000e+00, v1  }
0x11b: {  	v2 =	vmul.f32 $8.000000000e+00, v6;
	[tilespmem:s0+$0x12D30] =	vst v0;
	v0 =	vld [tilespmem:s0+$0xC9A0]  }
0x11c: {  	v1 =	vld [tilespmem:s0+$0xC9B0];
	[tilespmem:s0+$0x12D50] =	vst v5;
	v5 =	vmul.f32 $8.000000000e+00, v3  }
0x11d: {  	v6 =	vmul.f32 $8.000000000e+00, v7;
	[tilespmem:s0+$0x12D40] =	vst v2;
	v2 =	vld [tilespmem:s0+$0xC9C0]  }
0x11e: {  	v3 =	vld [tilespmem:s0+$0xC9D0];
	[tilespmem:s0+$0x12D70] =	vst v5;
	v5 =	vmul.f32 $8.000000000e+00, v4  }
0x11f: {  	s31 =	simm.s32 $0x200;
	s1 =	simm.s32 $0x1000;
	[tilespmem:s0+$0x12D60] =	vst v6;
	v6 =	vmul.f32 $8.000000000e+00, v8;
	v4 =	vld [tilespmem:s0+$0xC9E0]  }
.LBB2_7:
0x120: {  	p1 =	sne.s32 s1, $0xC000;
	v7 =	vld [tilespmem:s31+$0xC9F0];
	[tilespmem:s0+$0x12D80] =	vst v5;
	v0 =	vmul.f32 $8.000000000e+00, v0  }
0x121: {  	v5 =	vld [tilespmem:s31+$0xC800];
	[tilespmem:s0+$0x12D90] =	vst v6;
	v1 =	vmul.f32 $8.000000000e+00, v1  }
0x122: {  	v6 =	vld [tilespmem:s31+$0xC810];
	[tilespmem:s0+$0x12DA0] =	vst v0;
	v0 =	vmul.f32 $8.000000000e+00, v2  }
0x123: {  	v2 =	vld [tilespmem:s31+$0xC820];
	[tilespmem:s0+$0x12DB0] =	vst v1;
	v1 =	vmul.f32 $8.000000000e+00, v3  }
0x124: {  	v3 =	vld [tilespmem:s31+$0xC830];
	[tilespmem:s0+$0x12DC0] =	vst v0;
	v0 =	vmul.f32 $8.000000000e+00, v4  }
0x125: {  	v4 =	vld [tilespmem:s31+$0xC840];
	v7 =	vmul.f32 $8.000000000e+00, v7;
	[tilespmem:s0+$0x12DD0] =	vst v1  }
0x126: {  	v1 =	vmul.f32 $8.000000000e+00, v5;
	v5 =	vld [tilespmem:s31+$0xC850];
	[tilespmem:s0+$0x12DE0] =	vst v0;
	s0 =	smov.u32 s31  }
0x127: {  	v0 =	vmul.f32 $8.000000000e+00, v6;
	v6 =	vld [tilespmem:s0+$0xC860];
	[tilespmem:s0+$0x12DF0] =	vst v7  }
0x128: {  	[tilespmem:s0+$0x12C00] =	vst v1;
	v1 =	vmul.f32 $8.000000000e+00, v2;
	v2 =	vld [tilespmem:s0+$0xC870]  }
0x129: {  	[tilespmem:s0+$0x12C10] =	vst v0;
	v0 =	vmul.f32 $8.000000000e+00, v3;
	v3 =	vld [tilespmem:s0+$0xC880]  }
0x12a: {  	[tilespmem:s0+$0x12C20] =	vst v1;
	v1 =	vmul.f32 $8.000000000e+00, v4;
	v4 =	vld [tilespmem:s0+$0xC890]  }
0x12b: {  	[tilespmem:s0+$0x12C30] =	vst v0;
	v0 =	vmul.f32 $8.000000000e+00, v5;
	v5 =	vld [tilespmem:s0+$0xC8A0]  }
0x12c: {  	[tilespmem:s0+$0x12C40] =	vst v1;
	v1 =	vmul.f32 $8.000000000e+00, v6;
	v6 =	vld [tilespmem:s0+$0xC8B0]  }
0x12d: {  	[tilespmem:s0+$0x12C50] =	vst v0;
	v0 =	vmul.f32 $8.000000000e+00, v2;
	v2 =	vld [tilespmem:s0+$0xC8C0]  }
0x12e: {  	[tilespmem:s0+$0x12C60] =	vst v1;
	v1 =	vmul.f32 $8.000000000e+00, v3;
	v3 =	vld [tilespmem:s0+$0xC8D0]  }
0x12f: {  	[tilespmem:s0+$0x12C70] =	vst v0;
	v0 =	vmul.f32 $8.000000000e+00, v4;
	v4 =	vld [tilespmem:s0+$0xC8E0]  }
0x130: {  	[tilespmem:s0+$0x12C80] =	vst v1;
	v1 =	vmul.f32 $8.000000000e+00, v5;
	v5 =	vld [tilespmem:s0+$0xC8F0]  }
0x131: {  	[tilespmem:s0+$0x12C90] =	vst v0;
	v0 =	vmul.f32 $8.000000000e+00, v6;
	v6 =	vld [tilespmem:s0+$0xC900]  }
0x132: {  	[tilespmem:s0+$0x12CA0] =	vst v1;
	v1 =	vmul.f32 $8.000000000e+00, v2;
	v2 =	vld [tilespmem:s0+$0xC910]  }
0x133: {  	[tilespmem:s0+$0x12CB0] =	vst v0;
	v0 =	vmul.f32 $8.000000000e+00, v3;
	v3 =	vld [tilespmem:s0+$0xC920]  }
0x134: {  	[tilespmem:s0+$0x12CC0] =	vst v1;
	v1 =	vmul.f32 $8.000000000e+00, v4;
	v4 =	vld [tilespmem:s0+$0xC930]  }
0x135: {  	[tilespmem:s0+$0x12CD0] =	vst v0;
	v0 =	vmul.f32 $8.000000000e+00, v5;
	v5 =	vld [tilespmem:s0+$0xC940]  }
0x136: {  	[tilespmem:s0+$0x12CE0] =	vst v1;
	v1 =	vmul.f32 $8.000000000e+00, v6;
	v6 =	vld [tilespmem:s0+$0xC950]  }
0x137: {  	[tilespmem:s0+$0x12CF0] =	vst v0;
	v0 =	vmul.f32 $8.000000000e+00, v2;
	v2 =	vld [tilespmem:s0+$0xC960]  }
0x138: {  	[tilespmem:s0+$0x12D00] =	vst v1;
	v1 =	vmul.f32 $8.000000000e+00, v3;
	v3 =	vld [tilespmem:s0+$0xC970]  }
0x139: {  	[tilespmem:s0+$0x12D10] =	vst v0;
	v0 =	vmul.f32 $8.000000000e+00, v4;
	v4 =	vld [tilespmem:s0+$0xC980]  }
0x13a: {  	[tilespmem:s0+$0x12D20] =	vst v1;
	v1 =	vmul.f32 $8.000000000e+00, v5;
	v7 =	vld [tilespmem:s0+$0xC990]  }
.Ltmp2:
0x13b: {  	[tilespmem:s0+$0x12D30] =	vst v0;
	v5 =	vmul.f32 $8.000000000e+00, v6;
	v0 =	vld [tilespmem:s0+$0xC9A0];
	(pc) =	sbr.rel @p1 .LBB2_7-.Ltmp2, $4  }
0x13c: {  	[tilespmem:s0+$0x12D40] =	vst v1;
	v6 =	vmul.f32 $8.000000000e+00, v2;
	v1 =	vld [tilespmem:s0+$0xC9B0]  }
0x13d: {  	[tilespmem:s0+$0x12D50] =	vst v5;
	v8 =	vmul.f32 $8.000000000e+00, v3;
	v2 =	vld [tilespmem:s0+$0xC9C0]  }
0x13e: {  	[tilespmem:s0+$0x12D60] =	vst v6;
	v5 =	vmul.f32 $8.000000000e+00, v4;
	v3 =	vld [tilespmem:s0+$0xC9D0]  }
0x13f: {  	s31 =	sshra.s32 s1, $0x2;
	s1 =	sadd.s32 $0x800, s1;
	[tilespmem:s0+$0x12D70] =	vst v8;
	v6 =	vmul.f32 $8.000000000e+00, v7;
	v4 =	vld [tilespmem:s0+$0xC9E0]  }
0x140: {  	v7 =	vld [tilespmem:s31+$0xC9F0];
	[tilespmem:s0+$0x12D80] =	vst v5;
	v0 =	vmul.f32 $8.000000000e+00, v0  }
0x141: {  	v5 =	vld [tilespmem:s31+$0xC800];
	[tilespmem:s0+$0x12D90] =	vst v6;
	v1 =	vmul.f32 $8.000000000e+00, v1  }
0x142: {  	v6 =	vld [tilespmem:s31+$0xC810];
	[tilespmem:s0+$0x12DA0] =	vst v0;
	v2 =	vmul.f32 $8.000000000e+00, v2  }
0x143: {  	v0 =	vld [tilespmem:s31+$0xC820];
	[tilespmem:s0+$0x12DB0] =	vst v1;
	v3 =	vmul.f32 $8.000000000e+00, v3  }
0x144: {  	v1 =	vld [tilespmem:s31+$0xC830];
	[tilespmem:s0+$0x12DC0] =	vst v2;
	v4 =	vmul.f32 $8.000000000e+00, v4  }
0x145: {  	v2 =	vld [tilespmem:s31+$0xC840];
	[tilespmem:s0+$0x12DD0] =	vst v3;
	v7 =	vmul.f32 $8.000000000e+00, v7  }
0x146: {  	v3 =	vld [tilespmem:s31+$0xC850];
	[tilespmem:s0+$0x12DE0] =	vst v4;
	v4 =	vmul.f32 $8.000000000e+00, v5  }
0x147: {  	v5 =	vld [tilespmem:s31+$0xC860];
	[tilespmem:s31+$0x12DF0] =	vst v7;
	v6 =	vmul.f32 $8.000000000e+00, v6  }
0x148: {  	[tilespmem:s31+$0x12C00] =	vst v4;
	v4 =	vld [tilespmem:s31+$0xC870];
	v0 =	vmul.f32 $8.000000000e+00, v0  }
0x149: {  	[tilespmem:s31+$0x12C10] =	vst v6;
	v6 =	vld [tilespmem:s31+$0xC880];
	v1 =	vmul.f32 $8.000000000e+00, v1  }
0x14a: {  	[tilespmem:s31+$0x12C20] =	vst v0;
	v0 =	vld [tilespmem:s31+$0xC890];
	v2 =	vmul.f32 $8.000000000e+00, v2  }
0x14b: {  	[tilespmem:s31+$0x12C30] =	vst v1;
	v1 =	vld [tilespmem:s31+$0xC8A0];
	v3 =	vmul.f32 $8.000000000e+00, v3  }
0x14c: {  	[tilespmem:s31+$0x12C40] =	vst v2;
	v2 =	vld [tilespmem:s31+$0xC8B0];
	v5 =	vmul.f32 $8.000000000e+00, v5  }
0x14d: {  	[tilespmem:s31+$0x12C50] =	vst v3;
	v3 =	vld [tilespmem:s31+$0xC8C0];
	v4 =	vmul.f32 $8.000000000e+00, v4  }
0x14e: {  	[tilespmem:s31+$0x12C60] =	vst v5;
	v5 =	vld [tilespmem:s31+$0xC8D0];
	v6 =	vmul.f32 $8.000000000e+00, v6  }
0x14f: {  	[tilespmem:s31+$0x12C70] =	vst v4;
	v4 =	vld [tilespmem:s31+$0xC8E0];
	v0 =	vmul.f32 $8.000000000e+00, v0  }
0x150: {  	[tilespmem:s31+$0x12C80] =	vst v6;
	v6 =	vld [tilespmem:s31+$0xC8F0];
	v1 =	vmul.f32 $8.000000000e+00, v1  }
0x151: {  	[tilespmem:s31+$0x12C90] =	vst v0;
	v0 =	vld [tilespmem:s31+$0xC900];
	v2 =	vmul.f32 $8.000000000e+00, v2  }
0x152: {  	[tilespmem:s31+$0x12CA0] =	vst v1;
	v1 =	vld [tilespmem:s31+$0xC910];
	v3 =	vmul.f32 $8.000000000e+00, v3  }
0x153: {  	[tilespmem:s31+$0x12CB0] =	vst v2;
	v2 =	vld [tilespmem:s31+$0xC920];
	v5 =	vmul.f32 $8.000000000e+00, v5  }
0x154: {  	[tilespmem:s31+$0x12CC0] =	vst v3;
	v3 =	vld [tilespmem:s31+$0xC930];
	v4 =	vmul.f32 $8.000000000e+00, v4  }
0x155: {  	[tilespmem:s31+$0x12CD0] =	vst v5;
	v5 =	vld [tilespmem:s31+$0xC940];
	v6 =	vmul.f32 $8.000000000e+00, v6  }
0x156: {  	[tilespmem:s31+$0x12CE0] =	vst v4;
	v4 =	vld [tilespmem:s31+$0xC950];
	v0 =	vmul.f32 $8.000000000e+00, v0  }
0x157: {  	[tilespmem:s31+$0x12CF0] =	vst v6;
	v6 =	vld [tilespmem:s31+$0xC960];
	v1 =	vmul.f32 $8.000000000e+00, v1  }
0x158: {  	[tilespmem:s31+$0x12D00] =	vst v0;
	v0 =	vld [tilespmem:s31+$0xC970];
	v2 =	vmul.f32 $8.000000000e+00, v2  }
0x159: {  	[tilespmem:s31+$0x12D10] =	vst v1;
	v1 =	vld [tilespmem:s31+$0xC980];
	v3 =	vmul.f32 $8.000000000e+00, v3  }
0x15a: {  	[tilespmem:s31+$0x12D20] =	vst v2;
	v2 =	vld [tilespmem:s31+$0xC990];
	v5 =	vmul.f32 $8.000000000e+00, v5  }
0x15b: {  	[tilespmem:s31+$0x12D30] =	vst v3;
	v3 =	vld [tilespmem:s31+$0xC9A0];
	v4 =	vmul.f32 $8.000000000e+00, v4  }
0x15c: {  	[tilespmem:s31+$0x12D40] =	vst v5;
	v5 =	vld [tilespmem:s31+$0xC9B0];
	v6 =	vmul.f32 $8.000000000e+00, v6  }
0x15d: {  	[tilespmem:s31+$0x12D50] =	vst v4;
	v4 =	vld [tilespmem:s31+$0xC9C0];
	v0 =	vmul.f32 $8.000000000e+00, v0  }
0x15e: {  	[tilespmem:s31+$0x12D60] =	vst v6;
	v6 =	vld [tilespmem:s31+$0xC9D0];
	v1 =	vmul.f32 $8.000000000e+00, v1  }
0x15f: {  	[tilespmem:s31+$0x12D70] =	vst v0;
	v0 =	vmul.f32 $8.000000000e+00, v2;
	v2 =	vld [tilespmem:s31+$0xC9E0]  }
0x160: {  	[tilespmem:s31+$0x12D80] =	vst v1;
	v1 =	vmul.f32 $8.000000000e+00, v3  }
0x161: {  	[tilespmem:s31+$0x12D90] =	vst v0;
	v0 =	vmul.f32 $8.000000000e+00, v5  }
0x162: {  	[tilespmem:s31+$0x12DA0] =	vst v1;
	v1 =	vmul.f32 $8.000000000e+00, v4  }
0x163: {  	[tilespmem:s31+$0x12DB0] =	vst v0;
	v0 =	vmul.f32 $8.000000000e+00, v6  }
0x164: {  	s10 =	sor.u32 $0x2, s29;
	[tilespmem:s31+$0x12DC0] =	vst v1;
	v1 =	vmul.f32 $8.000000000e+00, v2  }
0x165: {  	s1 =	sadd.s32 @!p0 $0x4B0, s30;
	s0 =	sadd.s32 s3, s10;
	[tilespmem:s31+$0x12DD0] =	vst v0  }
0x166: {  	s10 =	simm.s32 @!p0 $0xC8;
	s0 =	smul.u32 $0xC80, s0;
	[tilespmem:s31+$0x12DE0] =	vst v1;
	s31 =	simm.s32 @!p0 $0xC800  }
0x167: {  	[tilespmem:s31], [sflag:$0x3] =	stream.indirect.gather @!p0 [hbm4b:s4+s10], $0x40, s1, s10, $0xb8;
	[tilespmem:$0x19000] =	vst v63  }
0x168: {  	s0 =	sadd.s32 s5, s0  }
0x169: {  	[hbm4b:s0+s17] =	stream.strided.scatter [tilespmem:s19], [sflag:$0x5], $0x3200, s18, s17, $0x38;
	[tilespmem:$0x19000] =	vst v63  }
0x16a: {  	_ =	swait.ge [sflag:s24], $0x3200  }
0x16b: {  	[sflag:s24] =	ssyncset.done $0x0  }
0x16c: {  	[sflag:s24] =	ssyncadd.s32 $0xFFFFCE00  }
0x16d: {  	_ =	swait.ge [sflag:s25], $0x3200  }
0x16e: {  	[sflag:s25] =	ssyncset.done $0x0  }
0x16f: {  	s0 =	simm.s32 $0x0;
	[sflag:s25] =	ssyncadd.s32 $0xFFFFCE00  }
0x170: {  	v0 =	vld [tilespmem:s0+$0xFBF0]  }
0x171: {  	v1 =	vld [tilespmem:s0+$0xFA00];
	_ =	sdelay $0x1  }
0x172: {  	v2 =	vld [tilespmem:s0+$0xFA10]  }
0x173: {  	v3 =	vld [tilespmem:s0+$0xFA20]  }
0x174: {  	v4 =	vld [tilespmem:s0+$0xFA30];
	v0 =	vmul.f32 $8.000000000e+00, v0  }
0x175: {  	v5 =	vld [tilespmem:s0+$0xFA40];
	v1 =	vmul.f32 $8.000000000e+00, v1  }
0x176: {  	v6 =	vld [tilespmem:s0+$0xFA50];
	[tilespmem:s0+$0x15FF0] =	vst v0  }
0x177: {  	v0 =	vmul.f32 $8.000000000e+00, v2;
	[tilespmem:s0+$0x15E00] =	vst v1;
	v1 =	vld [tilespmem:s0+$0xFA70]  }
0x178: {  	v7 =	vld [tilespmem:s0+$0xFA60];
	v2 =	vmul.f32 $8.000000000e+00, v3  }
0x179: {  	v3 =	vmul.f32 $8.000000000e+00, v4;
	[tilespmem:s0+$0x15E10] =	vst v0;
	v0 =	vld [tilespmem:s0+$0xFA80]  }
0x17a: {  	v4 =	vmul.f32 $8.000000000e+00, v5;
	[tilespmem:s0+$0x15E20] =	vst v2;
	v2 =	vld [tilespmem:s0+$0xFA90]  }
0x17b: {  	v5 =	vmul.f32 $8.000000000e+00, v6;
	[tilespmem:s0+$0x15E30] =	vst v3;
	v3 =	vld [tilespmem:s0+$0xFAA0]  }
0x17c: {  	[tilespmem:s0+$0x15E40] =	vst v4;
	v4 =	vld [tilespmem:s0+$0xFAB0];
	v1 =	vmul.f32 $8.000000000e+00, v1  }
0x17d: {  	v6 =	vmul.f32 $8.000000000e+00, v7;
	[tilespmem:s0+$0x15E50] =	vst v5;
	v5 =	vld [tilespmem:s0+$0xFAC0]  }
0x17e: {  	v0 =	vmul.f32 $8.000000000e+00, v0;
	[tilespmem:s0+$0x15E70] =	vst v1;
	v1 =	vld [tilespmem:s0+$0xFAE0]  }
0x17f: {  	[tilespmem:s0+$0x15E60] =	vst v6;
	v6 =	vld [tilespmem:s0+$0xFAD0];
	v2 =	vmul.f32 $8.000000000e+00, v2  }
0x180: {  	v3 =	vmul.f32 $8.000000000e+00, v3;
	[tilespmem:s0+$0x15E80] =	vst v0;
	v0 =	vld [tilespmem:s0+$0xFAF0]  }
0x181: {  	v4 =	vmul.f32 $8.000000000e+00, v4;
	[tilespmem:s0+$0x15E90] =	vst v2;
	v2 =	vld [tilespmem:s0+$0xFB00]  }
0x182: {  	v5 =	vmul.f32 $8.000000000e+00, v5;
	[tilespmem:s0+$0x15EA0] =	vst v3;
	v3 =	vld [tilespmem:s0+$0xFB10]  }
0x183: {  	[tilespmem:s0+$0x15EB0] =	vst v4;
	v4 =	vld [tilespmem:s0+$0xFB20];
	v1 =	vmul.f32 $8.000000000e+00, v1  }
0x184: {  	v6 =	vmul.f32 $8.000000000e+00, v6;
	[tilespmem:s0+$0x15EC0] =	vst v5;
	v5 =	vld [tilespmem:s0+$0xFB30]  }
0x185: {  	v0 =	vmul.f32 $8.000000000e+00, v0;
	[tilespmem:s0+$0x15EE0] =	vst v1;
	v1 =	vld [tilespmem:s0+$0xFB50]  }
0x186: {  	[tilespmem:s0+$0x15ED0] =	vst v6;
	v6 =	vld [tilespmem:s0+$0xFB40];
	v2 =	vmul.f32 $8.000000000e+00, v2  }
0x187: {  	[tilespmem:s0+$0x15EF0] =	vst v0;
	v0 =	vmul.f32 $8.000000000e+00, v3;
	v3 =	vld [tilespmem:s0+$0xFB70]  }
0x188: {  	v7 =	vld [tilespmem:s0+$0xFB60];
	[tilespmem:s0+$0x15F00] =	vst v2;
	v2 =	vmul.f32 $8.000000000e+00, v4  }
0x189: {  	v4 =	vld [tilespmem:s0+$0xFB80];
	[tilespmem:s0+$0x15F10] =	vst v0;
	v0 =	vmul.f32 $8.000000000e+00, v5  }
0x18a: {  	v8 =	vld [tilespmem:s0+$0xFB90];
	[tilespmem:s0+$0x15F20] =	vst v2;
	v5 =	vmul.f32 $8.000000000e+00, v1  }
0x18b: {  	v2 =	vmul.f32 $8.000000000e+00, v6;
	[tilespmem:s0+$0x15F30] =	vst v0;
	v0 =	vld [tilespmem:s0+$0xFBA0]  }
0x18c: {  	v1 =	vld [tilespmem:s0+$0xFBB0];
	[tilespmem:s0+$0x15F50] =	vst v5;
	v5 =	vmul.f32 $8.000000000e+00, v3  }
0x18d: {  	v6 =	vmul.f32 $8.000000000e+00, v7;
	[tilespmem:s0+$0x15F40] =	vst v2;
	v2 =	vld [tilespmem:s0+$0xFBC0]  }
0x18e: {  	v3 =	vld [tilespmem:s0+$0xFBD0];
	[tilespmem:s0+$0x15F70] =	vst v5;
	v5 =	vmul.f32 $8.000000000e+00, v4  }
0x18f: {  	s31 =	simm.s32 $0x200;
	s1 =	simm.s32 $0x1000;
	[tilespmem:s0+$0x15F60] =	vst v6;
	v6 =	vmul.f32 $8.000000000e+00, v8;
	v4 =	vld [tilespmem:s0+$0xFBE0]  }
.LBB2_9:
0x190: {  	p1 =	sne.s32 s1, $0xC000;
	v7 =	vld [tilespmem:s31+$0xFBF0];
	[tilespmem:s0+$0x15F80] =	vst v5;
	v0 =	vmul.f32 $8.000000000e+00, v0  }
0x191: {  	v5 =	vld [tilespmem:s31+$0xFA00];
	[tilespmem:s0+$0x15F90] =	vst v6;
	v1 =	vmul.f32 $8.000000000e+00, v1  }
0x192: {  	v6 =	vld [tilespmem:s31+$0xFA10];
	[tilespmem:s0+$0x15FA0] =	vst v0;
	v0 =	vmul.f32 $8.000000000e+00, v2  }
0x193: {  	v2 =	vld [tilespmem:s31+$0xFA20];
	[tilespmem:s0+$0x15FB0] =	vst v1;
	v1 =	vmul.f32 $8.000000000e+00, v3  }
0x194: {  	v3 =	vld [tilespmem:s31+$0xFA30];
	[tilespmem:s0+$0x15FC0] =	vst v0;
	v0 =	vmul.f32 $8.000000000e+00, v4  }
0x195: {  	v4 =	vld [tilespmem:s31+$0xFA40];
	v7 =	vmul.f32 $8.000000000e+00, v7;
	[tilespmem:s0+$0x15FD0] =	vst v1  }
0x196: {  	v1 =	vmul.f32 $8.000000000e+00, v5;
	v5 =	vld [tilespmem:s31+$0xFA50];
	[tilespmem:s0+$0x15FE0] =	vst v0;
	s0 =	smov.u32 s31  }
0x197: {  	v0 =	vmul.f32 $8.000000000e+00, v6;
	v6 =	vld [tilespmem:s0+$0xFA60];
	[tilespmem:s0+$0x15FF0] =	vst v7  }
0x198: {  	[tilespmem:s0+$0x15E00] =	vst v1;
	v1 =	vmul.f32 $8.000000000e+00, v2;
	v2 =	vld [tilespmem:s0+$0xFA70]  }
0x199: {  	[tilespmem:s0+$0x15E10] =	vst v0;
	v0 =	vmul.f32 $8.000000000e+00, v3;
	v3 =	vld [tilespmem:s0+$0xFA80]  }
0x19a: {  	[tilespmem:s0+$0x15E20] =	vst v1;
	v1 =	vmul.f32 $8.000000000e+00, v4;
	v4 =	vld [tilespmem:s0+$0xFA90]  }
0x19b: {  	[tilespmem:s0+$0x15E30] =	vst v0;
	v0 =	vmul.f32 $8.000000000e+00, v5;
	v5 =	vld [tilespmem:s0+$0xFAA0]  }
0x19c: {  	[tilespmem:s0+$0x15E40] =	vst v1;
	v1 =	vmul.f32 $8.000000000e+00, v6;
	v6 =	vld [tilespmem:s0+$0xFAB0]  }
0x19d: {  	[tilespmem:s0+$0x15E50] =	vst v0;
	v0 =	vmul.f32 $8.000000000e+00, v2;
	v2 =	vld [tilespmem:s0+$0xFAC0]  }
0x19e: {  	[tilespmem:s0+$0x15E60] =	vst v1;
	v1 =	vmul.f32 $8.000000000e+00, v3;
	v3 =	vld [tilespmem:s0+$0xFAD0]  }
0x19f: {  	[tilespmem:s0+$0x15E70] =	vst v0;
	v0 =	vmul.f32 $8.000000000e+00, v4;
	v4 =	vld [tilespmem:s0+$0xFAE0]  }
0x1a0: {  	[tilespmem:s0+$0x15E80] =	vst v1;
	v1 =	vmul.f32 $8.000000000e+00, v5;
	v5 =	vld [tilespmem:s0+$0xFAF0]  }
0x1a1: {  	[tilespmem:s0+$0x15E90] =	vst v0;
	v0 =	vmul.f32 $8.000000000e+00, v6;
	v6 =	vld [tilespmem:s0+$0xFB00]  }
0x1a2: {  	[tilespmem:s0+$0x15EA0] =	vst v1;
	v1 =	vmul.f32 $8.000000000e+00, v2;
	v2 =	vld [tilespmem:s0+$0xFB10]  }
0x1a3: {  	[tilespmem:s0+$0x15EB0] =	vst v0;
	v0 =	vmul.f32 $8.000000000e+00, v3;
	v3 =	vld [tilespmem:s0+$0xFB20]  }
0x1a4: {  	[tilespmem:s0+$0x15EC0] =	vst v1;
	v1 =	vmul.f32 $8.000000000e+00, v4;
	v4 =	vld [tilespmem:s0+$0xFB30]  }
0x1a5: {  	[tilespmem:s0+$0x15ED0] =	vst v0;
	v0 =	vmul.f32 $8.000000000e+00, v5;
	v5 =	vld [tilespmem:s0+$0xFB40]  }
0x1a6: {  	[tilespmem:s0+$0x15EE0] =	vst v1;
	v1 =	vmul.f32 $8.000000000e+00, v6;
	v6 =	vld [tilespmem:s0+$0xFB50]  }
0x1a7: {  	[tilespmem:s0+$0x15EF0] =	vst v0;
	v0 =	vmul.f32 $8.000000000e+00, v2;
	v2 =	vld [tilespmem:s0+$0xFB60]  }
0x1a8: {  	[tilespmem:s0+$0x15F00] =	vst v1;
	v1 =	vmul.f32 $8.000000000e+00, v3;
	v3 =	vld [tilespmem:s0+$0xFB70]  }
0x1a9: {  	[tilespmem:s0+$0x15F10] =	vst v0;
	v0 =	vmul.f32 $8.000000000e+00, v4;
	v4 =	vld [tilespmem:s0+$0xFB80]  }
0x1aa: {  	[tilespmem:s0+$0x15F20] =	vst v1;
	v1 =	vmul.f32 $8.000000000e+00, v5;
	v7 =	vld [tilespmem:s0+$0xFB90]  }
.Ltmp3:
0x1ab: {  	[tilespmem:s0+$0x15F30] =	vst v0;
	v5 =	vmul.f32 $8.000000000e+00, v6;
	v0 =	vld [tilespmem:s0+$0xFBA0];
	(pc) =	sbr.rel @p1 .LBB2_9-.Ltmp3, $4  }
0x1ac: {  	[tilespmem:s0+$0x15F40] =	vst v1;
	v6 =	vmul.f32 $8.000000000e+00, v2;
	v1 =	vld [tilespmem:s0+$0xFBB0]  }
0x1ad: {  	[tilespmem:s0+$0x15F50] =	vst v5;
	v8 =	vmul.f32 $8.000000000e+00, v3;
	v2 =	vld [tilespmem:s0+$0xFBC0]  }
0x1ae: {  	[tilespmem:s0+$0x15F60] =	vst v6;
	v5 =	vmul.f32 $8.000000000e+00, v4;
	v3 =	vld [tilespmem:s0+$0xFBD0]  }
0x1af: {  	s31 =	sshra.s32 s1, $0x2;
	s1 =	sadd.s32 $0x800, s1;
	[tilespmem:s0+$0x15F70] =	vst v8;
	v6 =	vmul.f32 $8.000000000e+00, v7;
	v4 =	vld [tilespmem:s0+$0xFBE0]  }
0x1b0: {  	v7 =	vld [tilespmem:s31+$0xFBF0];
	[tilespmem:s0+$0x15F80] =	vst v5;
	v0 =	vmul.f32 $8.000000000e+00, v0  }
0x1b1: {  	v5 =	vld [tilespmem:s31+$0xFA00];
	[tilespmem:s0+$0x15F90] =	vst v6;
	v1 =	vmul.f32 $8.000000000e+00, v1  }
0x1b2: {  	v6 =	vld [tilespmem:s31+$0xFA10];
	[tilespmem:s0+$0x15FA0] =	vst v0;
	v2 =	vmul.f32 $8.000000000e+00, v2  }
0x1b3: {  	v0 =	vld [tilespmem:s31+$0xFA20];
	[tilespmem:s0+$0x15FB0] =	vst v1;
	v3 =	vmul.f32 $8.000000000e+00, v3  }
0x1b4: {  	v1 =	vld [tilespmem:s31+$0xFA30];
	[tilespmem:s0+$0x15FC0] =	vst v2;
	v4 =	vmul.f32 $8.000000000e+00, v4  }
0x1b5: {  	v2 =	vld [tilespmem:s31+$0xFA40];
	[tilespmem:s0+$0x15FD0] =	vst v3;
	v7 =	vmul.f32 $8.000000000e+00, v7  }
0x1b6: {  	v3 =	vld [tilespmem:s31+$0xFA50];
	[tilespmem:s0+$0x15FE0] =	vst v4;
	v32 =	vmul.f32 $8.000000000e+00, v5  }
0x1b7: {  	v33 =	vld [tilespmem:s31+$0xFA60];
	[tilespmem:s31+$0x15FF0] =	vst v7;
	v6 =	vmul.f32 $8.000000000e+00, v6  }
0x1b8: {  	v34 =	vld [tilespmem:s31+$0xFA70];
	[tilespmem:s31+$0x15E00] =	vst v32;
	v0 =	vmul.f32 $8.000000000e+00, v0  }
0x1b9: {  	v35 =	vld [tilespmem:s31+$0xFA80];
	[tilespmem:s31+$0x15E10] =	vst v6;
	v1 =	vmul.f32 $8.000000000e+00, v1  }
0x1ba: {  	v36 =	vld [tilespmem:s31+$0xFA90];
	[tilespmem:s31+$0x15E20] =	vst v0;
	v2 =	vmul.f32 $8.000000000e+00, v2  }
0x1bb: {  	v37 =	vld [tilespmem:s31+$0xFAA0];
	[tilespmem:s31+$0x15E30] =	vst v1;
	v3 =	vmul.f32 $8.000000000e+00, v3  }
0x1bc: {  	v38 =	vld [tilespmem:s31+$0xFAB0];
	[tilespmem:s31+$0x15E40] =	vst v2;
	v5 =	vmul.f32 $8.000000000e+00, v33  }
0x1bd: {  	v52 =	vld [tilespmem:s31+$0xFB90];
	v4 =	vmul.f32 $8.000000000e+00, v34;
	[tilespmem:s31+$0x15E50] =	vst v3  }
0x1be: {  	v53 =	vld [tilespmem:s31+$0xFBA0];
	v6 =	vmul.f32 $8.000000000e+00, v35;
	[tilespmem:s31+$0x15E60] =	vst v5  }
0x1bf: {  	v54 =	vld [tilespmem:s31+$0xFBB0];
	v0 =	vmul.f32 $8.000000000e+00, v36;
	[tilespmem:s31+$0x15E70] =	vst v4  }
0x1c0: {  	v55 =	vld [tilespmem:s31+$0xFBC0];
	v1 =	vmul.f32 $8.000000000e+00, v37;
	[tilespmem:s31+$0x15E80] =	vst v6  }
0x1c1: {  	v56 =	vld [tilespmem:s31+$0xFBD0];
	v2 =	vmul.f32 $8.000000000e+00, v38;
	[tilespmem:s31+$0x15E90] =	vst v0  }
0x1c2: {  	v58 =	vld [tilespmem:s31+$0xFBE0];
	v57 =	vmul.f32 $8.000000000e+00, v52;
	[tilespmem:s31+$0x15EA0] =	vst v1  }
0x1c3: {  	v39 =	vld [tilespmem:s31+$0xFAC0];
	v59 =	vmul.f32 $8.000000000e+00, v53;
	[tilespmem:s31+$0x15EB0] =	vst v2  }
0x1c4: {  	v40 =	vld [tilespmem:s31+$0xFAD0];
	v60 =	vmul.f32 $8.000000000e+00, v54;
	[tilespmem:s31+$0x15F90] =	vst v57  }
0x1c5: {  	v41 =	vld [tilespmem:s31+$0xFAE0];
	v61 =	vmul.f32 $8.000000000e+00, v55;
	[tilespmem:s31+$0x15FA0] =	vst v59  }
0x1c6: {  	v42 =	vld [tilespmem:s31+$0xFAF0];
	v62 =	vmul.f32 $8.000000000e+00, v56;
	[tilespmem:s31+$0x15FB0] =	vst v60  }
0x1c7: {  	v43 =	vld [tilespmem:s31+$0xFB00];
	v63 =	vmul.f32 $8.000000000e+00, v58;
	[tilespmem:s31+$0x15FC0] =	vst v61  }
0x1c8: {  	v44 =	vld [tilespmem:s31+$0xFB10];
	v3 =	vmul.f32 $8.000000000e+00, v39;
	[tilespmem:s31+$0x15FD0] =	vst v62  }
0x1c9: {  	v45 =	vld [tilespmem:s31+$0xFB20];
	v5 =	vmul.f32 $8.000000000e+00, v40;
	[tilespmem:s31+$0x15FE0] =	vst v63  }
0x1ca: {  	v46 =	vld [tilespmem:s31+$0xFB30];
	v4 =	vmul.f32 $8.000000000e+00, v41;
	[tilespmem:s31+$0x15EC0] =	vst v3  }
0x1cb: {  	v47 =	vld [tilespmem:s31+$0xFB40];
	v6 =	vmul.f32 $8.000000000e+00, v42;
	[tilespmem:s31+$0x15ED0] =	vst v5  }
0x1cc: {  	v48 =	vld [tilespmem:s31+$0xFB50];
	v0 =	vmul.f32 $8.000000000e+00, v43;
	[tilespmem:s31+$0x15EE0] =	vst v4  }
0x1cd: {  	v49 =	vld [tilespmem:s31+$0xFB60];
	v1 =	vmul.f32 $8.000000000e+00, v44;
	[tilespmem:s31+$0x15EF0] =	vst v6  }
0x1ce: {  	v50 =	vld [tilespmem:s31+$0xFB70];
	v2 =	vmul.f32 $8.000000000e+00, v45;
	[tilespmem:s31+$0x15F00] =	vst v0  }
0x1cf: {  	v51 =	vld [tilespmem:s31+$0xFB80];
	v3 =	vmul.f32 $8.000000000e+00, v46;
	[tilespmem:s31+$0x15F10] =	vst v1  }
0x1d0: {  	[tilespmem:s31+$0x15F20] =	vst v2;
	v5 =	vmul.f32 $8.000000000e+00, v47  }
0x1d1: {  	v4 =	vmul.f32 $8.000000000e+00, v48;
	[tilespmem:s31+$0x15F30] =	vst v3  }
0x1d2: {  	v6 =	vmul.f32 $8.000000000e+00, v49;
	[tilespmem:s31+$0x15F40] =	vst v5  }
0x1d3: {  	v0 =	vmul.f32 $8.000000000e+00, v50;
	[tilespmem:s31+$0x15F50] =	vst v4  }
0x1d4: {  	v1 =	vmul.f32 $8.000000000e+00, v51;
	[tilespmem:s31+$0x15F60] =	vst v6  }
0x1d5: {  	s29 =	sor.u32 $0x3, s29;
	s1 =	sadd.s32 @!p0 $0x578, s30;
	s10 =	simm.s32 @!p0 $0xC8;
	[tilespmem:s31+$0x15F70] =	vst v0  }
0x1d6: {  	s28 =	sadd.s32 $0x1, s28;
	s0 =	sadd.s32 s3, s29;
	s29 =	simm.s32 @!p0 $0xFA00;
	[tilespmem:s31+$0x15F80] =	vst v1  }
0x1d7: {  	[tilespmem:s29], [sflag:$0x4] =	stream.indirect.gather @!p0 [hbm4b:s4+s10], $0x40, s1, s10, $0xb8;
	[tilespmem:$0x19000] =	vst v63  }
0x1d8: {  	p0 =	sne.s32 s28, $0x20  }
.Ltmp4:
0x1d9: {  	_ = 	snop;
	(pc) =	sbr.rel @p0 .LBB2_2-.Ltmp4, $3  }
0x1da: {  	s0 =	smul.u32 $0xC80, s0;
	_ =	sdelay $0x1  }
0x1db: {  	s0 =	sadd.s32 s5, s0  }
0x1dc: {  	[hbm4b:s0+s17] =	stream.strided.scatter [tilespmem:s21], [sflag:$0x6], $0x3200, s18, s17, $0x38;
	[tilespmem:$0x19000] =	vst v63  }
0x1dd: {  	s26 =	sadd.s32 $0x1, s26  }
0x1de: {  	_ =	swait.ge [sflag:s23], $0x3200;
	p0 =	sne.s32 s26, s7  }
.Ltmp5:
0x1df: {  	[sflag:s23] =	ssyncset.done $0x0;
	(pc) =	sbr.rel @p0 .LBB2_1-.Ltmp5, $4  }
0x1e0: {  	[sflag:s23] =	ssyncadd.s32 $0xFFFFCE00  }
0x1e1: {  	_ =	swait.ge [sflag:s25], $0x3200  }
0x1e2: {  	[sflag:s25] =	ssyncset.done $0x0  }
0x1e3: {  	[sflag:s25] =	ssyncadd.s32 $0xFFFFCE00  }
0x1e4: {  	_ =	sfence.sel $0x180000  }
0x1e5: {  	[bflag:$0x0] =	sbarrier.arrive $0xFFFF  }
0x1e6: {  	_ =	strace $0x90000047  }
0x1e7: {  	s0 =	stileid.u32;
	[bflag:$0x2] =	sbarrier.arrive $0xFFFF  }
0x1e8: {  	p0 =	sne.s32 s0, $0x0;
	s0 =	rddreg [dreg:$0x2]  }
0x1e9: {  	s0 =	sadd.s32 @!p0 $0x100000, s0  }
0x1ea: {  	[sflag:s0] =	ssyncadd.tile.s32 @!p0 $0x1;
	_ =	shalt  }
.Lfunc_end2:
_tile_overlayer_lowered:
.L_overlay_start_2:
0x1eb: {  	(tag) =	ssettag $0x2  }
0x1ec: {  	s0 =	rddreg [dreg:$0x0];
	s2 =	stileid.u32  }
0x1ed: {  	s1 =	rddreg [dreg:$0x1];
	p0 =	sne.s32 s2, $0x0  }
0x1ee: {  	s3 =	rddreg [dreg:$0x2];
	[bflag:$0x3] =	sbarrier.arrive $0xFFFF;
	s2 =	simm.s32 @!p0 $0x1C07  }
0x1ef: {  	[timem:s3], [sflag:s2] =	dma.local @!p0 [hbm:s0], s1  }
0x1f0: {  	s0 =	simm.s32 @!p0 $0x7  }
0x1f1: {  	_ =	swait.ge @!p0 [sflag:s0], s1  }
0x1f2: {  	s1 =	ssub.s32 @!p0 $0x0, s1;
	[sflag:s0] =	ssyncset.done @!p0 $0x0  }
0x1f3: {  	[sflag:s0] =	ssyncadd.s32 @!p0 s1  }
0x1f4: {  	[bflag:$0x3] =	sbarrier.arrive $0xFFFF  }
0x1f5: {  	_ =	shalt  }

// kernel: sparse-core-data-format-call.cloned.1.call-start
scs
called_computation_lowered:
.L_overlay_start_0:
0x0: {  	s2 =	sld [smem:$0x3FD9]  }
0x1: {  	s3 =	sld [smem:$0x3FFE];
	_ =	sdelay $0x1  }
0x2: {  	s1 =	srdreg.scid  }
0x3: {  	s0 =	sand.u32 $0x1, s1  }
0x4: {  	s18 =	sshll.u32 s0, $0xA;
	s2 =	sadd.s32 s3, s2  }
0x5: {  	s2 =	sadd.s32 s2, s18  }
0x6: {  	[smem:$0x3FC6] =	sst s2  }
0x7: {  	_ = 	snop  }
0x8: {  	s2 =	sld [smem:$0x3FD0];
	(tm) =	ssettm $0x1  }
0x9: {  	s19 =	sld [smem:$0x3FFB];
	_ =	sdelay $0x3  }
0xa: {  	_ =	strace s19  }
0xb: {  	s3 =	sld [smem:$0x3FFC];
	_ =	sdelay $0x3  }
0xc: {  	_ =	strace s3  }
0xd: {  	s3 =	sld [smem:$0x3FFD];
	_ =	sdelay $0x3  }
0xe: {  	_ =	strace s3  }
0xf: {  	_ =	strace $0x8FFFFFFF  }
0x10: {  	s20 =	sld [smem:$0x3FDB];
	_ =	sdelay $0x1  }
0x11: {  	s4 =	simm.s32 $_scs_section_size  }
0x12: {  	s5 =	simm.s32 $_size__tile_overlayer_lowered;
	s6 =	simm.s32 $_tile_overlayer_lowered  }
0x13: {  	s23 =	simm.s32 $0x1BFF;
	s22 =	sshll.u32 s6, $0x1;
	s3 =	sadd.s32 s4, s20  }
0x14: {  	s7 =	simm.s32 $0x0;
	s21 =	sshll.u32 s5, $0x1;
	s5 =	sadd.s32 s22, s3  }
0x15: {  	[timem:s7], [sflag:s23] =	dma.local [hbm:s5], s21  }
0x16: {  	_ =	swait.ge [sflag:s23], s21  }
0x17: {  	s4 =	ssub.s32 $0x0, s21;
	[sflag:s23] =	ssyncset.done $0x0  }
0x18: {  	[sflag:s23] =	ssyncadd.s32 s4;
	_ =	sdelay $0x1  }
0x19: {  	s24 =	simm.s32 $0x1B8B  }
0x1a: {  	_ =	swait.ge [sflag:s24], $0x1  }
0x1b: {  	[sflag:s24] =	ssyncset.done $0x0  }
0x1c: {  	s26 =	simm.s32 $0x1B8E;
	s25 =	sld [smem:$0x3FFE];
	[sflag:s24] =	ssyncadd.s32 $0xFFFFFFFF  }
0x1d: {  	s27 =	simm.s32 $execute0_lowered;
	[smem:$0x3FD2] =	sst s26  }
0x1e: {  	s5 =	sshll.u32 s27, $0x1;
	_ =	strace $0x80000049;
	[dreg:$0x1] =	wrdreg $0xFFFFFFFF  }
0x1f: {  	s28 =	simm.s32 $_size_execute0_lowered;
	s3 =	sadd.s32 s3, s5;
	[dreg:$0x0] =	wrdreg $0x0  }
0x20: {  	s5 =	sshll.u32 s28, $0x1;
	[dreg:$0x2] =	wrdreg s3  }
0x21: {  	[dreg:$0x3] =	wrdreg s5  }
0x22: {  	[dreg:$0x4] =	wrdreg $0xC0  }
0x23: {  	_ =	task [dreg:s7], $0x5FFFF  }
0x24: {  	[dreg:$0x1] =	wrdreg $0xFFFFFFFF  }
0x25: {  	[dreg:$0x0] =	wrdreg $0x60  }
0x26: {  	[dreg:$0x2] =	wrdreg s25  }
0x27: {  	[dreg:$0x3] =	wrdreg s2  }
0x28: {  	[dreg:$0x4] =	wrdreg $0x9  }
0x29: {  	_ =	task.clear_ibuf [dreg:s7], $0x5FFFF;
	_ =	strace $0x90000049  }
0x2a: {  	s29 =	simm.s32 $0x9;
	_ =	strace $0x8000004B  }
0x2b: {  	_ =	swait.ge [sflag:s29], $0x1  }
0x2c: {  	[sflag:s29] =	ssyncadd.s32 $0xFFFFFFFF  }
0x2d: {  	_ =	strace $0x9000004B  }
0x2e: {  	_ =	sfence  }
0x2f: {  	s30 =	sld [smem:$0x0];
	_ =	sdelay $0x2  }
0x30: {  	s31 =	sshll.u32 s1, $0xD;
	s1 =	sshrl.u32 s1, $0x2  }
0x31: {  	s3 =	sand.u32 $0x4000, s31;
	s1 =	sadd.s32 s1, s30  }
0x32: {  	s0 =	sor.u32 s3, s0;
	s1 =	sshll.u32 s1, $0x11  }
0x33: {  	s0 =	sor.u32 s1, s0  }
0x34: {  	s0 =	sadd.s32 $0x8F2B, s0  }
0x35: {  	[sflag:s0] =	ssyncadd.remote.s32 $0x1  }
0x36: {  	_ =	sfence.sel $0xFFFF  }
0x37: {  	[dreg:$0x0] =	wrdreg $0xFFFFFFFF;
	(pc) =	sbr.abs _section_cstart, $3  }
0x38: {  	[dreg:$0x1] =	wrdreg $0xFFFFFFFF  }
0x39: {  	_ =	task.clear_ibuf [dreg:s7], $0x2FFFF;
	_ =	strace $0x9FFFFFFF  }
0x3a: {  	(tm) =	ssettm $0x7FFFFFFF  }
0x3b: {  	_ =	shalt  }
tec
execute0_lowered:
.L_overlay_start_1:
0x0: {  	(tag) =	ssettag $0x1  }
0x1: {  	s0 =	srdreg.scid  }
0x2: {  	s1 =	sshll.u32 s0, $0x4  }
0x3: {  	s0 =	stileid.u32;
	s1 =	sand.u32 $0x10, s1  }
0x4: {  	s1 =	sor.u32 s0, s1  }
0x5: {  	s6 =	rddreg [dreg:$0x0];
	s4 =	simm.s32 $0x1;
	s2 =	sshll.u32 s1, $0x7  }
0x6: {  	s7 =	simm.s32 $0x2;
	s12 =	simm.s32 $0x0;
	s1 =	ssub.s32 $0x1000, s2  }
0x7: {  	s8 =	simm.s32 $0x8000;
	s13 =	simm.s32 $0x0;
	s3 =	sand.u32 $0xF80, s1  }
0x8: {  	s9 =	simm.s32 $0x0;
	s5 =	sshrl.u32 s1, $0xC;
	p0 =	sne.s32 s3, $0x0  }
.Ltmp0:
0x9: {  	s1 =	rddreg [dreg:$0x2];
	s4 =	simm.s32 @!p0 $0x0;
	(pc) =	sbr.rel .LBB1_1-.Ltmp0, $4  }
0xa: {  	s11 =	simm.s32 $0x0;
	s3 =	rddreg [dreg:$0x1];
	s5 =	sadd.s32 s4, s5  }
0xb: {  	_ =	strace $0x8000004A;
	s4 =	simm.s32 $0x1;
	s5 =	smul.u32 $0xC8, s5  }
0xc: {  	s6 =	sadd.s32 $0xA00, s6;
	s10 =	smov.u32 s2;
	[sflag:s4] =	ssyncpa.u1 $0x0  }
0xd: {  	p0 =	por $0x0, $0x0;
	[sflag:s7] =	ssyncpa.u1 $0x0;
	s7 =	sor.u32 $0x1, s5  }
.LBB1_4:
0xe: {  	s16 =	sshll.u32 s13, $0x3;
	s17 =	sand.u32 $0x78, s13  }
0xf: {  	s30 =	sand.u32 $0x7E00, s13;
	s12 =	sshll.u32 s12, $0xF;
	s16 =	sand.u32 $0xC00, s16  }
0x10: {  	[tilespmem:s15+$0x810 ss:$0x81] =	vst.msk $0xffff, v2;
	s31 =	sand.u32 $0x7, s13;
	s16 =	sor.u32 s17, s16;
	s17 =	sadd.s32 s3, s30  }
0x11: {  	[tilespmem:s15+$0x1020 ss:$0x81] =	vst.msk $0xffff, v0;
	s13 =	sshll.u32 s31, $0x12;
	s12 =	sadd.s32 s12, s17;
	s16 =	sshrl.u32 s16, $0x3  }
0x12: {  	[tilespmem:s15+$0x0 ss:$0x81] =	vst.msk $0xffff, v1;
	s13 =	sor.u32 $0x400, s13;
	s12 =	sadd.s32 s16, s12  }
0x13: {  	[hbm4b:s12+s13] =	stream.strided.scatter [tilespmem:s14], [sflag:$0x2], $0x2000, s8, s13, $0x20;
	[tilespmem:$0x8080] =	vst v63  }
.LBB1_5:
0x14: {  	s14 =	sadd.s32 $0x1, s9  }
0x15: {  	s12 =	sadd.s32 $0x1000, s10;
	s16 =	smov.u32 s10;
	p2 =	sgt.s32 s14, $0xC7  }
0x16: {  	s16 =	smov.u32 @p2 s12  }
0x17: {  	s14 =	simm.s32 @p2 $0x0;
	p2 =	sgt.s32 s16, $0xFFF  }
0x18: {  	s16 =	smov.u32 @p2 s2;
	p2 =	sne.s32 s11, s7  }
.Ltmp1:
0x19: {  	p1 =	slt.u32 s11, $0x2;
	(pc) =	sbr.rel @!p2 .LBB1_6-.Ltmp1, $4  }
0x1a: {  	s15 =	simm.s32 @!p1 $0x2  }
0x1b: {  	s13 =	smov.u32 s10;
	p0 =	por !p0, !p0;
	_ =	swait.ge @!p1 [sflag:s15], $0x2000  }
0x1c: {  	s12 =	smov.u32 s9;
	[sflag:s15] =	ssyncset.done @!p1 $0x0;
	s9 =	smov.u32 s14  }
0x1d: {  	s11 =	sadd.s32 $0x1, s11;
	[sflag:s15] =	ssyncadd.s32 @!p1 $0xFFFFE000;
	s10 =	smov.u32 s16  }
.LBB1_1:
0x1e: {  	p1 =	sge.u32 s11, s5  }
0x1f: {  	s14 =	sand.u32 @!p1 $0x1FFFFFF, s9  }
0x20: {  	s15 =	smulhi.u32 @!p1 $0x147AE15, s14;
	_ =	sdelay $0x1  }
0x21: {  	s15 =	smul.u32 @!p1 $0xC8, s15  }
0x22: {  	s16 =	sxor.u32 @!p1 $0xFFFFFFFF, s11;
	s17 =	smul.u32 @!p1 $0xC80, s10  }
0x23: {  	s31 =	sadd.s32 $0xFFFFFFFF, s11;
	s16 =	sshll.u32 @!p1 s16, $0xD;
	s14 =	ssub.s32 @!p1 s14, s15  }
0x24: {  	s15 =	sand.u32 @!p1 $0x2000, s16;
	s16 =	sadd.s32 @!p1 s6, s17;
	s14 =	sshll.u32 @!p1 s14, $0x4  }
0x25: {  	s17 =	simm.s32 @!p1 $0x6400;
	s14 =	sadd.s32 @!p1 s14, s16;
	s16 =	simm.s32 @!p1 $0x40  }
0x26: {  	[tilespmem:s15], [sflag:$0x1] =	stream.strided.gather @!p1 [hbm4b:s14+s16], $0x2000, s17, s16, $0x38;
	[tilespmem:$0x8080] =	vst v63  }
0x27: {  	p1 =	sge.u32 s31, s5  }
.Ltmp2:
0x28: {  	_ = 	snop;
	(pc) =	sbr.rel @p1 .LBB1_5-.Ltmp2, $1  }
0x29: {  	_ =	sdelay $0x3  }
0x2a: {  	s14 =	simm.s32 $0x1  }
0x2b: {  	_ =	swait.ge [sflag:s4], $0x2000;
	s14 =	simm.s32 @!p0 $0x0  }
0x2c: {  	[sflag:s4] =	ssyncset.done $0x0;
	s15 =	sshll.u32 s14, $0xD  }
0x2d: {  	[sflag:s4] =	ssyncadd.s32 $0xFFFFE000;
	s18 =	sor.u32 $0x20, s15  }
0x2e: {  	s14 =	smul.u32 $0x8100, s14;
	v3 =	vld [tilespmem:s18+$0x10]  }
0x2f: {  	s30 =	sand.u32 $0x1, s11;
	v2 =	vld [tilespmem:s18+$0xFFFFFFF0]  }
0x30: {  	s15 =	smul.u32 $0x8100, s30;
	s14 =	sshrl.u32 s14, $0x2;
	v0 =	vld [tilespmem:s18+$0x0]  }
0x31: {  	v1 =	vld [tilespmem:s18+$0xFFFFFFE0];
	s16 =	sor.u32 $0x4000, s14  }
0x32: {  	s31 =	sshrl.u32 s15, $0x2;
	s15 =	sadd.s32 $0x0, s16  }
0x33: {  	s17 =	simm.s32 $0x4;
	s18 =	sadd.s32 $0x40, s18;
	s14 =	sor.u32 $0x4000, s31;
	[tilespmem:s15+$0x1830 ss:$0x81] =	vst.msk $0xffff, v3  }
.LBB1_3:
0x34: {  	v3 =	vld [tilespmem:s18+$0x10];
	p1 =	sne.s32 s17, $0x1FC;
	[tilespmem:s15+$0x810 ss:$0x81] =	vst.msk $0xffff, v2;
	s19 =	smov.u32 s17;
	s17 =	sadd.s32 $0x4, s17  }
.Ltmp3:
0x35: {  	v2 =	vld [tilespmem:s18+$0xFFFFFFF0];
	[tilespmem:s15+$0x1020 ss:$0x81] =	vst.msk $0xffff, v0;
	(pc) =	sbr.rel @p1 .LBB1_3-.Ltmp3, $4  }
0x36: {  	v0 =	vld [tilespmem:s18+$0x0];
	[tilespmem:s15+$0x0 ss:$0x81] =	vst.msk $0xffff, v1  }
0x37: {  	s15 =	sshra.s32 s19, $0x2;
	v1 =	vld [tilespmem:s18+$0xFFFFFFE0]  }
0x38: {  	s15 =	sadd.s32 s15, s16  }
0x39: {  	s18 =	sadd.s32 $0x40, s18;
	[tilespmem:s15+$0x1830 ss:$0x81] =	vst.msk $0xffff, v3  }
.Ltmp4:
0x3a: {  	_ = 	snop;
	(pc) =	sbr.rel .LBB1_4-.Ltmp4, $1  }
0x3b: {  	_ =	sdelay $0x3  }
.LBB1_6:
0x3c: {  	_ =	sfence.sel $0x180000  }
0x3d: {  	s2 =	simm.s32 $0x1;
	[bflag:$0x0] =	sbarrier.arrive $0xFFFF  }
0x3e: {  	s31 =	simm.s32 $0x2;
	[sflag:s2] =	ssyncpa.u1 $0x1  }
0x3f: {  	[sflag:s31] =	ssyncpa.u1 $0x1  }
0x40: {  	p0 =	sne.s32 s0, $0x0;
	_ =	strace $0x9000004A  }
0x41: {  	s0 =	sadd.s32 @!p0 $0x100000, s1;
	[bflag:$0x2] =	sbarrier.arrive $0xFFFF  }
0x42: {  	[sflag:s0] =	ssyncadd.tile.s32 @!p0 $0x1;
	_ =	shalt  }
.Lfunc_end1:
_tile_overlayer_lowered:
.L_overlay_start_2:
0x43: {  	(tag) =	ssettag $0x2  }
0x44: {  	s0 =	rddreg [dreg:$0x0];
	s2 =	stileid.u32  }
0x45: {  	s1 =	rddreg [dreg:$0x1];
	p0 =	sne.s32 s2, $0x0  }
0x46: {  	s3 =	rddreg [dreg:$0x2];
	[bflag:$0x3] =	sbarrier.arrive $0xFFFF;
	s2 =	simm.s32 @!p0 $0x1C01  }
0x47: {  	[timem:s3], [sflag:s2] =	dma.local @!p0 [hbm:s0], s1  }
0x48: {  	s0 =	simm.s32 @!p0 $0x1  }
0x49: {  	_ =	swait.ge @!p0 [sflag:s0], s1  }
0x4a: {  	s1 =	ssub.s32 @!p0 $0x0, s1;
	[sflag:s0] =	ssyncset.done @!p0 $0x0  }
0x4b: {  	[sflag:s0] =	ssyncadd.s32 @!p0 s1  }
0x4c: {  	[bflag:$0x3] =	sbarrier.arrive $0xFFFF  }
0x4d: {  	_ =	shalt  }

</sc_bundles>
